<compile_context>
chip_gen: v7x
topology: tpu7x:2x2x1
jax: 0.10.2.dev20260603
libtpu: 0.0.44.dev20260713+nightly
codegen_flags: <defaults>
</compile_context>

<pallas_src>
import functools

import jax
import jax.numpy as jnp
from jax import lax
from jax.experimental import pallas as pl
from jax.experimental.pallas import tpu as pltpu
from jax.experimental.pallas import tpu_sc as plsc

NC = 2
NS = 16
CH = 80



def _sc_embed(embed_w, xi_pad, P, D):
  rpt = P // (NC * NS)
  nch = rpt // CH
  assert rpt % CH == 0
  mesh = plsc.VectorSubcoreMesh(core_axis_name="c", subcore_axis_name="s")

  @functools.partial(
      pl.kernel,
      out_type=jax.ShapeDtypeStruct((P, D), jnp.float32),
      mesh=mesh,
      scratch_types=[
          pltpu.VMEM((CH,), jnp.int32),
          pltpu.VMEM((CH, D), jnp.float32),
          pltpu.SemaphoreType.DMA,
      ],
  )
  def k(emb, xi, out, ibuf, rows, sem):
    w = lax.axis_index("s") * NC + lax.axis_index("c")
    base = w * rpt
    for j in range(nch):
      off = pl.multiple_of(base + j * CH, 8)
      pltpu.sync_copy(xi.at[pl.ds(off, CH)], ibuf)
      pltpu.async_copy(emb.at[ibuf], rows, sem).wait()
      pltpu.sync_copy(rows, out.at[pl.ds(off, CH)])

  return k(embed_w, xi_pad)


def _sc_scatter(m, src, dst, zrows_h, P, D):
  E = src.shape[0]
  ept = E // (NC * NS)
  iters = ept // CH
  assert ept % CH == 0
  rpt = P // NS
  mesh = plsc.VectorSubcoreMesh(core_axis_name="c", subcore_axis_name="s")

  @functools.partial(
      pl.kernel,
      out_type=jax.ShapeDtypeStruct((NC * P, D), jnp.float32),
      mesh=mesh,
      scratch_types=[
          pltpu.VMEM((CH,), jnp.int32),
          pltpu.VMEM((CH,), jnp.int32),
          pltpu.VMEM((CH, D), jnp.float32),
          pltpu.VMEM((CH, D), jnp.float32),
          pltpu.SemaphoreType.DMA,
          pltpu.VMEM_SHARED((P, D), jnp.float32),
      ],
  )
  def k(m_h, src_h, dst_h, z_h, out_h, sbuf, dbuf, rows, zrows, sem, agg):
    c = lax.axis_index("c")
    s = lax.axis_index("s")
    w = s * NC + c
    pltpu.sync_copy(z_h, zrows)
    for j in range(rpt // CH):
      zoff = pl.multiple_of(s * rpt + j * CH, 8)
      pltpu.sync_copy(zrows, agg.at[pl.ds(zoff, CH)])
    plsc.subcore_barrier()

    base = w * ept

    def body(i, carry):
      off = pl.multiple_of(base + i * CH, 8)
      pltpu.sync_copy(src_h.at[pl.ds(off, CH)], sbuf)
      pltpu.sync_copy(dst_h.at[pl.ds(off, CH)], dbuf)
      pltpu.async_copy(m_h.at[sbuf], rows, sem).wait()
      pltpu.sync_copy(rows, agg.at[dbuf], add=True)
      return carry

    lax.fori_loop(0, iters, body, 0)
    plsc.subcore_barrier()
    ooff = pl.multiple_of(c * P + s * rpt, 8)
    soff = pl.multiple_of(s * rpt, 8)
    pltpu.sync_copy(agg.at[pl.ds(soff, rpt)], out_h.at[pl.ds(ooff, rpt)])

  return k(m, src, dst, zrows_h)



def _tc_m0(h, w0, P, D, BN):
  def body(h_ref, w_ref, o_ref):
    o_ref[...] = jnp.dot(h_ref[...], w_ref[...],
                         preferred_element_type=jnp.float32)

  return pl.pallas_call(
      body,
      grid=(P // BN,),
      in_specs=[
          pl.BlockSpec((BN, D), lambda j: (j, 0)),
          pl.BlockSpec((D, D), lambda j: (0, 0)),
      ],
      out_specs=pl.BlockSpec((BN, D), lambda j: (j, 0)),
      out_shape=jax.ShapeDtypeStruct((P, D), jnp.float32),
  )(h, w0)


def _tc_step(part, h, w_ih, w_hh, b_ih, b_hh, w_next, P, D, BN):
  def body(p_ref, h_ref, wih_ref, whh_ref, bih_ref, bhh_ref, wn_ref,
           hn_ref, mn_ref):
    agg = p_ref[0] + p_ref[1]
    h = h_ref[...]
    gi = lax.dot_general(agg, wih_ref[...], (((1,), (1,)), ((), ())),
                         preferred_element_type=jnp.float32) + bih_ref[...]
    gh = lax.dot_general(h, whh_ref[...], (((1,), (1,)), ((), ())),
                         preferred_element_type=jnp.float32) + bhh_ref[...]
    r = jax.nn.sigmoid(gi[:, :D] + gh[:, :D])
    z = jax.nn.sigmoid(gi[:, D:2 * D] + gh[:, D:2 * D])
    n = jnp.tanh(gi[:, 2 * D:] + r * gh[:, 2 * D:])
    hn = (1.0 - z) * n + z * h
    hn_ref[...] = hn
    mn_ref[...] = jnp.dot(hn, wn_ref[...], preferred_element_type=jnp.float32)

  return pl.pallas_call(
      body,
      grid=(P // BN,),
      in_specs=[
          pl.BlockSpec((NC, BN, D), lambda j: (0, j, 0)),
          pl.BlockSpec((BN, D), lambda j: (j, 0)),
          pl.BlockSpec((3 * D, D), lambda j: (0, 0)),
          pl.BlockSpec((3 * D, D), lambda j: (0, 0)),
          pl.BlockSpec((1, 3 * D), lambda j: (0, 0)),
          pl.BlockSpec((1, 3 * D), lambda j: (0, 0)),
          pl.BlockSpec((D, D), lambda j: (0, 0)),
      ],
      out_specs=[
          pl.BlockSpec((BN, D), lambda j: (j, 0)),
          pl.BlockSpec((BN, D), lambda j: (j, 0)),
      ],
      out_shape=[
          jax.ShapeDtypeStruct((P, D), jnp.float32),
          jax.ShapeDtypeStruct((P, D), jnp.float32),
      ],
  )(part, h, w_ih, w_hh, b_ih, b_hh, w_next)


def _tc_pool_lstm(h, gate_w, gate_b, lstm_w_ih, lstm_b, P, D, BN, N, LSTM):
  G = P // BN

  def body(h_ref, gw_ref, gb_ref, lw_ref, lb_ref, o_ref, sv, s1):
    j = pl.program_id(0)
    h = h_ref[...]
    g = jnp.sum(h * gw_ref[...], axis=1, keepdims=True) + gb_ref[0, 0]
    g = jax.nn.sigmoid(g)
    row = j * BN + lax.broadcasted_iota(jnp.int32, (BN, 1), 0)
    w = jnp.where(row < N, jnp.exp(g), 0.0)
    pv = lax.dot_general(w, h, (((0,), (0,)), ((), ())),
                         preferred_element_type=jnp.float32)
    ps = jnp.sum(w)

    @pl.when(j == 0)
    def _():
      sv[...] = jnp.zeros_like(sv)
      s1[...] = jnp.zeros_like(s1)

    sv[...] += pv
    s1[...] += ps

    @pl.when(j == G - 1)
    def _():
      hg = sv[...] / s1[0, 0]
      gates = lax.dot_general(hg, lw_ref[...], (((1,), (1,)), ((), ())),
                              preferred_element_type=jnp.float32) + lb_ref[...]
      i_t = jax.nn.sigmoid(gates[:, :LSTM])
      g_t = jnp.tanh(gates[:, 2 * LSTM:3 * LSTM])
      o_t = jax.nn.sigmoid(gates[:, 3 * LSTM:])
      c_t = i_t * g_t
      o_ref[...] = o_t * jnp.tanh(c_t)

  return pl.pallas_call(
      body,
      grid=(G,),
      in_specs=[
          pl.BlockSpec((BN, D), lambda j: (j, 0)),
          pl.BlockSpec((1, D), lambda j: (0, 0)),
          pl.BlockSpec((1, 1), lambda j: (0, 0)),
          pl.BlockSpec((4 * LSTM, D), lambda j: (0, 0)),
          pl.BlockSpec((1, 4 * LSTM), lambda j: (0, 0)),
      ],
      out_specs=pl.BlockSpec((1, LSTM), lambda j: (0, 0)),
      out_shape=jax.ShapeDtypeStruct((1, LSTM), jnp.float32),
      scratch_shapes=[
          pltpu.VMEM((1, D), jnp.float32),
          pltpu.VMEM((1, 1), jnp.float32),
      ],
  )(h, gate_w, gate_b, lstm_w_ih, lstm_b)


def _tc_dense(ht, dense_w, dense_b, LSTM, V, BV):
  def body(x_ref, w_ref, b_ref, o_ref):
    o_ref[...] = lax.dot_general(
        x_ref[...], w_ref[...], (((1,), (1,)), ((), ())),
        preferred_element_type=jnp.float32) + b_ref[...]

  return pl.pallas_call(
      body,
      grid=(pl.cdiv(V, BV),),
      in_specs=[
          pl.BlockSpec((1, LSTM), lambda j: (0, 0)),
          pl.BlockSpec((BV, LSTM), lambda j: (j, 0)),
          pl.BlockSpec((1, BV), lambda j: (0, j)),
      ],
      out_specs=pl.BlockSpec((1, BV), lambda j: (0, j)),
      out_shape=jax.ShapeDtypeStruct((1, V), jnp.float32),
  )(ht, dense_w, dense_b)



def kernel(x, edge_index, edge_attr, embed_w, edge_embed_w, ggnn_weight,
           gru_w_ih, gru_w_hh, gru_b_ih, gru_b_hh, gate_w, gate_b,
           lstm_w_ih, lstm_w_hh, lstm_b_ih, lstm_b_hh, dense_w, dense_b):
  N, _ = x.shape
  E = edge_index.shape[1]
  D = embed_w.shape[1]
  L = ggnn_weight.shape[0]
  LSTM = lstm_w_hh.shape[1]
  V = dense_w.shape[0]

  TILES = NC * NS
  P = ((N + TILES * CH - 1) // (TILES * CH)) * (TILES * CH)
  BN = P // 8
  EP = ((E + TILES * CH - 1) // (TILES * CH)) * (TILES * CH)

  xi = jnp.pad(x[:, 0], (0, P - N), mode="edge")
  src = edge_index[0]
  dst = edge_index[1]
  if EP != E:
    src = jnp.pad(src, (0, EP - E))
    dst = jnp.pad(dst, (0, EP - E), constant_values=P - 1)
  zrows = jnp.zeros((CH, D), jnp.float32)
  b_ih = gru_b_ih.reshape(1, 3 * D)
  b_hh = gru_b_hh.reshape(1, 3 * D)
  gb = gate_b.reshape(1, 1)
  lb = (lstm_b_ih + lstm_b_hh).reshape(1, 4 * LSTM)
  db = dense_b.reshape(1, V)

  h = _sc_embed(embed_w, xi, P, D)
  m = _tc_m0(h, ggnn_weight[0], P, D, BN)
  for i in range(L):
    part = _sc_scatter(m, src, dst, zrows, P, D)
    part = part.reshape(NC, P, D)
    h, m = _tc_step(part, h, gru_w_ih, gru_w_hh, b_ih, b_hh,
                    ggnn_weight[(i + 1) % L], P, D, BN)
  ht = _tc_pool_lstm(h, gate_w, gb, lstm_w_ih, lb, P, D, BN, N, LSTM)
  logits = _tc_dense(ht, dense_w, db, LSTM, V, 2048)
  return logits[:, None, :]

# --- scband reference (transcript-rebuilt; emitter-appended) ---
"""Pipeline reference for scband-ggnnrnn-66254165508932 (READ-ONLY COPY).

The authoritative reference and input builder live on the scoring server;
editing this copy changes nothing except your own understanding.
"""

import jax, jax.numpy as jnp
import numpy as np

N = 10000
E = 320000
D = 128
L = 4
VOCAB = 50000
EDGE_VOCAB = 20
NVOCAB = 10000
LSTM = 256


def setup_inputs(seed: int = 0) -> dict:
    key = jax.random.key(seed)
    ks = jax.random.split(key, 20)
    x = jax.random.randint(ks[0], (N, 1), 0, VOCAB, dtype=jnp.int32)
    edge_index = jax.random.randint(ks[1], (2, E), 0, N, dtype=jnp.int32)
    edge_attr = jax.random.randint(ks[2], (E, 1), 0, EDGE_VOCAB, dtype=jnp.int32)
    s = 0.02
    embed_w = jax.random.normal(ks[3], (VOCAB, D), dtype=jnp.float32) * s
    edge_embed_w = jax.random.normal(ks[4], (EDGE_VOCAB, D), dtype=jnp.float32) * s
    ggnn_weight = jax.random.normal(ks[5], (L, D, D), dtype=jnp.float32) * (1.0 / np.sqrt(D))
    gru_w_ih = jax.random.normal(ks[6], (3 * D, D), dtype=jnp.float32) * (1.0 / np.sqrt(D))
    gru_w_hh = jax.random.normal(ks[7], (3 * D, D), dtype=jnp.float32) * (1.0 / np.sqrt(D))
    gru_b_ih = jnp.zeros((3 * D,), dtype=jnp.float32)
    gru_b_hh = jnp.zeros((3 * D,), dtype=jnp.float32)
    gate_w = jax.random.normal(ks[8], (1, D), dtype=jnp.float32) * (1.0 / np.sqrt(D))
    gate_b = jnp.zeros((1,), dtype=jnp.float32)
    lstm_w_ih = jax.random.normal(ks[9], (4 * LSTM, D), dtype=jnp.float32) * (1.0 / np.sqrt(LSTM))
    lstm_w_hh = jax.random.normal(ks[10], (4 * LSTM, LSTM), dtype=jnp.float32) * (1.0 / np.sqrt(LSTM))
    lstm_b_ih = jnp.zeros((4 * LSTM,), dtype=jnp.float32)
    lstm_b_hh = jnp.zeros((4 * LSTM,), dtype=jnp.float32)
    dense_w = jax.random.normal(ks[11], (NVOCAB, LSTM), dtype=jnp.float32) * (1.0 / np.sqrt(LSTM))
    dense_b = jnp.zeros((NVOCAB,), dtype=jnp.float32)
    return {
        'x': x, 'edge_index': edge_index, 'edge_attr': edge_attr,
        'embed_w': embed_w, 'edge_embed_w': edge_embed_w,
        'ggnn_weight': ggnn_weight,
        'gru_w_ih': gru_w_ih, 'gru_w_hh': gru_w_hh, 'gru_b_ih': gru_b_ih, 'gru_b_hh': gru_b_hh,
        'gate_w': gate_w, 'gate_b': gate_b,
        'lstm_w_ih': lstm_w_ih, 'lstm_w_hh': lstm_w_hh, 'lstm_b_ih': lstm_b_ih, 'lstm_b_hh': lstm_b_hh,
        'dense_w': dense_w, 'dense_b': dense_b,
    }


def reference(x, edge_index, edge_attr, embed_w, edge_embed_w, ggnn_weight,
              gru_w_ih, gru_w_hh, gru_b_ih, gru_b_hh, gate_w, gate_b,
              lstm_w_ih, lstm_w_hh, lstm_b_ih, lstm_b_hh, dense_w, dense_b):
    # node embedding lookup + squeeze(1)
    h = jnp.take(embed_w, x[:, 0], axis=0)  # [N, D]
    # edge embedding is computed in the original forward but never fed to ggnnlayer
    edge_weight = jnp.take(edge_embed_w, edge_attr[:, 0], axis=0)  # [E, D] (unused)
    src = edge_index[0]
    dst = edge_index[1]
    # GatedGraphConv: L steps of (linear -> scatter-add message passing -> GRUCell)
    for i in range(L):
        m = h @ ggnn_weight[i]  # [N, D]
        agg = jnp.zeros_like(h).at[dst].add(jnp.take(m, src, axis=0))  # [N, D]
        gi = agg @ gru_w_ih.T + gru_b_ih
        gh = h @ gru_w_hh.T + gru_b_hh
        i_r, i_z, i_n = jnp.split(gi, 3, axis=1)
        h_r, h_z, h_n = jnp.split(gh, 3, axis=1)
        r = jax.nn.sigmoid(i_r + h_r)
        z = jax.nn.sigmoid(i_z + h_z)
        n = jnp.tanh(i_n + r * h_n)
        h = (1.0 - z) * n + z * h
    # GlobalAttention pooling (single graph: batch = zeros)
    gate = jax.nn.sigmoid(h @ gate_w.T + gate_b)  # [N, 1]
    alpha = jax.nn.softmax(gate, axis=0)
    hg = jnp.sum(alpha * h, axis=0, keepdims=True)  # [1, D]
    hg = hg[None, :, :]  # [1, 1, D] (unsqueeze(0))
    # single-step LSTM with zero initial state
    xt = hg[:, 0, :]  # [1, D]
    h0 = jnp.zeros((1, LSTM), dtype=jnp.float32)
    c0 = jnp.zeros((1, LSTM), dtype=jnp.float32)
    gates = xt @ lstm_w_ih.T + lstm_b_ih + h0 @ lstm_w_hh.T + lstm_b_hh
    ig, fg, gg, og = jnp.split(gates, 4, axis=1)
    i_t = jax.nn.sigmoid(ig)
    f_t = jax.nn.sigmoid(fg)
    g_t = jnp.tanh(gg)
    o_t = jax.nn.sigmoid(og)
    c_t = f_t * c0 + i_t * g_t
    h_t = o_t * jnp.tanh(c_t)
    output = h_t[:, None, :]  # [1, 1, LSTM]
    logits = output @ dense_w.T + dense_b  # [1, 1, NVOCAB]
    return logits

if __name__ == "__main__":
    import jax
    _d = setup_inputs()
    print(jax.jit(kernel)(*tuple(_d.values())))

</pallas_src>

<mosaic_0001>
#map = affine_map<(d0, d1) -> (0, 0)>
#map1 = affine_map<(d0, d1) -> (0)>
module attributes {stable_mosaic.version = 14 : i64} {
  func.func @k(%arg0: i32, %arg1: i32, %arg2: memref<10240x128xf32, #tpu.memory_space<hbm>>, %arg3: memref<320000xi32, #tpu.memory_space<hbm>>, %arg4: memref<320000xi32, #tpu.memory_space<hbm>>, %arg5: memref<80x128xf32, #tpu.memory_space<hbm>>, %arg6: memref<20480x128xf32, #tpu.memory_space<hbm>>, %arg7: memref<80xi32, #tpu.memory_space<vmem>>, %arg8: memref<80xi32, #tpu.memory_space<vmem>>, %arg9: memref<80x128xf32, #tpu.memory_space<vmem>>, %arg10: memref<80x128xf32, #tpu.memory_space<vmem>>, %arg11: memref<!tpu.dma_semaphore, #tpu.memory_space<semaphore_mem>>, %arg12: memref<10240x128xf32, #tpu.memory_space<vmem_shared>>) attributes {dimension_semantics = [#tpu.dimension_semantics<core_parallel>, #tpu.dimension_semantics<subcore_parallel>], iteration_bounds = array<i64: 2, 16>, scalar_prefetch = 0 : i64, scratch_operands = 6 : i64, tpu.core_type = #tpu.core_type<sc_vector_subcore>, window_params = [{transform_indices = #map}, {transform_indices = #map1}, {transform_indices = #map1}, {transform_indices = #map}, {transform_indices = #map}]} {
    %mul3A = arith.constant 2 : i32
    %mul3A_0 = arith.muli %arg1, %mul3A : i32
    %add3A = arith.addi %mul3A_0, %arg0 : i32
    "tpu.region"() ({
      %run_scoped3A = tpu.sem_alloc : memref<!tpu.dma_semaphore, #tpu.memory_space<semaphore_mem>>
      tpu.enqueue_dma source(%arg5 : memref<80x128xf32, #tpu.memory_space<hbm>>) target(%arg10 : memref<80x128xf32, #tpu.memory_space<vmem>>) target_semaphore(%run_scoped3A : memref<!tpu.dma_semaphore, #tpu.memory_space<semaphore_mem>>)
      tpu.wait_dma2 semaphore(%run_scoped3A : memref<!tpu.dma_semaphore, #tpu.memory_space<semaphore_mem>>) src(%arg5 : memref<80x128xf32, #tpu.memory_space<hbm>>) dst(%arg10 : memref<80x128xf32, #tpu.memory_space<vmem>>)
      tpu.yield
    }) : () -> ()
    %mul3A_1 = arith.constant 640 : i32
    %mul3A_2 = arith.muli %arg1, %mul3A_1 : i32
    %add3A_3 = arith.constant 0 : i32
    %add3A_4 = arith.addi %mul3A_2, %add3A_3 : i32
    %multiple_of3A = tpu.assume_multiple %add3A_4, 8 : i32
    "tpu.region"() ({
      %run_scoped3A = tpu.sem_alloc : memref<!tpu.dma_semaphore, #tpu.memory_space<semaphore_mem>>
      %dma_start3A = arith.constant 0 : i32
      %dma_start3A_57 = tpu.memref_slice %arg12[%multiple_of3A, %dma_start3A] : memref<10240x128xf32, #tpu.memory_space<vmem_shared>> -> memref<80x128xf32, #tpu.memory_space<vmem_shared>>
      %dma_start3A_58 = arith.constant 0 : i32
      %dma_start3A_59 = tpu.memref_slice %arg12[%multiple_of3A, %dma_start3A_58] : memref<10240x128xf32, #tpu.memory_space<vmem_shared>> -> memref<80x128xf32, #tpu.memory_space<vmem_shared>>
      tpu.enqueue_dma source(%arg10 : memref<80x128xf32, #tpu.memory_space<vmem>>) target(%dma_start3A_59 : memref<80x128xf32, #tpu.memory_space<vmem_shared>>) target_semaphore(%run_scoped3A : memref<!tpu.dma_semaphore, #tpu.memory_space<semaphore_mem>>)
      %dma_wait3A = arith.constant 0 : i32
      %dma_wait3A_60 = tpu.memref_slice %arg12[%multiple_of3A, %dma_wait3A] : memref<10240x128xf32, #tpu.memory_space<vmem_shared>> -> memref<80x128xf32, #tpu.memory_space<vmem_shared>>
      %dma_wait3A_61 = arith.constant 0 : i32
      %dma_wait3A_62 = tpu.memref_slice %arg12[%multiple_of3A, %dma_wait3A_61] : memref<10240x128xf32, #tpu.memory_space<vmem_shared>> -> memref<80x128xf32, #tpu.memory_space<vmem_shared>>
      tpu.wait_dma2 semaphore(%run_scoped3A : memref<!tpu.dma_semaphore, #tpu.memory_space<semaphore_mem>>) src(%arg10 : memref<80x128xf32, #tpu.memory_space<vmem>>) dst(%dma_wait3A_62 : memref<80x128xf32, #tpu.memory_space<vmem_shared>>)
      tpu.yield
    }) : () -> ()
    %mul3A_5 = arith.constant 640 : i32
    %mul3A_6 = arith.muli %arg1, %mul3A_5 : i32
    %add3A_7 = arith.constant 80 : i32
    %add3A_8 = arith.addi %mul3A_6, %add3A_7 : i32
    %multiple_of3A_9 = tpu.assume_multiple %add3A_8, 8 : i32
    "tpu.region"() ({
      %run_scoped3A = tpu.sem_alloc : memref<!tpu.dma_semaphore, #tpu.memory_space<semaphore_mem>>
      %dma_start3A = arith.constant 0 : i32
      %dma_start3A_57 = tpu.memref_slice %arg12[%multiple_of3A_9, %dma_start3A] : memref<10240x128xf32, #tpu.memory_space<vmem_shared>> -> memref<80x128xf32, #tpu.memory_space<vmem_shared>>
      %dma_start3A_58 = arith.constant 0 : i32
      %dma_start3A_59 = tpu.memref_slice %arg12[%multiple_of3A_9, %dma_start3A_58] : memref<10240x128xf32, #tpu.memory_space<vmem_shared>> -> memref<80x128xf32, #tpu.memory_space<vmem_shared>>
      tpu.enqueue_dma source(%arg10 : memref<80x128xf32, #tpu.memory_space<vmem>>) target(%dma_start3A_59 : memref<80x128xf32, #tpu.memory_space<vmem_shared>>) target_semaphore(%run_scoped3A : memref<!tpu.dma_semaphore, #tpu.memory_space<semaphore_mem>>)
      %dma_wait3A = arith.constant 0 : i32
      %dma_wait3A_60 = tpu.memref_slice %arg12[%multiple_of3A_9, %dma_wait3A] : memref<10240x128xf32, #tpu.memory_space<vmem_shared>> -> memref<80x128xf32, #tpu.memory_space<vmem_shared>>
      %dma_wait3A_61 = arith.constant 0 : i32
      %dma_wait3A_62 = tpu.memref_slice %arg12[%multiple_of3A_9, %dma_wait3A_61] : memref<10240x128xf32, #tpu.memory_space<vmem_shared>> -> memref<80x128xf32, #tpu.memory_space<vmem_shared>>
      tpu.wait_dma2 semaphore(%run_scoped3A : memref<!tpu.dma_semaphore, #tpu.memory_space<semaphore_mem>>) src(%arg10 : memref<80x128xf32, #tpu.memory_space<vmem>>) dst(%dma_wait3A_62 : memref<80x128xf32, #tpu.memory_space<vmem_shared>>)
      tpu.yield
    }) : () -> ()
    %mul3A_10 = arith.constant 640 : i32
    %mul3A_11 = arith.muli %arg1, %mul3A_10 : i32
    %add3A_12 = arith.constant 160 : i32
    %add3A_13 = arith.addi %mul3A_11, %add3A_12 : i32
    %multiple_of3A_14 = tpu.assume_multiple %add3A_13, 8 : i32
    "tpu.region"() ({
      %run_scoped3A = tpu.sem_alloc : memref<!tpu.dma_semaphore, #tpu.memory_space<semaphore_mem>>
      %dma_start3A = arith.constant 0 : i32
      %dma_start3A_57 = tpu.memref_slice %arg12[%multiple_of3A_14, %dma_start3A] : memref<10240x128xf32, #tpu.memory_space<vmem_shared>> -> memref<80x128xf32, #tpu.memory_space<vmem_shared>>
      %dma_start3A_58 = arith.constant 0 : i32
      %dma_start3A_59 = tpu.memref_slice %arg12[%multiple_of3A_14, %dma_start3A_58] : memref<10240x128xf32, #tpu.memory_space<vmem_shared>> -> memref<80x128xf32, #tpu.memory_space<vmem_shared>>
      tpu.enqueue_dma source(%arg10 : memref<80x128xf32, #tpu.memory_space<vmem>>) target(%dma_start3A_59 : memref<80x128xf32, #tpu.memory_space<vmem_shared>>) target_semaphore(%run_scoped3A : memref<!tpu.dma_semaphore, #tpu.memory_space<semaphore_mem>>)
      %dma_wait3A = arith.constant 0 : i32
      %dma_wait3A_60 = tpu.memref_slice %arg12[%multiple_of3A_14, %dma_wait3A] : memref<10240x128xf32, #tpu.memory_space<vmem_shared>> -> memref<80x128xf32, #tpu.memory_space<vmem_shared>>
      %dma_wait3A_61 = arith.constant 0 : i32
      %dma_wait3A_62 = tpu.memref_slice %arg12[%multiple_of3A_14, %dma_wait3A_61] : memref<10240x128xf32, #tpu.memory_space<vmem_shared>> -> memref<80x128xf32, #tpu.memory_space<vmem_shared>>
      tpu.wait_dma2 semaphore(%run_scoped3A : memref<!tpu.dma_semaphore, #tpu.memory_space<semaphore_mem>>) src(%arg10 : memref<80x128xf32, #tpu.memory_space<vmem>>) dst(%dma_wait3A_62 : memref<80x128xf32, #tpu.memory_space<vmem_shared>>)
      tpu.yield
    }) : () -> ()
    %mul3A_15 = arith.constant 640 : i32
    %mul3A_16 = arith.muli %arg1, %mul3A_15 : i32
    %add3A_17 = arith.constant 240 : i32
    %add3A_18 = arith.addi %mul3A_16, %add3A_17 : i32
    %multiple_of3A_19 = tpu.assume_multiple %add3A_18, 8 : i32
    "tpu.region"() ({
      %run_scoped3A = tpu.sem_alloc : memref<!tpu.dma_semaphore, #tpu.memory_space<semaphore_mem>>
      %dma_start3A = arith.constant 0 : i32
      %dma_start3A_57 = tpu.memref_slice %arg12[%multiple_of3A_19, %dma_start3A] : memref<10240x128xf32, #tpu.memory_space<vmem_shared>> -> memref<80x128xf32, #tpu.memory_space<vmem_shared>>
      %dma_start3A_58 = arith.constant 0 : i32
      %dma_start3A_59 = tpu.memref_slice %arg12[%multiple_of3A_19, %dma_start3A_58] : memref<10240x128xf32, #tpu.memory_space<vmem_shared>> -> memref<80x128xf32, #tpu.memory_space<vmem_shared>>
      tpu.enqueue_dma source(%arg10 : memref<80x128xf32, #tpu.memory_space<vmem>>) target(%dma_start3A_59 : memref<80x128xf32, #tpu.memory_space<vmem_shared>>) target_semaphore(%run_scoped3A : memref<!tpu.dma_semaphore, #tpu.memory_space<semaphore_mem>>)
      %dma_wait3A = arith.constant 0 : i32
      %dma_wait3A_60 = tpu.memref_slice %arg12[%multiple_of3A_19, %dma_wait3A] : memref<10240x128xf32, #tpu.memory_space<vmem_shared>> -> memref<80x128xf32, #tpu.memory_space<vmem_shared>>
      %dma_wait3A_61 = arith.constant 0 : i32
      %dma_wait3A_62 = tpu.memref_slice %arg12[%multiple_of3A_19, %dma_wait3A_61] : memref<10240x128xf32, #tpu.memory_space<vmem_shared>> -> memref<80x128xf32, #tpu.memory_space<vmem_shared>>
      tpu.wait_dma2 semaphore(%run_scoped3A : memref<!tpu.dma_semaphore, #tpu.memory_space<semaphore_mem>>) src(%arg10 : memref<80x128xf32, #tpu.memory_space<vmem>>) dst(%dma_wait3A_62 : memref<80x128xf32, #tpu.memory_space<vmem_shared>>)
      tpu.yield
    }) : () -> ()
    %mul3A_20 = arith.constant 640 : i32
    %mul3A_21 = arith.muli %arg1, %mul3A_20 : i32
    %add3A_22 = arith.constant 320 : i32
    %add3A_23 = arith.addi %mul3A_21, %add3A_22 : i32
    %multiple_of3A_24 = tpu.assume_multiple %add3A_23, 8 : i32
    "tpu.region"() ({
      %run_scoped3A = tpu.sem_alloc : memref<!tpu.dma_semaphore, #tpu.memory_space<semaphore_mem>>
      %dma_start3A = arith.constant 0 : i32
      %dma_start3A_57 = tpu.memref_slice %arg12[%multiple_of3A_24, %dma_start3A] : memref<10240x128xf32, #tpu.memory_space<vmem_shared>> -> memref<80x128xf32, #tpu.memory_space<vmem_shared>>
      %dma_start3A_58 = arith.constant 0 : i32
      %dma_start3A_59 = tpu.memref_slice %arg12[%multiple_of3A_24, %dma_start3A_58] : memref<10240x128xf32, #tpu.memory_space<vmem_shared>> -> memref<80x128xf32, #tpu.memory_space<vmem_shared>>
      tpu.enqueue_dma source(%arg10 : memref<80x128xf32, #tpu.memory_space<vmem>>) target(%dma_start3A_59 : memref<80x128xf32, #tpu.memory_space<vmem_shared>>) target_semaphore(%run_scoped3A : memref<!tpu.dma_semaphore, #tpu.memory_space<semaphore_mem>>)
      %dma_wait3A = arith.constant 0 : i32
      %dma_wait3A_60 = tpu.memref_slice %arg12[%multiple_of3A_24, %dma_wait3A] : memref<10240x128xf32, #tpu.memory_space<vmem_shared>> -> memref<80x128xf32, #tpu.memory_space<vmem_shared>>
      %dma_wait3A_61 = arith.constant 0 : i32
      %dma_wait3A_62 = tpu.memref_slice %arg12[%multiple_of3A_24, %dma_wait3A_61] : memref<10240x128xf32, #tpu.memory_space<vmem_shared>> -> memref<80x128xf32, #tpu.memory_space<vmem_shared>>
      tpu.wait_dma2 semaphore(%run_scoped3A : memref<!tpu.dma_semaphore, #tpu.memory_space<semaphore_mem>>) src(%arg10 : memref<80x128xf32, #tpu.memory_space<vmem>>) dst(%dma_wait3A_62 : memref<80x128xf32, #tpu.memory_space<vmem_shared>>)
      tpu.yield
    }) : () -> ()
    %mul3A_25 = arith.constant 640 : i32
    %mul3A_26 = arith.muli %arg1, %mul3A_25 : i32
    %add3A_27 = arith.constant 400 : i32
    %add3A_28 = arith.addi %mul3A_26, %add3A_27 : i32
    %multiple_of3A_29 = tpu.assume_multiple %add3A_28, 8 : i32
    "tpu.region"() ({
      %run_scoped3A = tpu.sem_alloc : memref<!tpu.dma_semaphore, #tpu.memory_space<semaphore_mem>>
      %dma_start3A = arith.constant 0 : i32
      %dma_start3A_57 = tpu.memref_slice %arg12[%multiple_of3A_29, %dma_start3A] : memref<10240x128xf32, #tpu.memory_space<vmem_shared>> -> memref<80x128xf32, #tpu.memory_space<vmem_shared>>
      %dma_start3A_58 = arith.constant 0 : i32
      %dma_start3A_59 = tpu.memref_slice %arg12[%multiple_of3A_29, %dma_start3A_58] : memref<10240x128xf32, #tpu.memory_space<vmem_shared>> -> memref<80x128xf32, #tpu.memory_space<vmem_shared>>
      tpu.enqueue_dma source(%arg10 : memref<80x128xf32, #tpu.memory_space<vmem>>) target(%dma_start3A_59 : memref<80x128xf32, #tpu.memory_space<vmem_shared>>) target_semaphore(%run_scoped3A : memref<!tpu.dma_semaphore, #tpu.memory_space<semaphore_mem>>)
      %dma_wait3A = arith.constant 0 : i32
      %dma_wait3A_60 = tpu.memref_slice %arg12[%multiple_of3A_29, %dma_wait3A] : memref<10240x128xf32, #tpu.memory_space<vmem_shared>> -> memref<80x128xf32, #tpu.memory_space<vmem_shared>>
      %dma_wait3A_61 = arith.constant 0 : i32
      %dma_wait3A_62 = tpu.memref_slice %arg12[%multiple_of3A_29, %dma_wait3A_61] : memref<10240x128xf32, #tpu.memory_space<vmem_shared>> -> memref<80x128xf32, #tpu.memory_space<vmem_shared>>
      tpu.wait_dma2 semaphore(%run_scoped3A : memref<!tpu.dma_semaphore, #tpu.memory_space<semaphore_mem>>) src(%arg10 : memref<80x128xf32, #tpu.memory_space<vmem>>) dst(%dma_wait3A_62 : memref<80x128xf32, #tpu.memory_space<vmem_shared>>)
      tpu.yield
    }) : () -> ()
    %mul3A_30 = arith.constant 640 : i32
    %mul3A_31 = arith.muli %arg1, %mul3A_30 : i32
    %add3A_32 = arith.constant 480 : i32
    %add3A_33 = arith.addi %mul3A_31, %add3A_32 : i32
    %multiple_of3A_34 = tpu.assume_multiple %add3A_33, 8 : i32
    "tpu.region"() ({
      %run_scoped3A = tpu.sem_alloc : memref<!tpu.dma_semaphore, #tpu.memory_space<semaphore_mem>>
      %dma_start3A = arith.constant 0 : i32
      %dma_start3A_57 = tpu.memref_slice %arg12[%multiple_of3A_34, %dma_start3A] : memref<10240x128xf32, #tpu.memory_space<vmem_shared>> -> memref<80x128xf32, #tpu.memory_space<vmem_shared>>
      %dma_start3A_58 = arith.constant 0 : i32
      %dma_start3A_59 = tpu.memref_slice %arg12[%multiple_of3A_34, %dma_start3A_58] : memref<10240x128xf32, #tpu.memory_space<vmem_shared>> -> memref<80x128xf32, #tpu.memory_space<vmem_shared>>
      tpu.enqueue_dma source(%arg10 : memref<80x128xf32, #tpu.memory_space<vmem>>) target(%dma_start3A_59 : memref<80x128xf32, #tpu.memory_space<vmem_shared>>) target_semaphore(%run_scoped3A : memref<!tpu.dma_semaphore, #tpu.memory_space<semaphore_mem>>)
      %dma_wait3A = arith.constant 0 : i32
      %dma_wait3A_60 = tpu.memref_slice %arg12[%multiple_of3A_34, %dma_wait3A] : memref<10240x128xf32, #tpu.memory_space<vmem_shared>> -> memref<80x128xf32, #tpu.memory_space<vmem_shared>>
      %dma_wait3A_61 = arith.constant 0 : i32
      %dma_wait3A_62 = tpu.memref_slice %arg12[%multiple_of3A_34, %dma_wait3A_61] : memref<10240x128xf32, #tpu.memory_space<vmem_shared>> -> memref<80x128xf32, #tpu.memory_space<vmem_shared>>
      tpu.wait_dma2 semaphore(%run_scoped3A : memref<!tpu.dma_semaphore, #tpu.memory_space<semaphore_mem>>) src(%arg10 : memref<80x128xf32, #tpu.memory_space<vmem>>) dst(%dma_wait3A_62 : memref<80x128xf32, #tpu.memory_space<vmem_shared>>)
      tpu.yield
    }) : () -> ()
    %mul3A_35 = arith.constant 640 : i32
    %mul3A_36 = arith.muli %arg1, %mul3A_35 : i32
    %add3A_37 = arith.constant 560 : i32
    %add3A_38 = arith.addi %mul3A_36, %add3A_37 : i32
    %multiple_of3A_39 = tpu.assume_multiple %add3A_38, 8 : i32
    "tpu.region"() ({
      %run_scoped3A = tpu.sem_alloc : memref<!tpu.dma_semaphore, #tpu.memory_space<semaphore_mem>>
      %dma_start3A = arith.constant 0 : i32
      %dma_start3A_57 = tpu.memref_slice %arg12[%multiple_of3A_39, %dma_start3A] : memref<10240x128xf32, #tpu.memory_space<vmem_shared>> -> memref<80x128xf32, #tpu.memory_space<vmem_shared>>
      %dma_start3A_58 = arith.constant 0 : i32
      %dma_start3A_59 = tpu.memref_slice %arg12[%multiple_of3A_39, %dma_start3A_58] : memref<10240x128xf32, #tpu.memory_space<vmem_shared>> -> memref<80x128xf32, #tpu.memory_space<vmem_shared>>
      tpu.enqueue_dma source(%arg10 : memref<80x128xf32, #tpu.memory_space<vmem>>) target(%dma_start3A_59 : memref<80x128xf32, #tpu.memory_space<vmem_shared>>) target_semaphore(%run_scoped3A : memref<!tpu.dma_semaphore, #tpu.memory_space<semaphore_mem>>)
      %dma_wait3A = arith.constant 0 : i32
      %dma_wait3A_60 = tpu.memref_slice %arg12[%multiple_of3A_39, %dma_wait3A] : memref<10240x128xf32, #tpu.memory_space<vmem_shared>> -> memref<80x128xf32, #tpu.memory_space<vmem_shared>>
      %dma_wait3A_61 = arith.constant 0 : i32
      %dma_wait3A_62 = tpu.memref_slice %arg12[%multiple_of3A_39, %dma_wait3A_61] : memref<10240x128xf32, #tpu.memory_space<vmem_shared>> -> memref<80x128xf32, #tpu.memory_space<vmem_shared>>
      tpu.wait_dma2 semaphore(%run_scoped3A : memref<!tpu.dma_semaphore, #tpu.memory_space<semaphore_mem>>) src(%arg10 : memref<80x128xf32, #tpu.memory_space<vmem>>) dst(%dma_wait3A_62 : memref<80x128xf32, #tpu.memory_space<vmem_shared>>)
      tpu.yield
    }) : () -> ()
    %barrier3A = arith.constant 0 : index
    tpu.barrier barrier_id(%barrier3A)
    %mul3A_40 = arith.constant 10000 : i32
    %mul3A_41 = arith.muli %add3A, %mul3A_40 : i32
    %scan3A = arith.constant 0 : i32
    %scan3A_42 = arith.constant 0 : i32
    %scan3A_43 = arith.constant 125 : i32
    %scan3A_44 = arith.addi %scan3A_42, %scan3A_43 : i32
    %scan3A_45 = arith.constant 1 : i32
    scf.for %scan3A_57 = %scan3A_42 to %scan3A_44 step %scan3A_45  : i32 {
      %mul3A_58 = arith.constant 80 : i32
      %mul3A_59 = arith.muli %scan3A_57, %mul3A_58 : i32
      %add3A_60 = arith.addi %mul3A_41, %mul3A_59 : i32
      %multiple_of3A_61 = tpu.assume_multiple %add3A_60, 8 : i32
      "tpu.region"() ({
        %run_scoped3A = tpu.sem_alloc : memref<!tpu.dma_semaphore, #tpu.memory_space<semaphore_mem>>
        %dma_start3A_66 = tpu.memref_slice %arg3[%multiple_of3A_61] : memref<320000xi32, #tpu.memory_space<hbm>> -> memref<80xi32, #tpu.memory_space<hbm>>
        %dma_start3A_67 = tpu.memref_slice %arg3[%multiple_of3A_61] : memref<320000xi32, #tpu.memory_space<hbm>> -> memref<80xi32, #tpu.memory_space<hbm>>
        tpu.enqueue_dma source(%dma_start3A_67 : memref<80xi32, #tpu.memory_space<hbm>>) target(%arg7 : memref<80xi32, #tpu.memory_space<vmem>>) target_semaphore(%run_scoped3A : memref<!tpu.dma_semaphore, #tpu.memory_space<semaphore_mem>>)
        %dma_wait3A_68 = tpu.memref_slice %arg3[%multiple_of3A_61] : memref<320000xi32, #tpu.memory_space<hbm>> -> memref<80xi32, #tpu.memory_space<hbm>>
        %dma_wait3A_69 = tpu.memref_slice %arg3[%multiple_of3A_61] : memref<320000xi32, #tpu.memory_space<hbm>> -> memref<80xi32, #tpu.memory_space<hbm>>
        tpu.wait_dma2 semaphore(%run_scoped3A : memref<!tpu.dma_semaphore, #tpu.memory_space<semaphore_mem>>) src(%dma_wait3A_69 : memref<80xi32, #tpu.memory_space<hbm>>) dst(%arg7 : memref<80xi32, #tpu.memory_space<vmem>>)
        tpu.yield
      }) : () -> ()
      "tpu.region"() ({
        %run_scoped3A = tpu.sem_alloc : memref<!tpu.dma_semaphore, #tpu.memory_space<semaphore_mem>>
        %dma_start3A_66 = tpu.memref_slice %arg4[%multiple_of3A_61] : memref<320000xi32, #tpu.memory_space<hbm>> -> memref<80xi32, #tpu.memory_space<hbm>>
        %dma_start3A_67 = tpu.memref_slice %arg4[%multiple_of3A_61] : memref<320000xi32, #tpu.memory_space<hbm>> -> memref<80xi32, #tpu.memory_space<hbm>>
        tpu.enqueue_dma source(%dma_start3A_67 : memref<80xi32, #tpu.memory_space<hbm>>) target(%arg8 : memref<80xi32, #tpu.memory_space<vmem>>) target_semaphore(%run_scoped3A : memref<!tpu.dma_semaphore, #tpu.memory_space<semaphore_mem>>)
        %dma_wait3A_68 = tpu.memref_slice %arg4[%multiple_of3A_61] : memref<320000xi32, #tpu.memory_space<hbm>> -> memref<80xi32, #tpu.memory_space<hbm>>
        %dma_wait3A_69 = tpu.memref_slice %arg4[%multiple_of3A_61] : memref<320000xi32, #tpu.memory_space<hbm>> -> memref<80xi32, #tpu.memory_space<hbm>>
        tpu.wait_dma2 semaphore(%run_scoped3A : memref<!tpu.dma_semaphore, #tpu.memory_space<semaphore_mem>>) src(%dma_wait3A_69 : memref<80xi32, #tpu.memory_space<hbm>>) dst(%arg8 : memref<80xi32, #tpu.memory_space<vmem>>)
        tpu.yield
      }) : () -> ()
      %dma_start3A = arith.constant 0 : i32
      %dma_start3A_62 = arith.constant 0 : i32
      %dma_start3A_63 = tpu.memref_slice %arg2[%dma_start3A, %dma_start3A_62] : memref<10240x128xf32, #tpu.memory_space<hbm>> -> memref<10240x128xf32, #tpu.memory_space<hbm>>
      tpu.enqueue_indirect_dma source(%dma_start3A_63 : memref<10240x128xf32, #tpu.memory_space<hbm>>) target(%arg9 : memref<80x128xf32, #tpu.memory_space<vmem>>) offsets(%arg7 : memref<80xi32, #tpu.memory_space<vmem>>) semaphore(%arg11 : memref<!tpu.dma_semaphore, #tpu.memory_space<semaphore_mem>>)
      %dma_wait3A = arith.constant 0 : i32
      %dma_wait3A_64 = arith.constant 0 : i32
      %dma_wait3A_65 = tpu.memref_slice %arg2[%dma_wait3A, %dma_wait3A_64] : memref<10240x128xf32, #tpu.memory_space<hbm>> -> memref<10240x128xf32, #tpu.memory_space<hbm>>
      tpu.wait_indirect_dma semaphore(%arg11 : memref<!tpu.dma_semaphore, #tpu.memory_space<semaphore_mem>>) src(%dma_wait3A_65 : memref<10240x128xf32, #tpu.memory_space<hbm>>) dst(%arg9 : memref<80x128xf32, #tpu.memory_space<vmem>>)
      "tpu.region"() ({
        %run_scoped3A = tpu.sem_alloc : memref<!tpu.dma_semaphore, #tpu.memory_space<semaphore_mem>>
        %dma_start3A_66 = arith.constant 0 : i32
        %dma_start3A_67 = arith.constant 0 : i32
        %dma_start3A_68 = tpu.memref_slice %arg12[%dma_start3A_66, %dma_start3A_67] : memref<10240x128xf32, #tpu.memory_space<vmem_shared>> -> memref<10240x128xf32, #tpu.memory_space<vmem_shared>>
        tpu.enqueue_indirect_dma source(%arg9 : memref<80x128xf32, #tpu.memory_space<vmem>>) target(%dma_start3A_68 : memref<10240x128xf32, #tpu.memory_space<vmem_shared>>) offsets(%arg8 : memref<80xi32, #tpu.memory_space<vmem>>) semaphore(%run_scoped3A : memref<!tpu.dma_semaphore, #tpu.memory_space<semaphore_mem>>) {add = true}
        %dma_wait3A_69 = arith.constant 0 : i32
        %dma_wait3A_70 = arith.constant 0 : i32
        %dma_wait3A_71 = tpu.memref_slice %arg12[%dma_wait3A_69, %dma_wait3A_70] : memref<10240x128xf32, #tpu.memory_space<vmem_shared>> -> memref<10240x128xf32, #tpu.memory_space<vmem_shared>>
        tpu.wait_indirect_dma semaphore(%run_scoped3A : memref<!tpu.dma_semaphore, #tpu.memory_space<semaphore_mem>>) src(%arg9 : memref<80x128xf32, #tpu.memory_space<vmem>>) dst(%dma_wait3A_71 : memref<10240x128xf32, #tpu.memory_space<vmem_shared>>)
        tpu.yield
      }) : () -> ()
    }
    %scan3A_46 = arith.constant 125 : i32
    %barrier3A_47 = arith.constant 0 : index
    tpu.barrier barrier_id(%barrier3A_47)
    %mul3A_48 = arith.constant 10240 : i32
    %mul3A_49 = arith.muli %arg0, %mul3A_48 : i32
    %mul3A_50 = arith.constant 640 : i32
    %mul3A_51 = arith.muli %arg1, %mul3A_50 : i32
    %add3A_52 = arith.addi %mul3A_49, %mul3A_51 : i32
    %multiple_of3A_53 = tpu.assume_multiple %add3A_52, 8 : i32
    %mul3A_54 = arith.constant 640 : i32
    %mul3A_55 = arith.muli %arg1, %mul3A_54 : i32
    %multiple_of3A_56 = tpu.assume_multiple %mul3A_55, 8 : i32
    "tpu.region"() ({
      %run_scoped3A = tpu.sem_alloc : memref<!tpu.dma_semaphore, #tpu.memory_space<semaphore_mem>>
      %dma_start3A = arith.constant 0 : i32
      %dma_start3A_57 = tpu.memref_slice %arg6[%multiple_of3A_53, %dma_start3A] : memref<20480x128xf32, #tpu.memory_space<hbm>> -> memref<640x128xf32, #tpu.memory_space<hbm>>
      %dma_start3A_58 = arith.constant 0 : i32
      %dma_start3A_59 = tpu.memref_slice %arg12[%multiple_of3A_56, %dma_start3A_58] : memref<10240x128xf32, #tpu.memory_space<vmem_shared>> -> memref<640x128xf32, #tpu.memory_space<vmem_shared>>
      tpu.enqueue_dma source(%dma_start3A_59 : memref<640x128xf32, #tpu.memory_space<vmem_shared>>) target(%dma_start3A_57 : memref<640x128xf32, #tpu.memory_space<hbm>>) target_semaphore(%run_scoped3A : memref<!tpu.dma_semaphore, #tpu.memory_space<semaphore_mem>>)
      %dma_wait3A = arith.constant 0 : i32
      %dma_wait3A_60 = tpu.memref_slice %arg6[%multiple_of3A_53, %dma_wait3A] : memref<20480x128xf32, #tpu.memory_space<hbm>> -> memref<640x128xf32, #tpu.memory_space<hbm>>
      %dma_wait3A_61 = arith.constant 0 : i32
      %dma_wait3A_62 = tpu.memref_slice %arg12[%multiple_of3A_56, %dma_wait3A_61] : memref<10240x128xf32, #tpu.memory_space<vmem_shared>> -> memref<640x128xf32, #tpu.memory_space<vmem_shared>>
      tpu.wait_dma2 semaphore(%run_scoped3A : memref<!tpu.dma_semaphore, #tpu.memory_space<semaphore_mem>>) src(%dma_wait3A_62 : memref<640x128xf32, #tpu.memory_space<vmem_shared>>) dst(%dma_wait3A_60 : memref<640x128xf32, #tpu.memory_space<hbm>>)
      tpu.yield
    }) : () -> ()
    return
  }
}

#map = affine_map<(d0, d1) -> (0, 0)>
#map1 = affine_map<(d0, d1) -> (0)>
module attributes {stable_mosaic.version = 14 : i64} {
  func.func @k(%arg0: i32, %arg1: i32, %arg2: memref<50000x128xf32, #tpu.memory_space<hbm>>, %arg3: memref<10240xi32, #tpu.memory_space<hbm>>, %arg4: memref<10240x128xf32, #tpu.memory_space<hbm>>, %arg5: memref<80xi32, #tpu.memory_space<vmem>>, %arg6: memref<80x128xf32, #tpu.memory_space<vmem>>, %arg7: memref<!tpu.dma_semaphore, #tpu.memory_space<semaphore_mem>>) attributes {dimension_semantics = [#tpu.dimension_semantics<core_parallel>, #tpu.dimension_semantics<subcore_parallel>], iteration_bounds = array<i64: 2, 16>, scalar_prefetch = 0 : i64, scratch_operands = 3 : i64, tpu.core_type = #tpu.core_type<sc_vector_subcore>, window_params = [{transform_indices = #map}, {transform_indices = #map1}, {transform_indices = #map}]} {
    %mul3A = arith.constant 2 : i32
    %mul3A_0 = arith.muli %arg1, %mul3A : i32
    %add3A = arith.addi %mul3A_0, %arg0 : i32
    %mul3A_1 = arith.constant 320 : i32
    %mul3A_2 = arith.muli %add3A, %mul3A_1 : i32
    %add3A_3 = arith.constant 0 : i32
    %add3A_4 = arith.addi %mul3A_2, %add3A_3 : i32
    %multiple_of3A = tpu.assume_multiple %add3A_4, 8 : i32
    "tpu.region"() ({
      %run_scoped3A = tpu.sem_alloc : memref<!tpu.dma_semaphore, #tpu.memory_space<semaphore_mem>>
      %dma_start3A_36 = tpu.memref_slice %arg3[%multiple_of3A] : memref<10240xi32, #tpu.memory_space<hbm>> -> memref<80xi32, #tpu.memory_space<hbm>>
      %dma_start3A_37 = tpu.memref_slice %arg3[%multiple_of3A] : memref<10240xi32, #tpu.memory_space<hbm>> -> memref<80xi32, #tpu.memory_space<hbm>>
      tpu.enqueue_dma source(%dma_start3A_37 : memref<80xi32, #tpu.memory_space<hbm>>) target(%arg5 : memref<80xi32, #tpu.memory_space<vmem>>) target_semaphore(%run_scoped3A : memref<!tpu.dma_semaphore, #tpu.memory_space<semaphore_mem>>)
      %dma_wait3A_38 = tpu.memref_slice %arg3[%multiple_of3A] : memref<10240xi32, #tpu.memory_space<hbm>> -> memref<80xi32, #tpu.memory_space<hbm>>
      %dma_wait3A_39 = tpu.memref_slice %arg3[%multiple_of3A] : memref<10240xi32, #tpu.memory_space<hbm>> -> memref<80xi32, #tpu.memory_space<hbm>>
      tpu.wait_dma2 semaphore(%run_scoped3A : memref<!tpu.dma_semaphore, #tpu.memory_space<semaphore_mem>>) src(%dma_wait3A_39 : memref<80xi32, #tpu.memory_space<hbm>>) dst(%arg5 : memref<80xi32, #tpu.memory_space<vmem>>)
      tpu.yield
    }) : () -> ()
    %dma_start3A = arith.constant 0 : i32
    %dma_start3A_5 = arith.constant 0 : i32
    %dma_start3A_6 = tpu.memref_slice %arg2[%dma_start3A, %dma_start3A_5] : memref<50000x128xf32, #tpu.memory_space<hbm>> -> memref<50000x128xf32, #tpu.memory_space<hbm>>
    tpu.enqueue_indirect_dma source(%dma_start3A_6 : memref<50000x128xf32, #tpu.memory_space<hbm>>) target(%arg6 : memref<80x128xf32, #tpu.memory_space<vmem>>) offsets(%arg5 : memref<80xi32, #tpu.memory_space<vmem>>) semaphore(%arg7 : memref<!tpu.dma_semaphore, #tpu.memory_space<semaphore_mem>>)
    %dma_wait3A = arith.constant 0 : i32
    %dma_wait3A_7 = arith.constant 0 : i32
    %dma_wait3A_8 = tpu.memref_slice %arg2[%dma_wait3A, %dma_wait3A_7] : memref<50000x128xf32, #tpu.memory_space<hbm>> -> memref<50000x128xf32, #tpu.memory_space<hbm>>
    tpu.wait_indirect_dma semaphore(%arg7 : memref<!tpu.dma_semaphore, #tpu.memory_space<semaphore_mem>>) src(%dma_wait3A_8 : memref<50000x128xf32, #tpu.memory_space<hbm>>) dst(%arg6 : memref<80x128xf32, #tpu.memory_space<vmem>>)
    "tpu.region"() ({
      %run_scoped3A = tpu.sem_alloc : memref<!tpu.dma_semaphore, #tpu.memory_space<semaphore_mem>>
      %dma_start3A_36 = arith.constant 0 : i32
      %dma_start3A_37 = tpu.memref_slice %arg4[%multiple_of3A, %dma_start3A_36] : memref<10240x128xf32, #tpu.memory_space<hbm>> -> memref<80x128xf32, #tpu.memory_space<hbm>>
      %dma_start3A_38 = arith.constant 0 : i32
      %dma_start3A_39 = tpu.memref_slice %arg4[%multiple_of3A, %dma_start3A_38] : memref<10240x128xf32, #tpu.memory_space<hbm>> -> memref<80x128xf32, #tpu.memory_space<hbm>>
      tpu.enqueue_dma source(%arg6 : memref<80x128xf32, #tpu.memory_space<vmem>>) target(%dma_start3A_39 : memref<80x128xf32, #tpu.memory_space<hbm>>) target_semaphore(%run_scoped3A : memref<!tpu.dma_semaphore, #tpu.memory_space<semaphore_mem>>)
      %dma_wait3A_40 = arith.constant 0 : i32
      %dma_wait3A_41 = tpu.memref_slice %arg4[%multiple_of3A, %dma_wait3A_40] : memref<10240x128xf32, #tpu.memory_space<hbm>> -> memref<80x128xf32, #tpu.memory_space<hbm>>
      %dma_wait3A_42 = arith.constant 0 : i32
      %dma_wait3A_43 = tpu.memref_slice %arg4[%multiple_of3A, %dma_wait3A_42] : memref<10240x128xf32, #tpu.memory_space<hbm>> -> memref<80x128xf32, #tpu.memory_space<hbm>>
      tpu.wait_dma2 semaphore(%run_scoped3A : memref<!tpu.dma_semaphore, #tpu.memory_space<semaphore_mem>>) src(%arg6 : memref<80x128xf32, #tpu.memory_space<vmem>>) dst(%dma_wait3A_43 : memref<80x128xf32, #tpu.memory_space<hbm>>)
      tpu.yield
    }) : () -> ()
    %add3A_9 = arith.constant 80 : i32
    %add3A_10 = arith.addi %mul3A_2, %add3A_9 : i32
    %multiple_of3A_11 = tpu.assume_multiple %add3A_10, 8 : i32
    "tpu.region"() ({
      %run_scoped3A = tpu.sem_alloc : memref<!tpu.dma_semaphore, #tpu.memory_space<semaphore_mem>>
      %dma_start3A_36 = tpu.memref_slice %arg3[%multiple_of3A_11] : memref<10240xi32, #tpu.memory_space<hbm>> -> memref<80xi32, #tpu.memory_space<hbm>>
      %dma_start3A_37 = tpu.memref_slice %arg3[%multiple_of3A_11] : memref<10240xi32, #tpu.memory_space<hbm>> -> memref<80xi32, #tpu.memory_space<hbm>>
      tpu.enqueue_dma source(%dma_start3A_37 : memref<80xi32, #tpu.memory_space<hbm>>) target(%arg5 : memref<80xi32, #tpu.memory_space<vmem>>) target_semaphore(%run_scoped3A : memref<!tpu.dma_semaphore, #tpu.memory_space<semaphore_mem>>)
      %dma_wait3A_38 = tpu.memref_slice %arg3[%multiple_of3A_11] : memref<10240xi32, #tpu.memory_space<hbm>> -> memref<80xi32, #tpu.memory_space<hbm>>
      %dma_wait3A_39 = tpu.memref_slice %arg3[%multiple_of3A_11] : memref<10240xi32, #tpu.memory_space<hbm>> -> memref<80xi32, #tpu.memory_space<hbm>>
      tpu.wait_dma2 semaphore(%run_scoped3A : memref<!tpu.dma_semaphore, #tpu.memory_space<semaphore_mem>>) src(%dma_wait3A_39 : memref<80xi32, #tpu.memory_space<hbm>>) dst(%arg5 : memref<80xi32, #tpu.memory_space<vmem>>)
      tpu.yield
    }) : () -> ()
    %dma_start3A_12 = arith.constant 0 : i32
    %dma_start3A_13 = arith.constant 0 : i32
    %dma_start3A_14 = tpu.memref_slice %arg2[%dma_start3A_12, %dma_start3A_13] : memref<50000x128xf32, #tpu.memory_space<hbm>> -> memref<50000x128xf32, #tpu.memory_space<hbm>>
    tpu.enqueue_indirect_dma source(%dma_start3A_14 : memref<50000x128xf32, #tpu.memory_space<hbm>>) target(%arg6 : memref<80x128xf32, #tpu.memory_space<vmem>>) offsets(%arg5 : memref<80xi32, #tpu.memory_space<vmem>>) semaphore(%arg7 : memref<!tpu.dma_semaphore, #tpu.memory_space<semaphore_mem>>)
    %dma_wait3A_15 = arith.constant 0 : i32
    %dma_wait3A_16 = arith.constant 0 : i32
    %dma_wait3A_17 = tpu.memref_slice %arg2[%dma_wait3A_15, %dma_wait3A_16] : memref<50000x128xf32, #tpu.memory_space<hbm>> -> memref<50000x128xf32, #tpu.memory_space<hbm>>
    tpu.wait_indirect_dma semaphore(%arg7 : memref<!tpu.dma_semaphore, #tpu.memory_space<semaphore_mem>>) src(%dma_wait3A_17 : memref<50000x128xf32, #tpu.memory_space<hbm>>) dst(%arg6 : memref<80x128xf32, #tpu.memory_space<vmem>>)
    "tpu.region"() ({
      %run_scoped3A = tpu.sem_alloc : memref<!tpu.dma_semaphore, #tpu.memory_space<semaphore_mem>>
      %dma_start3A_36 = arith.constant 0 : i32
      %dma_start3A_37 = tpu.memref_slice %arg4[%multiple_of3A_11, %dma_start3A_36] : memref<10240x128xf32, #tpu.memory_space<hbm>> -> memref<80x128xf32, #tpu.memory_space<hbm>>
      %dma_start3A_38 = arith.constant 0 : i32
      %dma_start3A_39 = tpu.memref_slice %arg4[%multiple_of3A_11, %dma_start3A_38] : memref<10240x128xf32, #tpu.memory_space<hbm>> -> memref<80x128xf32, #tpu.memory_space<hbm>>
      tpu.enqueue_dma source(%arg6 : memref<80x128xf32, #tpu.memory_space<vmem>>) target(%dma_start3A_39 : memref<80x128xf32, #tpu.memory_space<hbm>>) target_semaphore(%run_scoped3A : memref<!tpu.dma_semaphore, #tpu.memory_space<semaphore_mem>>)
      %dma_wait3A_40 = arith.constant 0 : i32
      %dma_wait3A_41 = tpu.memref_slice %arg4[%multiple_of3A_11, %dma_wait3A_40] : memref<10240x128xf32, #tpu.memory_space<hbm>> -> memref<80x128xf32, #tpu.memory_space<hbm>>
      %dma_wait3A_42 = arith.constant 0 : i32
      %dma_wait3A_43 = tpu.memref_slice %arg4[%multiple_of3A_11, %dma_wait3A_42] : memref<10240x128xf32, #tpu.memory_space<hbm>> -> memref<80x128xf32, #tpu.memory_space<hbm>>
      tpu.wait_dma2 semaphore(%run_scoped3A : memref<!tpu.dma_semaphore, #tpu.memory_space<semaphore_mem>>) src(%arg6 : memref<80x128xf32, #tpu.memory_space<vmem>>) dst(%dma_wait3A_43 : memref<80x128xf32, #tpu.memory_space<hbm>>)
      tpu.yield
    }) : () -> ()
    %add3A_18 = arith.constant 160 : i32
    %add3A_19 = arith.addi %mul3A_2, %add3A_18 : i32
    %multiple_of3A_20 = tpu.assume_multiple %add3A_19, 8 : i32
    "tpu.region"() ({
      %run_scoped3A = tpu.sem_alloc : memref<!tpu.dma_semaphore, #tpu.memory_space<semaphore_mem>>
      %dma_start3A_36 = tpu.memref_slice %arg3[%multiple_of3A_20] : memref<10240xi32, #tpu.memory_space<hbm>> -> memref<80xi32, #tpu.memory_space<hbm>>
      %dma_start3A_37 = tpu.memref_slice %arg3[%multiple_of3A_20] : memref<10240xi32, #tpu.memory_space<hbm>> -> memref<80xi32, #tpu.memory_space<hbm>>
      tpu.enqueue_dma source(%dma_start3A_37 : memref<80xi32, #tpu.memory_space<hbm>>) target(%arg5 : memref<80xi32, #tpu.memory_space<vmem>>) target_semaphore(%run_scoped3A : memref<!tpu.dma_semaphore, #tpu.memory_space<semaphore_mem>>)
      %dma_wait3A_38 = tpu.memref_slice %arg3[%multiple_of3A_20] : memref<10240xi32, #tpu.memory_space<hbm>> -> memref<80xi32, #tpu.memory_space<hbm>>
      %dma_wait3A_39 = tpu.memref_slice %arg3[%multiple_of3A_20] : memref<10240xi32, #tpu.memory_space<hbm>> -> memref<80xi32, #tpu.memory_space<hbm>>
      tpu.wait_dma2 semaphore(%run_scoped3A : memref<!tpu.dma_semaphore, #tpu.memory_space<semaphore_mem>>) src(%dma_wait3A_39 : memref<80xi32, #tpu.memory_space<hbm>>) dst(%arg5 : memref<80xi32, #tpu.memory_space<vmem>>)
      tpu.yield
    }) : () -> ()
    %dma_start3A_21 = arith.constant 0 : i32
    %dma_start3A_22 = arith.constant 0 : i32
    %dma_start3A_23 = tpu.memref_slice %arg2[%dma_start3A_21, %dma_start3A_22] : memref<50000x128xf32, #tpu.memory_space<hbm>> -> memref<50000x128xf32, #tpu.memory_space<hbm>>
    tpu.enqueue_indirect_dma source(%dma_start3A_23 : memref<50000x128xf32, #tpu.memory_space<hbm>>) target(%arg6 : memref<80x128xf32, #tpu.memory_space<vmem>>) offsets(%arg5 : memref<80xi32, #tpu.memory_space<vmem>>) semaphore(%arg7 : memref<!tpu.dma_semaphore, #tpu.memory_space<semaphore_mem>>)
    %dma_wait3A_24 = arith.constant 0 : i32
    %dma_wait3A_25 = arith.constant 0 : i32
    %dma_wait3A_26 = tpu.memref_slice %arg2[%dma_wait3A_24, %dma_wait3A_25] : memref<50000x128xf32, #tpu.memory_space<hbm>> -> memref<50000x128xf32, #tpu.memory_space<hbm>>
    tpu.wait_indirect_dma semaphore(%arg7 : memref<!tpu.dma_semaphore, #tpu.memory_space<semaphore_mem>>) src(%dma_wait3A_26 : memref<50000x128xf32, #tpu.memory_space<hbm>>) dst(%arg6 : memref<80x128xf32, #tpu.memory_space<vmem>>)
    "tpu.region"() ({
      %run_scoped3A = tpu.sem_alloc : memref<!tpu.dma_semaphore, #tpu.memory_space<semaphore_mem>>
      %dma_start3A_36 = arith.constant 0 : i32
      %dma_start3A_37 = tpu.memref_slice %arg4[%multiple_of3A_20, %dma_start3A_36] : memref<10240x128xf32, #tpu.memory_space<hbm>> -> memref<80x128xf32, #tpu.memory_space<hbm>>
      %dma_start3A_38 = arith.constant 0 : i32
      %dma_start3A_39 = tpu.memref_slice %arg4[%multiple_of3A_20, %dma_start3A_38] : memref<10240x128xf32, #tpu.memory_space<hbm>> -> memref<80x128xf32, #tpu.memory_space<hbm>>
      tpu.enqueue_dma source(%arg6 : memref<80x128xf32, #tpu.memory_space<vmem>>) target(%dma_start3A_39 : memref<80x128xf32, #tpu.memory_space<hbm>>) target_semaphore(%run_scoped3A : memref<!tpu.dma_semaphore, #tpu.memory_space<semaphore_mem>>)
      %dma_wait3A_40 = arith.constant 0 : i32
      %dma_wait3A_41 = tpu.memref_slice %arg4[%multiple_of3A_20, %dma_wait3A_40] : memref<10240x128xf32, #tpu.memory_space<hbm>> -> memref<80x128xf32, #tpu.memory_space<hbm>>
      %dma_wait3A_42 = arith.constant 0 : i32
      %dma_wait3A_43 = tpu.memref_slice %arg4[%multiple_of3A_20, %dma_wait3A_42] : memref<10240x128xf32, #tpu.memory_space<hbm>> -> memref<80x128xf32, #tpu.memory_space<hbm>>
      tpu.wait_dma2 semaphore(%run_scoped3A : memref<!tpu.dma_semaphore, #tpu.memory_space<semaphore_mem>>) src(%arg6 : memref<80x128xf32, #tpu.memory_space<vmem>>) dst(%dma_wait3A_43 : memref<80x128xf32, #tpu.memory_space<hbm>>)
      tpu.yield
    }) : () -> ()
    %add3A_27 = arith.constant 240 : i32
    %add3A_28 = arith.addi %mul3A_2, %add3A_27 : i32
    %multiple_of3A_29 = tpu.assume_multiple %add3A_28, 8 : i32
    "tpu.region"() ({
      %run_scoped3A = tpu.sem_alloc : memref<!tpu.dma_semaphore, #tpu.memory_space<semaphore_mem>>
      %dma_start3A_36 = tpu.memref_slice %arg3[%multiple_of3A_29] : memref<10240xi32, #tpu.memory_space<hbm>> -> memref<80xi32, #tpu.memory_space<hbm>>
      %dma_start3A_37 = tpu.memref_slice %arg3[%multiple_of3A_29] : memref<10240xi32, #tpu.memory_space<hbm>> -> memref<80xi32, #tpu.memory_space<hbm>>
      tpu.enqueue_dma source(%dma_start3A_37 : memref<80xi32, #tpu.memory_space<hbm>>) target(%arg5 : memref<80xi32, #tpu.memory_space<vmem>>) target_semaphore(%run_scoped3A : memref<!tpu.dma_semaphore, #tpu.memory_space<semaphore_mem>>)
      %dma_wait3A_38 = tpu.memref_slice %arg3[%multiple_of3A_29] : memref<10240xi32, #tpu.memory_space<hbm>> -> memref<80xi32, #tpu.memory_space<hbm>>
      %dma_wait3A_39 = tpu.memref_slice %arg3[%multiple_of3A_29] : memref<10240xi32, #tpu.memory_space<hbm>> -> memref<80xi32, #tpu.memory_space<hbm>>
      tpu.wait_dma2 semaphore(%run_scoped3A : memref<!tpu.dma_semaphore, #tpu.memory_space<semaphore_mem>>) src(%dma_wait3A_39 : memref<80xi32, #tpu.memory_space<hbm>>) dst(%arg5 : memref<80xi32, #tpu.memory_space<vmem>>)
      tpu.yield
    }) : () -> ()
    %dma_start3A_30 = arith.constant 0 : i32
    %dma_start3A_31 = arith.constant 0 : i32
    %dma_start3A_32 = tpu.memref_slice %arg2[%dma_start3A_30, %dma_start3A_31] : memref<50000x128xf32, #tpu.memory_space<hbm>> -> memref<50000x128xf32, #tpu.memory_space<hbm>>
    tpu.enqueue_indirect_dma source(%dma_start3A_32 : memref<50000x128xf32, #tpu.memory_space<hbm>>) target(%arg6 : memref<80x128xf32, #tpu.memory_space<vmem>>) offsets(%arg5 : memref<80xi32, #tpu.memory_space<vmem>>) semaphore(%arg7 : memref<!tpu.dma_semaphore, #tpu.memory_space<semaphore_mem>>)
    %dma_wait3A_33 = arith.constant 0 : i32
    %dma_wait3A_34 = arith.constant 0 : i32
    %dma_wait3A_35 = tpu.memref_slice %arg2[%dma_wait3A_33, %dma_wait3A_34] : memref<50000x128xf32, #tpu.memory_space<hbm>> -> memref<50000x128xf32, #tpu.memory_space<hbm>>
    tpu.wait_indirect_dma semaphore(%arg7 : memref<!tpu.dma_semaphore, #tpu.memory_space<semaphore_mem>>) src(%dma_wait3A_35 : memref<50000x128xf32, #tpu.memory_space<hbm>>) dst(%arg6 : memref<80x128xf32, #tpu.memory_space<vmem>>)
    "tpu.region"() ({
      %run_scoped3A = tpu.sem_alloc : memref<!tpu.dma_semaphore, #tpu.memory_space<semaphore_mem>>
      %dma_start3A_36 = arith.constant 0 : i32
      %dma_start3A_37 = tpu.memref_slice %arg4[%multiple_of3A_29, %dma_start3A_36] : memref<10240x128xf32, #tpu.memory_space<hbm>> -> memref<80x128xf32, #tpu.memory_space<hbm>>
      %dma_start3A_38 = arith.constant 0 : i32
      %dma_start3A_39 = tpu.memref_slice %arg4[%multiple_of3A_29, %dma_start3A_38] : memref<10240x128xf32, #tpu.memory_space<hbm>> -> memref<80x128xf32, #tpu.memory_space<hbm>>
      tpu.enqueue_dma source(%arg6 : memref<80x128xf32, #tpu.memory_space<vmem>>) target(%dma_start3A_39 : memref<80x128xf32, #tpu.memory_space<hbm>>) target_semaphore(%run_scoped3A : memref<!tpu.dma_semaphore, #tpu.memory_space<semaphore_mem>>)
      %dma_wait3A_40 = arith.constant 0 : i32
      %dma_wait3A_41 = tpu.memref_slice %arg4[%multiple_of3A_29, %dma_wait3A_40] : memref<10240x128xf32, #tpu.memory_space<hbm>> -> memref<80x128xf32, #tpu.memory_space<hbm>>
      %dma_wait3A_42 = arith.constant 0 : i32
      %dma_wait3A_43 = tpu.memref_slice %arg4[%multiple_of3A_29, %dma_wait3A_42] : memref<10240x128xf32, #tpu.memory_space<hbm>> -> memref<80x128xf32, #tpu.memory_space<hbm>>
      tpu.wait_dma2 semaphore(%run_scoped3A : memref<!tpu.dma_semaphore, #tpu.memory_space<semaphore_mem>>) src(%arg6 : memref<80x128xf32, #tpu.memory_space<vmem>>) dst(%dma_wait3A_43 : memref<80x128xf32, #tpu.memory_space<hbm>>)
      tpu.yield
    }) : () -> ()
    return
  }
}

#map = affine_map<(d0, d1) -> (0, 0)>
#map1 = affine_map<(d0, d1) -> (0)>
module attributes {stable_mosaic.version = 14 : i64} {
  func.func @k(%arg0: i32, %arg1: i32, %arg2: memref<10240x128xf32, #tpu.memory_space<hbm>>, %arg3: memref<320000xi32, #tpu.memory_space<hbm>>, %arg4: memref<320000xi32, #tpu.memory_space<hbm>>, %arg5: memref<80x128xf32, #tpu.memory_space<hbm>>, %arg6: memref<20480x128xf32, #tpu.memory_space<hbm>>, %arg7: memref<80xi32, #tpu.memory_space<vmem>>, %arg8: memref<80xi32, #tpu.memory_space<vmem>>, %arg9: memref<80x128xf32, #tpu.memory_space<vmem>>, %arg10: memref<80x128xf32, #tpu.memory_space<vmem>>, %arg11: memref<!tpu.dma_semaphore, #tpu.memory_space<semaphore_mem>>, %arg12: memref<10240x128xf32, #tpu.memory_space<vmem_shared>>) attributes {dimension_semantics = [#tpu.dimension_semantics<core_parallel>, #tpu.dimension_semantics<subcore_parallel>], iteration_bounds = array<i64: 2, 16>, scalar_prefetch = 0 : i64, scratch_operands = 6 : i64, tpu.core_type = #tpu.core_type<sc_vector_subcore>, window_params = [{transform_indices = #map}, {transform_indices = #map1}, {transform_indices = #map1}, {transform_indices = #map}, {transform_indices = #map}]} {
    %mul3A = arith.constant 2 : i32
    %mul3A_0 = arith.muli %arg1, %mul3A : i32
    %add3A = arith.addi %mul3A_0, %arg0 : i32
    "tpu.region"() ({
      %run_scoped3A = tpu.sem_alloc : memref<!tpu.dma_semaphore, #tpu.memory_space<semaphore_mem>>
      tpu.enqueue_dma source(%arg5 : memref<80x128xf32, #tpu.memory_space<hbm>>) target(%arg10 : memref<80x128xf32, #tpu.memory_space<vmem>>) target_semaphore(%run_scoped3A : memref<!tpu.dma_semaphore, #tpu.memory_space<semaphore_mem>>)
      tpu.wait_dma2 semaphore(%run_scoped3A : memref<!tpu.dma_semaphore, #tpu.memory_space<semaphore_mem>>) src(%arg5 : memref<80x128xf32, #tpu.memory_space<hbm>>) dst(%arg10 : memref<80x128xf32, #tpu.memory_space<vmem>>)
      tpu.yield
    }) : () -> ()
    %mul3A_1 = arith.constant 640 : i32
    %mul3A_2 = arith.muli %arg1, %mul3A_1 : i32
    %add3A_3 = arith.constant 0 : i32
    %add3A_4 = arith.addi %mul3A_2, %add3A_3 : i32
    %multiple_of3A = tpu.assume_multiple %add3A_4, 8 : i32
    "tpu.region"() ({
      %run_scoped3A = tpu.sem_alloc : memref<!tpu.dma_semaphore, #tpu.memory_space<semaphore_mem>>
      %dma_start3A = arith.constant 0 : i32
      %dma_start3A_57 = tpu.memref_slice %arg12[%multiple_of3A, %dma_start3A] : memref<10240x128xf32, #tpu.memory_space<vmem_shared>> -> memref<80x128xf32, #tpu.memory_space<vmem_shared>>
      %dma_start3A_58 = arith.constant 0 : i32
      %dma_start3A_59 = tpu.memref_slice %arg12[%multiple_of3A, %dma_start3A_58] : memref<10240x128xf32, #tpu.memory_space<vmem_shared>> -> memref<80x128xf32, #tpu.memory_space<vmem_shared>>
      tpu.enqueue_dma source(%arg10 : memref<80x128xf32, #tpu.memory_space<vmem>>) target(%dma_start3A_59 : memref<80x128xf32, #tpu.memory_space<vmem_shared>>) target_semaphore(%run_scoped3A : memref<!tpu.dma_semaphore, #tpu.memory_space<semaphore_mem>>)
      %dma_wait3A = arith.constant 0 : i32
      %dma_wait3A_60 = tpu.memref_slice %arg12[%multiple_of3A, %dma_wait3A] : memref<10240x128xf32, #tpu.memory_space<vmem_shared>> -> memref<80x128xf32, #tpu.memory_space<vmem_shared>>
      %dma_wait3A_61 = arith.constant 0 : i32
      %dma_wait3A_62 = tpu.memref_slice %arg12[%multiple_of3A, %dma_wait3A_61] : memref<10240x128xf32, #tpu.memory_space<vmem_shared>> -> memref<80x128xf32, #tpu.memory_space<vmem_shared>>
      tpu.wait_dma2 semaphore(%run_scoped3A : memref<!tpu.dma_semaphore, #tpu.memory_space<semaphore_mem>>) src(%arg10 : memref<80x128xf32, #tpu.memory_space<vmem>>) dst(%dma_wait3A_62 : memref<80x128xf32, #tpu.memory_space<vmem_shared>>)
      tpu.yield
    }) : () -> ()
    %mul3A_5 = arith.constant 640 : i32
    %mul3A_6 = arith.muli %arg1, %mul3A_5 : i32
    %add3A_7 = arith.constant 80 : i32
    %add3A_8 = arith.addi %mul3A_6, %add3A_7 : i32
    %multiple_of3A_9 = tpu.assume_multiple %add3A_8, 8 : i32
    "tpu.region"() ({
      %run_scoped3A = tpu.sem_alloc : memref<!tpu.dma_semaphore, #tpu.memory_space<semaphore_mem>>
      %dma_start3A = arith.constant 0 : i32
      %dma_start3A_57 = tpu.memref_slice %arg12[%multiple_of3A_9, %dma_start3A] : memref<10240x128xf32, #tpu.memory_space<vmem_shared>> -> memref<80x128xf32, #tpu.memory_space<vmem_shared>>
      %dma_start3A_58 = arith.constant 0 : i32
      %dma_start3A_59 = tpu.memref_slice %arg12[%multiple_of3A_9, %dma_start3A_58] : memref<10240x128xf32, #tpu.memory_space<vmem_shared>> -> memref<80x128xf32, #tpu.memory_space<vmem_shared>>
      tpu.enqueue_dma source(%arg10 : memref<80x128xf32, #tpu.memory_space<vmem>>) target(%dma_start3A_59 : memref<80x128xf32, #tpu.memory_space<vmem_shared>>) target_semaphore(%run_scoped3A : memref<!tpu.dma_semaphore, #tpu.memory_space<semaphore_mem>>)
      %dma_wait3A = arith.constant 0 : i32
      %dma_wait3A_60 = tpu.memref_slice %arg12[%multiple_of3A_9, %dma_wait3A] : memref<10240x128xf32, #tpu.memory_space<vmem_shared>> -> memref<80x128xf32, #tpu.memory_space<vmem_shared>>
      %dma_wait3A_61 = arith.constant 0 : i32
      %dma_wait3A_62 = tpu.memref_slice %arg12[%multiple_of3A_9, %dma_wait3A_61] : memref<10240x128xf32, #tpu.memory_space<vmem_shared>> -> memref<80x128xf32, #tpu.memory_space<vmem_shared>>
      tpu.wait_dma2 semaphore(%run_scoped3A : memref<!tpu.dma_semaphore, #tpu.memory_space<semaphore_mem>>) src(%arg10 : memref<80x128xf32, #tpu.memory_space<vmem>>) dst(%dma_wait3A_62 : memref<80x128xf32, #tpu.memory_space<vmem_shared>>)
      tpu.yield
    }) : () -> ()
    %mul3A_10 = arith.constant 640 : i32
    %mul3A_11 = arith.muli %arg1, %mul3A_10 : i32
    %add3A_12 = arith.constant 160 : i32
    %add3A_13 = arith.addi %mul3A_11, %add3A_12 : i32
    %multiple_of3A_14 = tpu.assume_multiple %add3A_13, 8 : i32
    "tpu.region"() ({
      %run_scoped3A = tpu.sem_alloc : memref<!tpu.dma_semaphore, #tpu.memory_space<semaphore_mem>>
      %dma_start3A = arith.constant 0 : i32
      %dma_start3A_57 = tpu.memref_slice %arg12[%multiple_of3A_14, %dma_start3A] : memref<10240x128xf32, #tpu.memory_space<vmem_shared>> -> memref<80x128xf32, #tpu.memory_space<vmem_shared>>
      %dma_start3A_58 = arith.constant 0 : i32
      %dma_start3A_59 = tpu.memref_slice %arg12[%multiple_of3A_14, %dma_start3A_58] : memref<10240x128xf32, #tpu.memory_space<vmem_shared>> -> memref<80x128xf32, #tpu.memory_space<vmem_shared>>
      tpu.enqueue_dma source(%arg10 : memref<80x128xf32, #tpu.memory_space<vmem>>) target(%dma_start3A_59 : memref<80x128xf32, #tpu.memory_space<vmem_shared>>) target_semaphore(%run_scoped3A : memref<!tpu.dma_semaphore, #tpu.memory_space<semaphore_mem>>)
      %dma_wait3A = arith.constant 0 : i32
      %dma_wait3A_60 = tpu.memref_slice %arg12[%multiple_of3A_14, %dma_wait3A] : memref<10240x128xf32, #tpu.memory_space<vmem_shared>> -> memref<80x128xf32, #tpu.memory_space<vmem_shared>>
      %dma_wait3A_61 = arith.constant 0 : i32
      %dma_wait3A_62 = tpu.memref_slice %arg12[%multiple_of3A_14, %dma_wait3A_61] : memref<10240x128xf32, #tpu.memory_space<vmem_shared>> -> memref<80x128xf32, #tpu.memory_space<vmem_shared>>
      tpu.wait_dma2 semaphore(%run_scoped3A : memref<!tpu.dma_semaphore, #tpu.memory_space<semaphore_mem>>) src(%arg10 : memref<80x128xf32, #tpu.memory_space<vmem>>) dst(%dma_wait3A_62 : memref<80x128xf32, #tpu.memory_space<vmem_shared>>)
      tpu.yield
    }) : () -> ()
    %mul3A_15 = arith.constant 640 : i32
    %mul3A_16 = arith.muli %arg1, %mul3A_15 : i32
    %add3A_17 = arith.constant 240 : i32
    %add3A_18 = arith.addi %mul3A_16, %add3A_17 : i32
    %multiple_of3A_19 = tpu.assume_multiple %add3A_18, 8 : i32
    "tpu.region"() ({
      %run_scoped3A = tpu.sem_alloc : memref<!tpu.dma_semaphore, #tpu.memory_space<semaphore_mem>>
      %dma_start3A = arith.constant 0 : i32
      %dma_start3A_57 = tpu.memref_slice %arg12[%multiple_of3A_19, %dma_start3A] : memref<10240x128xf32, #tpu.memory_space<vmem_shared>> -> memref<80x128xf32, #tpu.memory_space<vmem_shared>>
      %dma_start3A_58 = arith.constant 0 : i32
      %dma_start3A_59 = tpu.memref_slice %arg12[%multiple_of3A_19, %dma_start3A_58] : memref<10240x128xf32, #tpu.memory_space<vmem_shared>> -> memref<80x128xf32, #tpu.memory_space<vmem_shared>>
      tpu.enqueue_dma source(%arg10 : memref<80x128xf32, #tpu.memory_space<vmem>>) target(%dma_start3A_59 : memref<80x128xf32, #tpu.memory_space<vmem_shared>>) target_semaphore(%run_scoped3A : memref<!tpu.dma_semaphore, #tpu.memory_space<semaphore_mem>>)
      %dma_wait3A = arith.constant 0 : i32
      %dma_wait3A_60 = tpu.memref_slice %arg12[%multiple_of3A_19, %dma_wait3A] : memref<10240x128xf32, #tpu.memory_space<vmem_shared>> -> memref<80x128xf32, #tpu.memory_space<vmem_shared>>
      %dma_wait3A_61 = arith.constant 0 : i32
      %dma_wait3A_62 = tpu.memref_slice %arg12[%multiple_of3A_19, %dma_wait3A_61] : memref<10240x128xf32, #tpu.memory_space<vmem_shared>> -> memref<80x128xf32, #tpu.memory_space<vmem_shared>>
      tpu.wait_dma2 semaphore(%run_scoped3A : memref<!tpu.dma_semaphore, #tpu.memory_space<semaphore_mem>>) src(%arg10 : memref<80x128xf32, #tpu.memory_space<vmem>>) dst(%dma_wait3A_62 : memref<80x128xf32, #tpu.memory_space<vmem_shared>>)
      tpu.yield
    }) : () -> ()
    %mul3A_20 = arith.constant 640 : i32
    %mul3A_21 = arith.muli %arg1, %mul3A_20 : i32
    %add3A_22 = arith.constant 320 : i32
    %add3A_23 = arith.addi %mul3A_21, %add3A_22 : i32
    %multiple_of3A_24 = tpu.assume_multiple %add3A_23, 8 : i32
    "tpu.region"() ({
      %run_scoped3A = tpu.sem_alloc : memref<!tpu.dma_semaphore, #tpu.memory_space<semaphore_mem>>
      %dma_start3A = arith.constant 0 : i32
      %dma_start3A_57 = tpu.memref_slice %arg12[%multiple_of3A_24, %dma_start3A] : memref<10240x128xf32, #tpu.memory_space<vmem_shared>> -> memref<80x128xf32, #tpu.memory_space<vmem_shared>>
      %dma_start3A_58 = arith.constant 0 : i32
      %dma_start3A_59 = tpu.memref_slice %arg12[%multiple_of3A_24, %dma_start3A_58] : memref<10240x128xf32, #tpu.memory_space<vmem_shared>> -> memref<80x128xf32, #tpu.memory_space<vmem_shared>>
      tpu.enqueue_dma source(%arg10 : memref<80x128xf32, #tpu.memory_space<vmem>>) target(%dma_start3A_59 : memref<80x128xf32, #tpu.memory_space<vmem_shared>>) target_semaphore(%run_scoped3A : memref<!tpu.dma_semaphore, #tpu.memory_space<semaphore_mem>>)
      %dma_wait3A = arith.constant 0 : i32
      %dma_wait3A_60 = tpu.memref_slice %arg12[%multiple_of3A_24, %dma_wait3A] : memref<10240x128xf32, #tpu.memory_space<vmem_shared>> -> memref<80x128xf32, #tpu.memory_space<vmem_shared>>
      %dma_wait3A_61 = arith.constant 0 : i32
      %dma_wait3A_62 = tpu.memref_slice %arg12[%multiple_of3A_24, %dma_wait3A_61] : memref<10240x128xf32, #tpu.memory_space<vmem_shared>> -> memref<80x128xf32, #tpu.memory_space<vmem_shared>>
      tpu.wait_dma2 semaphore(%run_scoped3A : memref<!tpu.dma_semaphore, #tpu.memory_space<semaphore_mem>>) src(%arg10 : memref<80x128xf32, #tpu.memory_space<vmem>>) dst(%dma_wait3A_62 : memref<80x128xf32, #tpu.memory_space<vmem_shared>>)
      tpu.yield
    }) : () -> ()
    %mul3A_25 = arith.constant 640 : i32
    %mul3A_26 = arith.muli %arg1, %mul3A_25 : i32
    %add3A_27 = arith.constant 400 : i32
    %add3A_28 = arith.addi %mul3A_26, %add3A_27 : i32
    %multiple_of3A_29 = tpu.assume_multiple %add3A_28, 8 : i32
    "tpu.region"() ({
      %run_scoped3A = tpu.sem_alloc : memref<!tpu.dma_semaphore, #tpu.memory_space<semaphore_mem>>
      %dma_start3A = arith.constant 0 : i32
      %dma_start3A_57 = tpu.memref_slice %arg12[%multiple_of3A_29, %dma_start3A] : memref<10240x128xf32, #tpu.memory_space<vmem_shared>> -> memref<80x128xf32, #tpu.memory_space<vmem_shared>>
      %dma_start3A_58 = arith.constant 0 : i32
      %dma_start3A_59 = tpu.memref_slice %arg12[%multiple_of3A_29, %dma_start3A_58] : memref<10240x128xf32, #tpu.memory_space<vmem_shared>> -> memref<80x128xf32, #tpu.memory_space<vmem_shared>>
      tpu.enqueue_dma source(%arg10 : memref<80x128xf32, #tpu.memory_space<vmem>>) target(%dma_start3A_59 : memref<80x128xf32, #tpu.memory_space<vmem_shared>>) target_semaphore(%run_scoped3A : memref<!tpu.dma_semaphore, #tpu.memory_space<semaphore_mem>>)
      %dma_wait3A = arith.constant 0 : i32
      %dma_wait3A_60 = tpu.memref_slice %arg12[%multiple_of3A_29, %dma_wait3A] : memref<10240x128xf32, #tpu.memory_space<vmem_shared>> -> memref<80x128xf32, #tpu.memory_space<vmem_shared>>
      %dma_wait3A_61 = arith.constant 0 : i32
      %dma_wait3A_62 = tpu.memref_slice %arg12[%multiple_of3A_29, %dma_wait3A_61] : memref<10240x128xf32, #tpu.memory_space<vmem_shared>> -> memref<80x128xf32, #tpu.memory_space<vmem_shared>>
      tpu.wait_dma2 semaphore(%run_scoped3A : memref<!tpu.dma_semaphore, #tpu.memory_space<semaphore_mem>>) src(%arg10 : memref<80x128xf32, #tpu.memory_space<vmem>>) dst(%dma_wait3A_62 : memref<80x128xf32, #tpu.memory_space<vmem_shared>>)
      tpu.yield
    }) : () -> ()
    %mul3A_30 = arith.constant 640 : i32
    %mul3A_31 = arith.muli %arg1, %mul3A_30 : i32
    %add3A_32 = arith.constant 480 : i32
    %add3A_33 = arith.addi %mul3A_31, %add3A_32 : i32
    %multiple_of3A_34 = tpu.assume_multiple %add3A_33, 8 : i32
    "tpu.region"() ({
      %run_scoped3A = tpu.sem_alloc : memref<!tpu.dma_semaphore, #tpu.memory_space<semaphore_mem>>
      %dma_start3A = arith.constant 0 : i32
      %dma_start3A_57 = tpu.memref_slice %arg12[%multiple_of3A_34, %dma_start3A] : memref<10240x128xf32, #tpu.memory_space<vmem_shared>> -> memref<80x128xf32, #tpu.memory_space<vmem_shared>>
      %dma_start3A_58 = arith.constant 0 : i32
      %dma_start3A_59 = tpu.memref_slice %arg12[%multiple_of3A_34, %dma_start3A_58] : memref<10240x128xf32, #tpu.memory_space<vmem_shared>> -> memref<80x128xf32, #tpu.memory_space<vmem_shared>>
      tpu.enqueue_dma source(%arg10 : memref<80x128xf32, #tpu.memory_space<vmem>>) target(%dma_start3A_59 : memref<80x128xf32, #tpu.memory_space<vmem_shared>>) target_semaphore(%run_scoped3A : memref<!tpu.dma_semaphore, #tpu.memory_space<semaphore_mem>>)
      %dma_wait3A = arith.constant 0 : i32
      %dma_wait3A_60 = tpu.memref_slice %arg12[%multiple_of3A_34, %dma_wait3A] : memref<10240x128xf32, #tpu.memory_space<vmem_shared>> -> memref<80x128xf32, #tpu.memory_space<vmem_shared>>
      %dma_wait3A_61 = arith.constant 0 : i32
      %dma_wait3A_62 = tpu.memref_slice %arg12[%multiple_of3A_34, %dma_wait3A_61] : memref<10240x128xf32, #tpu.memory_space<vmem_shared>> -> memref<80x128xf32, #tpu.memory_space<vmem_shared>>
      tpu.wait_dma2 semaphore(%run_scoped3A : memref<!tpu.dma_semaphore, #tpu.memory_space<semaphore_mem>>) src(%arg10 : memref<80x128xf32, #tpu.memory_space<vmem>>) dst(%dma_wait3A_62 : memref<80x128xf32, #tpu.memory_space<vmem_shared>>)
      tpu.yield
    }) : () -> ()
    %mul3A_35 = arith.constant 640 : i32
    %mul3A_36 = arith.muli %arg1, %mul3A_35 : i32
    %add3A_37 = arith.constant 560 : i32
    %add3A_38 = arith.addi %mul3A_36, %add3A_37 : i32
    %multiple_of3A_39 = tpu.assume_multiple %add3A_38, 8 : i32
    "tpu.region"() ({
      %run_scoped3A = tpu.sem_alloc : memref<!tpu.dma_semaphore, #tpu.memory_space<semaphore_mem>>
      %dma_start3A = arith.constant 0 : i32
      %dma_start3A_57 = tpu.memref_slice %arg12[%multiple_of3A_39, %dma_start3A] : memref<10240x128xf32, #tpu.memory_space<vmem_shared>> -> memref<80x128xf32, #tpu.memory_space<vmem_shared>>
      %dma_start3A_58 = arith.constant 0 : i32
      %dma_start3A_59 = tpu.memref_slice %arg12[%multiple_of3A_39, %dma_start3A_58] : memref<10240x128xf32, #tpu.memory_space<vmem_shared>> -> memref<80x128xf32, #tpu.memory_space<vmem_shared>>
      tpu.enqueue_dma source(%arg10 : memref<80x128xf32, #tpu.memory_space<vmem>>) target(%dma_start3A_59 : memref<80x128xf32, #tpu.memory_space<vmem_shared>>) target_semaphore(%run_scoped3A : memref<!tpu.dma_semaphore, #tpu.memory_space<semaphore_mem>>)
      %dma_wait3A = arith.constant 0 : i32
      %dma_wait3A_60 = tpu.memref_slice %arg12[%multiple_of3A_39, %dma_wait3A] : memref<10240x128xf32, #tpu.memory_space<vmem_shared>> -> memref<80x128xf32, #tpu.memory_space<vmem_shared>>
      %dma_wait3A_61 = arith.constant 0 : i32
      %dma_wait3A_62 = tpu.memref_slice %arg12[%multiple_of3A_39, %dma_wait3A_61] : memref<10240x128xf32, #tpu.memory_space<vmem_shared>> -> memref<80x128xf32, #tpu.memory_space<vmem_shared>>
      tpu.wait_dma2 semaphore(%run_scoped3A : memref<!tpu.dma_semaphore, #tpu.memory_space<semaphore_mem>>) src(%arg10 : memref<80x128xf32, #tpu.memory_space<vmem>>) dst(%dma_wait3A_62 : memref<80x128xf32, #tpu.memory_space<vmem_shared>>)
      tpu.yield
    }) : () -> ()
    %barrier3A = arith.constant 0 : index
    tpu.barrier barrier_id(%barrier3A)
    %mul3A_40 = arith.constant 10000 : i32
    %mul3A_41 = arith.muli %add3A, %mul3A_40 : i32
    %scan3A = arith.constant 0 : i32
    %scan3A_42 = arith.constant 0 : i32
    %scan3A_43 = arith.constant 125 : i32
    %scan3A_44 = arith.addi %scan3A_42, %scan3A_43 : i32
    %scan3A_45 = arith.constant 1 : i32
    scf.for %scan3A_57 = %scan3A_42 to %scan3A_44 step %scan3A_45  : i32 {
      %mul3A_58 = arith.constant 80 : i32
      %mul3A_59 = arith.muli %scan3A_57, %mul3A_58 : i32
      %add3A_60 = arith.addi %mul3A_41, %mul3A_59 : i32
      %multiple_of3A_61 = tpu.assume_multiple %add3A_60, 8 : i32
      "tpu.region"() ({
        %run_scoped3A = tpu.sem_alloc : memref<!tpu.dma_semaphore, #tpu.memory_space<semaphore_mem>>
        %dma_start3A_66 = tpu.memref_slice %arg3[%multiple_of3A_61] : memref<320000xi32, #tpu.memory_space<hbm>> -> memref<80xi32, #tpu.memory_space<hbm>>
        %dma_start3A_67 = tpu.memref_slice %arg3[%multiple_of3A_61] : memref<320000xi32, #tpu.memory_space<hbm>> -> memref<80xi32, #tpu.memory_space<hbm>>
        tpu.enqueue_dma source(%dma_start3A_67 : memref<80xi32, #tpu.memory_space<hbm>>) target(%arg7 : memref<80xi32, #tpu.memory_space<vmem>>) target_semaphore(%run_scoped3A : memref<!tpu.dma_semaphore, #tpu.memory_space<semaphore_mem>>)
        %dma_wait3A_68 = tpu.memref_slice %arg3[%multiple_of3A_61] : memref<320000xi32, #tpu.memory_space<hbm>> -> memref<80xi32, #tpu.memory_space<hbm>>
        %dma_wait3A_69 = tpu.memref_slice %arg3[%multiple_of3A_61] : memref<320000xi32, #tpu.memory_space<hbm>> -> memref<80xi32, #tpu.memory_space<hbm>>
        tpu.wait_dma2 semaphore(%run_scoped3A : memref<!tpu.dma_semaphore, #tpu.memory_space<semaphore_mem>>) src(%dma_wait3A_69 : memref<80xi32, #tpu.memory_space<hbm>>) dst(%arg7 : memref<80xi32, #tpu.memory_space<vmem>>)
        tpu.yield
      }) : () -> ()
      "tpu.region"() ({
        %run_scoped3A = tpu.sem_alloc : memref<!tpu.dma_semaphore, #tpu.memory_space<semaphore_mem>>
        %dma_start3A_66 = tpu.memref_slice %arg4[%multiple_of3A_61] : memref<320000xi32, #tpu.memory_space<hbm>> -> memref<80xi32, #tpu.memory_space<hbm>>
        %dma_start3A_67 = tpu.memref_slice %arg4[%multiple_of3A_61] : memref<320000xi32, #tpu.memory_space<hbm>> -> memref<80xi32, #tpu.memory_space<hbm>>
        tpu.enqueue_dma source(%dma_start3A_67 : memref<80xi32, #tpu.memory_space<hbm>>) target(%arg8 : memref<80xi32, #tpu.memory_space<vmem>>) target_semaphore(%run_scoped3A : memref<!tpu.dma_semaphore, #tpu.memory_space<semaphore_mem>>)
        %dma_wait3A_68 = tpu.memref_slice %arg4[%multiple_of3A_61] : memref<320000xi32, #tpu.memory_space<hbm>> -> memref<80xi32, #tpu.memory_space<hbm>>
        %dma_wait3A_69 = tpu.memref_slice %arg4[%multiple_of3A_61] : memref<320000xi32, #tpu.memory_space<hbm>> -> memref<80xi32, #tpu.memory_space<hbm>>
        tpu.wait_dma2 semaphore(%run_scoped3A : memref<!tpu.dma_semaphore, #tpu.memory_space<semaphore_mem>>) src(%dma_wait3A_69 : memref<80xi32, #tpu.memory_space<hbm>>) dst(%arg8 : memref<80xi32, #tpu.memory_space<vmem>>)
        tpu.yield
      }) : () -> ()
      %dma_start3A = arith.constant 0 : i32
      %dma_start3A_62 = arith.constant 0 : i32
      %dma_start3A_63 = tpu.memref_slice %arg2[%dma_start3A, %dma_start3A_62] : memref<10240x128xf32, #tpu.memory_space<hbm>> -> memref<10240x128xf32, #tpu.memory_space<hbm>>
      tpu.enqueue_indirect_dma source(%dma_start3A_63 : memref<10240x128xf32, #tpu.memory_space<hbm>>) target(%arg9 : memref<80x128xf32, #tpu.memory_space<vmem>>) offsets(%arg7 : memref<80xi32, #tpu.memory_space<vmem>>) semaphore(%arg11 : memref<!tpu.dma_semaphore, #tpu.memory_space<semaphore_mem>>)
      %dma_wait3A = arith.constant 0 : i32
      %dma_wait3A_64 = arith.constant 0 : i32
      %dma_wait3A_65 = tpu.memref_slice %arg2[%dma_wait3A, %dma_wait3A_64] : memref<10240x128xf32, #tpu.memory_space<hbm>> -> memref<10240x128xf32, #tpu.memory_space<hbm>>
      tpu.wait_indirect_dma semaphore(%arg11 : memref<!tpu.dma_semaphore, #tpu.memory_space<semaphore_mem>>) src(%dma_wait3A_65 : memref<10240x128xf32, #tpu.memory_space<hbm>>) dst(%arg9 : memref<80x128xf32, #tpu.memory_space<vmem>>)
      "tpu.region"() ({
        %run_scoped3A = tpu.sem_alloc : memref<!tpu.dma_semaphore, #tpu.memory_space<semaphore_mem>>
        %dma_start3A_66 = arith.constant 0 : i32
        %dma_start3A_67 = arith.constant 0 : i32
        %dma_start3A_68 = tpu.memref_slice %arg12[%dma_start3A_66, %dma_start3A_67] : memref<10240x128xf32, #tpu.memory_space<vmem_shared>> -> memref<10240x128xf32, #tpu.memory_space<vmem_shared>>
        tpu.enqueue_indirect_dma source(%arg9 : memref<80x128xf32, #tpu.memory_space<vmem>>) target(%dma_start3A_68 : memref<10240x128xf32, #tpu.memory_space<vmem_shared>>) offsets(%arg8 : memref<80xi32, #tpu.memory_space<vmem>>) semaphore(%run_scoped3A : memref<!tpu.dma_semaphore, #tpu.memory_space<semaphore_mem>>) {add = true}
        %dma_wait3A_69 = arith.constant 0 : i32
        %dma_wait3A_70 = arith.constant 0 : i32
        %dma_wait3A_71 = tpu.memref_slice %arg12[%dma_wait3A_69, %dma_wait3A_70] : memref<10240x128xf32, #tpu.memory_space<vmem_shared>> -> memref<10240x128xf32, #tpu.memory_space<vmem_shared>>
        tpu.wait_indirect_dma semaphore(%run_scoped3A : memref<!tpu.dma_semaphore, #tpu.memory_space<semaphore_mem>>) src(%arg9 : memref<80x128xf32, #tpu.memory_space<vmem>>) dst(%dma_wait3A_71 : memref<10240x128xf32, #tpu.memory_space<vmem_shared>>)
        tpu.yield
      }) : () -> ()
    }
    %scan3A_46 = arith.constant 125 : i32
    %barrier3A_47 = arith.constant 0 : index
    tpu.barrier barrier_id(%barrier3A_47)
    %mul3A_48 = arith.constant 10240 : i32
    %mul3A_49 = arith.muli %arg0, %mul3A_48 : i32
    %mul3A_50 = arith.constant 640 : i32
    %mul3A_51 = arith.muli %arg1, %mul3A_50 : i32
    %add3A_52 = arith.addi %mul3A_49, %mul3A_51 : i32
    %multiple_of3A_53 = tpu.assume_multiple %add3A_52, 8 : i32
    %mul3A_54 = arith.constant 640 : i32
    %mul3A_55 = arith.muli %arg1, %mul3A_54 : i32
    %multiple_of3A_56 = tpu.assume_multiple %mul3A_55, 8 : i32
    "tpu.region"() ({
      %run_scoped3A = tpu.sem_alloc : memref<!tpu.dma_semaphore, #tpu.memory_space<semaphore_mem>>
      %dma_start3A = arith.constant 0 : i32
      %dma_start3A_57 = tpu.memref_slice %arg6[%multiple_of3A_53, %dma_start3A] : memref<20480x128xf32, #tpu.memory_space<hbm>> -> memref<640x128xf32, #tpu.memory_space<hbm>>
      %dma_start3A_58 = arith.constant 0 : i32
      %dma_start3A_59 = tpu.memref_slice %arg12[%multiple_of3A_56, %dma_start3A_58] : memref<10240x128xf32, #tpu.memory_space<vmem_shared>> -> memref<640x128xf32, #tpu.memory_space<vmem_shared>>
      tpu.enqueue_dma source(%dma_start3A_59 : memref<640x128xf32, #tpu.memory_space<vmem_shared>>) target(%dma_start3A_57 : memref<640x128xf32, #tpu.memory_space<hbm>>) target_semaphore(%run_scoped3A : memref<!tpu.dma_semaphore, #tpu.memory_space<semaphore_mem>>)
      %dma_wait3A = arith.constant 0 : i32
      %dma_wait3A_60 = tpu.memref_slice %arg6[%multiple_of3A_53, %dma_wait3A] : memref<20480x128xf32, #tpu.memory_space<hbm>> -> memref<640x128xf32, #tpu.memory_space<hbm>>
      %dma_wait3A_61 = arith.constant 0 : i32
      %dma_wait3A_62 = tpu.memref_slice %arg12[%multiple_of3A_56, %dma_wait3A_61] : memref<10240x128xf32, #tpu.memory_space<vmem_shared>> -> memref<640x128xf32, #tpu.memory_space<vmem_shared>>
      tpu.wait_dma2 semaphore(%run_scoped3A : memref<!tpu.dma_semaphore, #tpu.memory_space<semaphore_mem>>) src(%dma_wait3A_62 : memref<640x128xf32, #tpu.memory_space<vmem_shared>>) dst(%dma_wait3A_60 : memref<640x128xf32, #tpu.memory_space<hbm>>)
      tpu.yield
    }) : () -> ()
    return
  }
}

#map = affine_map<(d0, d1) -> (0, 0)>
#map1 = affine_map<(d0, d1) -> (0)>
module attributes {stable_mosaic.version = 14 : i64} {
  func.func @k(%arg0: i32, %arg1: i32, %arg2: memref<10240x128xf32, #tpu.memory_space<hbm>>, %arg3: memref<320000xi32, #tpu.memory_space<hbm>>, %arg4: memref<320000xi32, #tpu.memory_space<hbm>>, %arg5: memref<80x128xf32, #tpu.memory_space<hbm>>, %arg6: memref<20480x128xf32, #tpu.memory_space<hbm>>, %arg7: memref<80xi32, #tpu.memory_space<vmem>>, %arg8: memref<80xi32, #tpu.memory_space<vmem>>, %arg9: memref<80x128xf32, #tpu.memory_space<vmem>>, %arg10: memref<80x128xf32, #tpu.memory_space<vmem>>, %arg11: memref<!tpu.dma_semaphore, #tpu.memory_space<semaphore_mem>>, %arg12: memref<10240x128xf32, #tpu.memory_space<vmem_shared>>) attributes {dimension_semantics = [#tpu.dimension_semantics<core_parallel>, #tpu.dimension_semantics<subcore_parallel>], iteration_bounds = array<i64: 2, 16>, scalar_prefetch = 0 : i64, scratch_operands = 6 : i64, tpu.core_type = #tpu.core_type<sc_vector_subcore>, window_params = [{transform_indices = #map}, {transform_indices = #map1}, {transform_indices = #map1}, {transform_indices = #map}, {transform_indices = #map}]} {
    %mul3A = arith.constant 2 : i32
    %mul3A_0 = arith.muli %arg1, %mul3A : i32
    %add3A = arith.addi %mul3A_0, %arg0 : i32
    "tpu.region"() ({
      %run_scoped3A = tpu.sem_alloc : memref<!tpu.dma_semaphore, #tpu.memory_space<semaphore_mem>>
      tpu.enqueue_dma source(%arg5 : memref<80x128xf32, #tpu.memory_space<hbm>>) target(%arg10 : memref<80x128xf32, #tpu.memory_space<vmem>>) target_semaphore(%run_scoped3A : memref<!tpu.dma_semaphore, #tpu.memory_space<semaphore_mem>>)
      tpu.wait_dma2 semaphore(%run_scoped3A : memref<!tpu.dma_semaphore, #tpu.memory_space<semaphore_mem>>) src(%arg5 : memref<80x128xf32, #tpu.memory_space<hbm>>) dst(%arg10 : memref<80x128xf32, #tpu.memory_space<vmem>>)
      tpu.yield
    }) : () -> ()
    %mul3A_1 = arith.constant 640 : i32
    %mul3A_2 = arith.muli %arg1, %mul3A_1 : i32
    %add3A_3 = arith.constant 0 : i32
    %add3A_4 = arith.addi %mul3A_2, %add3A_3 : i32
    %multiple_of3A = tpu.assume_multiple %add3A_4, 8 : i32
    "tpu.region"() ({
      %run_scoped3A = tpu.sem_alloc : memref<!tpu.dma_semaphore, #tpu.memory_space<semaphore_mem>>
      %dma_start3A = arith.constant 0 : i32
      %dma_start3A_57 = tpu.memref_slice %arg12[%multiple_of3A, %dma_start3A] : memref<10240x128xf32, #tpu.memory_space<vmem_shared>> -> memref<80x128xf32, #tpu.memory_space<vmem_shared>>
      %dma_start3A_58 = arith.constant 0 : i32
      %dma_start3A_59 = tpu.memref_slice %arg12[%multiple_of3A, %dma_start3A_58] : memref<10240x128xf32, #tpu.memory_space<vmem_shared>> -> memref<80x128xf32, #tpu.memory_space<vmem_shared>>
      tpu.enqueue_dma source(%arg10 : memref<80x128xf32, #tpu.memory_space<vmem>>) target(%dma_start3A_59 : memref<80x128xf32, #tpu.memory_space<vmem_shared>>) target_semaphore(%run_scoped3A : memref<!tpu.dma_semaphore, #tpu.memory_space<semaphore_mem>>)
      %dma_wait3A = arith.constant 0 : i32
      %dma_wait3A_60 = tpu.memref_slice %arg12[%multiple_of3A, %dma_wait3A] : memref<10240x128xf32, #tpu.memory_space<vmem_shared>> -> memref<80x128xf32, #tpu.memory_space<vmem_shared>>
      %dma_wait3A_61 = arith.constant 0 : i32
      %dma_wait3A_62 = tpu.memref_slice %arg12[%multiple_of3A, %dma_wait3A_61] : memref<10240x128xf32, #tpu.memory_space<vmem_shared>> -> memref<80x128xf32, #tpu.memory_space<vmem_shared>>
      tpu.wait_dma2 semaphore(%run_scoped3A : memref<!tpu.dma_semaphore, #tpu.memory_space<semaphore_mem>>) src(%arg10 : memref<80x128xf32, #tpu.memory_space<vmem>>) dst(%dma_wait3A_62 : memref<80x128xf32, #tpu.memory_space<vmem_shared>>)
      tpu.yield
    }) : () -> ()
    %mul3A_5 = arith.constant 640 : i32
    %mul3A_6 = arith.muli %arg1, %mul3A_5 : i32
    %add3A_7 = arith.constant 80 : i32
    %add3A_8 = arith.addi %mul3A_6, %add3A_7 : i32
    %multiple_of3A_9 = tpu.assume_multiple %add3A_8, 8 : i32
    "tpu.region"() ({
      %run_scoped3A = tpu.sem_alloc : memref<!tpu.dma_semaphore, #tpu.memory_space<semaphore_mem>>
      %dma_start3A = arith.constant 0 : i32
      %dma_start3A_57 = tpu.memref_slice %arg12[%multiple_of3A_9, %dma_start3A] : memref<10240x128xf32, #tpu.memory_space<vmem_shared>> -> memref<80x128xf32, #tpu.memory_space<vmem_shared>>
      %dma_start3A_58 = arith.constant 0 : i32
      %dma_start3A_59 = tpu.memref_slice %arg12[%multiple_of3A_9, %dma_start3A_58] : memref<10240x128xf32, #tpu.memory_space<vmem_shared>> -> memref<80x128xf32, #tpu.memory_space<vmem_shared>>
      tpu.enqueue_dma source(%arg10 : memref<80x128xf32, #tpu.memory_space<vmem>>) target(%dma_start3A_59 : memref<80x128xf32, #tpu.memory_space<vmem_shared>>) target_semaphore(%run_scoped3A : memref<!tpu.dma_semaphore, #tpu.memory_space<semaphore_mem>>)
      %dma_wait3A = arith.constant 0 : i32
      %dma_wait3A_60 = tpu.memref_slice %arg12[%multiple_of3A_9, %dma_wait3A] : memref<10240x128xf32, #tpu.memory_space<vmem_shared>> -> memref<80x128xf32, #tpu.memory_space<vmem_shared>>
      %dma_wait3A_61 = arith.constant 0 : i32
      %dma_wait3A_62 = tpu.memref_slice %arg12[%multiple_of3A_9, %dma_wait3A_61] : memref<10240x128xf32, #tpu.memory_space<vmem_shared>> -> memref<80x128xf32, #tpu.memory_space<vmem_shared>>
      tpu.wait_dma2 semaphore(%run_scoped3A : memref<!tpu.dma_semaphore, #tpu.memory_space<semaphore_mem>>) src(%arg10 : memref<80x128xf32, #tpu.memory_space<vmem>>) dst(%dma_wait3A_62 : memref<80x128xf32, #tpu.memory_space<vmem_shared>>)
      tpu.yield
    }) : () -> ()
    %mul3A_10 = arith.constant 640 : i32
    %mul3A_11 = arith.muli %arg1, %mul3A_10 : i32
    %add3A_12 = arith.constant 160 : i32
    %add3A_13 = arith.addi %mul3A_11, %add3A_12 : i32
    %multiple_of3A_14 = tpu.assume_multiple %add3A_13, 8 : i32
    "tpu.region"() ({
      %run_scoped3A = tpu.sem_alloc : memref<!tpu.dma_semaphore, #tpu.memory_space<semaphore_mem>>
      %dma_start3A = arith.constant 0 : i32
      %dma_start3A_57 = tpu.memref_slice %arg12[%multiple_of3A_14, %dma_start3A] : memref<10240x128xf32, #tpu.memory_space<vmem_shared>> -> memref<80x128xf32, #tpu.memory_space<vmem_shared>>
      %dma_start3A_58 = arith.constant 0 : i32
      %dma_start3A_59 = tpu.memref_slice %arg12[%multiple_of3A_14, %dma_start3A_58] : memref<10240x128xf32, #tpu.memory_space<vmem_shared>> -> memref<80x128xf32, #tpu.memory_space<vmem_shared>>
      tpu.enqueue_dma source(%arg10 : memref<80x128xf32, #tpu.memory_space<vmem>>) target(%dma_start3A_59 : memref<80x128xf32, #tpu.memory_space<vmem_shared>>) target_semaphore(%run_scoped3A : memref<!tpu.dma_semaphore, #tpu.memory_space<semaphore_mem>>)
      %dma_wait3A = arith.constant 0 : i32
      %dma_wait3A_60 = tpu.memref_slice %arg12[%multiple_of3A_14, %dma_wait3A] : memref<10240x128xf32, #tpu.memory_space<vmem_shared>> -> memref<80x128xf32, #tpu.memory_space<vmem_shared>>
      %dma_wait3A_61 = arith.constant 0 : i32
      %dma_wait3A_62 = tpu.memref_slice %arg12[%multiple_of3A_14, %dma_wait3A_61] : memref<10240x128xf32, #tpu.memory_space<vmem_shared>> -> memref<80x128xf32, #tpu.memory_space<vmem_shared>>
      tpu.wait_dma2 semaphore(%run_scoped3A : memref<!tpu.dma_semaphore, #tpu.memory_space<semaphore_mem>>) src(%arg10 : memref<80x128xf32, #tpu.memory_space<vmem>>) dst(%dma_wait3A_62 : memref<80x128xf32, #tpu.memory_space<vmem_shared>>)
      tpu.yield
    }) : () -> ()
    %mul3A_15 = arith.constant 640 : i32
    %mul3A_16 = arith.muli %arg1, %mul3A_15 : i32
    %add3A_17 = arith.constant 240 : i32
    %add3A_18 = arith.addi %mul3A_16, %add3A_17 : i32
    %multiple_of3A_19 = tpu.assume_multiple %add3A_18, 8 : i32
    "tpu.region"() ({
      %run_scoped3A = tpu.sem_alloc : memref<!tpu.dma_semaphore, #tpu.memory_space<semaphore_mem>>
      %dma_start3A = arith.constant 0 : i32
      %dma_start3A_57 = tpu.memref_slice %arg12[%multiple_of3A_19, %dma_start3A] : memref<10240x128xf32, #tpu.memory_space<vmem_shared>> -> memref<80x128xf32, #tpu.memory_space<vmem_shared>>
      %dma_start3A_58 = arith.constant 0 : i32
      %dma_start3A_59 = tpu.memref_slice %arg12[%multiple_of3A_19, %dma_start3A_58] : memref<10240x128xf32, #tpu.memory_space<vmem_shared>> -> memref<80x128xf32, #tpu.memory_space<vmem_shared>>
      tpu.enqueue_dma source(%arg10 : memref<80x128xf32, #tpu.memory_space<vmem>>) target(%dma_start3A_59 : memref<80x128xf32, #tpu.memory_space<vmem_shared>>) target_semaphore(%run_scoped3A : memref<!tpu.dma_semaphore, #tpu.memory_space<semaphore_mem>>)
      %dma_wait3A = arith.constant 0 : i32
      %dma_wait3A_60 = tpu.memref_slice %arg12[%multiple_of3A_19, %dma_wait3A] : memref<10240x128xf32, #tpu.memory_space<vmem_shared>> -> memref<80x128xf32, #tpu.memory_space<vmem_shared>>
      %dma_wait3A_61 = arith.constant 0 : i32
      %dma_wait3A_62 = tpu.memref_slice %arg12[%multiple_of3A_19, %dma_wait3A_61] : memref<10240x128xf32, #tpu.memory_space<vmem_shared>> -> memref<80x128xf32, #tpu.memory_space<vmem_shared>>
      tpu.wait_dma2 semaphore(%run_scoped3A : memref<!tpu.dma_semaphore, #tpu.memory_space<semaphore_mem>>) src(%arg10 : memref<80x128xf32, #tpu.memory_space<vmem>>) dst(%dma_wait3A_62 : memref<80x128xf32, #tpu.memory_space<vmem_shared>>)
      tpu.yield
    }) : () -> ()
    %mul3A_20 = arith.constant 640 : i32
    %mul3A_21 = arith.muli %arg1, %mul3A_20 : i32
    %add3A_22 = arith.constant 320 : i32
    %add3A_23 = arith.addi %mul3A_21, %add3A_22 : i32
    %multiple_of3A_24 = tpu.assume_multiple %add3A_23, 8 : i32
    "tpu.region"() ({
      %run_scoped3A = tpu.sem_alloc : memref<!tpu.dma_semaphore, #tpu.memory_space<semaphore_mem>>
      %dma_start3A = arith.constant 0 : i32
      %dma_start3A_57 = tpu.memref_slice %arg12[%multiple_of3A_24, %dma_start3A] : memref<10240x128xf32, #tpu.memory_space<vmem_shared>> -> memref<80x128xf32, #tpu.memory_space<vmem_shared>>
      %dma_start3A_58 = arith.constant 0 : i32
      %dma_start3A_59 = tpu.memref_slice %arg12[%multiple_of3A_24, %dma_start3A_58] : memref<10240x128xf32, #tpu.memory_space<vmem_shared>> -> memref<80x128xf32, #tpu.memory_space<vmem_shared>>
      tpu.enqueue_dma source(%arg10 : memref<80x128xf32, #tpu.memory_space<vmem>>) target(%dma_start3A_59 : memref<80x128xf32, #tpu.memory_space<vmem_shared>>) target_semaphore(%run_scoped3A : memref<!tpu.dma_semaphore, #tpu.memory_space<semaphore_mem>>)
      %dma_wait3A = arith.constant 0 : i32
      %dma_wait3A_60 = tpu.memref_slice %arg12[%multiple_of3A_24, %dma_wait3A] : memref<10240x128xf32, #tpu.memory_space<vmem_shared>> -> memref<80x128xf32, #tpu.memory_space<vmem_shared>>
      %dma_wait3A_61 = arith.constant 0 : i32
      %dma_wait3A_62 = tpu.memref_slice %arg12[%multiple_of3A_24, %dma_wait3A_61] : memref<10240x128xf32, #tpu.memory_space<vmem_shared>> -> memref<80x128xf32, #tpu.memory_space<vmem_shared>>
      tpu.wait_dma2 semaphore(%run_scoped3A : memref<!tpu.dma_semaphore, #tpu.memory_space<semaphore_mem>>) src(%arg10 : memref<80x128xf32, #tpu.memory_space<vmem>>) dst(%dma_wait3A_62 : memref<80x128xf32, #tpu.memory_space<vmem_shared>>)
      tpu.yield
    }) : () -> ()
    %mul3A_25 = arith.constant 640 : i32
    %mul3A_26 = arith.muli %arg1, %mul3A_25 : i32
    %add3A_27 = arith.constant 400 : i32
    %add3A_28 = arith.addi %mul3A_26, %add3A_27 : i32
    %multiple_of3A_29 = tpu.assume_multiple %add3A_28, 8 : i32
    "tpu.region"() ({
      %run_scoped3A = tpu.sem_alloc : memref<!tpu.dma_semaphore, #tpu.memory_space<semaphore_mem>>
      %dma_start3A = arith.constant 0 : i32
      %dma_start3A_57 = tpu.memref_slice %arg12[%multiple_of3A_29, %dma_start3A] : memref<10240x128xf32, #tpu.memory_space<vmem_shared>> -> memref<80x128xf32, #tpu.memory_space<vmem_shared>>
      %dma_start3A_58 = arith.constant 0 : i32
      %dma_start3A_59 = tpu.memref_slice %arg12[%multiple_of3A_29, %dma_start3A_58] : memref<10240x128xf32, #tpu.memory_space<vmem_shared>> -> memref<80x128xf32, #tpu.memory_space<vmem_shared>>
      tpu.enqueue_dma source(%arg10 : memref<80x128xf32, #tpu.memory_space<vmem>>) target(%dma_start3A_59 : memref<80x128xf32, #tpu.memory_space<vmem_shared>>) target_semaphore(%run_scoped3A : memref<!tpu.dma_semaphore, #tpu.memory_space<semaphore_mem>>)
      %dma_wait3A = arith.constant 0 : i32
      %dma_wait3A_60 = tpu.memref_slice %arg12[%multiple_of3A_29, %dma_wait3A] : memref<10240x128xf32, #tpu.memory_space<vmem_shared>> -> memref<80x128xf32, #tpu.memory_space<vmem_shared>>
      %dma_wait3A_61 = arith.constant 0 : i32
      %dma_wait3A_62 = tpu.memref_slice %arg12[%multiple_of3A_29, %dma_wait3A_61] : memref<10240x128xf32, #tpu.memory_space<vmem_shared>> -> memref<80x128xf32, #tpu.memory_space<vmem_shared>>
      tpu.wait_dma2 semaphore(%run_scoped3A : memref<!tpu.dma_semaphore, #tpu.memory_space<semaphore_mem>>) src(%arg10 : memref<80x128xf32, #tpu.memory_space<vmem>>) dst(%dma_wait3A_62 : memref<80x128xf32, #tpu.memory_space<vmem_shared>>)
      tpu.yield
    }) : () -> ()
    %mul3A_30 = arith.constant 640 : i32
    %mul3A_31 = arith.muli %arg1, %mul3A_30 : i32
    %add3A_32 = arith.constant 480 : i32
    %add3A_33 = arith.addi %mul3A_31, %add3A_32 : i32
    %multiple_of3A_34 = tpu.assume_multiple %add3A_33, 8 : i32
    "tpu.region"() ({
      %run_scoped3A = tpu.sem_alloc : memref<!tpu.dma_semaphore, #tpu.memory_space<semaphore_mem>>
      %dma_start3A = arith.constant 0 : i32
      %dma_start3A_57 = tpu.memref_slice %arg12[%multiple_of3A_34, %dma_start3A] : memref<10240x128xf32, #tpu.memory_space<vmem_shared>> -> memref<80x128xf32, #tpu.memory_space<vmem_shared>>
      %dma_start3A_58 = arith.constant 0 : i32
      %dma_start3A_59 = tpu.memref_slice %arg12[%multiple_of3A_34, %dma_start3A_58] : memref<10240x128xf32, #tpu.memory_space<vmem_shared>> -> memref<80x128xf32, #tpu.memory_space<vmem_shared>>
      tpu.enqueue_dma source(%arg10 : memref<80x128xf32, #tpu.memory_space<vmem>>) target(%dma_start3A_59 : memref<80x128xf32, #tpu.memory_space<vmem_shared>>) target_semaphore(%run_scoped3A : memref<!tpu.dma_semaphore, #tpu.memory_space<semaphore_mem>>)
      %dma_wait3A = arith.constant 0 : i32
      %dma_wait3A_60 = tpu.memref_slice %arg12[%multiple_of3A_34, %dma_wait3A] : memref<10240x128xf32, #tpu.memory_space<vmem_shared>> -> memref<80x128xf32, #tpu.memory_space<vmem_shared>>
      %dma_wait3A_61 = arith.constant 0 : i32
      %dma_wait3A_62 = tpu.memref_slice %arg12[%multiple_of3A_34, %dma_wait3A_61] : memref<10240x128xf32, #tpu.memory_space<vmem_shared>> -> memref<80x128xf32, #tpu.memory_space<vmem_shared>>
      tpu.wait_dma2 semaphore(%run_scoped3A : memref<!tpu.dma_semaphore, #tpu.memory_space<semaphore_mem>>) src(%arg10 : memref<80x128xf32, #tpu.memory_space<vmem>>) dst(%dma_wait3A_62 : memref<80x128xf32, #tpu.memory_space<vmem_shared>>)
      tpu.yield
    }) : () -> ()
    %mul3A_35 = arith.constant 640 : i32
    %mul3A_36 = arith.muli %arg1, %mul3A_35 : i32
    %add3A_37 = arith.constant 560 : i32
    %add3A_38 = arith.addi %mul3A_36, %add3A_37 : i32
    %multiple_of3A_39 = tpu.assume_multiple %add3A_38, 8 : i32
    "tpu.region"() ({
      %run_scoped3A = tpu.sem_alloc : memref<!tpu.dma_semaphore, #tpu.memory_space<semaphore_mem>>
      %dma_start3A = arith.constant 0 : i32
      %dma_start3A_57 = tpu.memref_slice %arg12[%multiple_of3A_39, %dma_start3A] : memref<10240x128xf32, #tpu.memory_space<vmem_shared>> -> memref<80x128xf32, #tpu.memory_space<vmem_shared>>
      %dma_start3A_58 = arith.constant 0 : i32
      %dma_start3A_59 = tpu.memref_slice %arg12[%multiple_of3A_39, %dma_start3A_58] : memref<10240x128xf32, #tpu.memory_space<vmem_shared>> -> memref<80x128xf32, #tpu.memory_space<vmem_shared>>
      tpu.enqueue_dma source(%arg10 : memref<80x128xf32, #tpu.memory_space<vmem>>) target(%dma_start3A_59 : memref<80x128xf32, #tpu.memory_space<vmem_shared>>) target_semaphore(%run_scoped3A : memref<!tpu.dma_semaphore, #tpu.memory_space<semaphore_mem>>)
      %dma_wait3A = arith.constant 0 : i32
      %dma_wait3A_60 = tpu.memref_slice %arg12[%multiple_of3A_39, %dma_wait3A] : memref<10240x128xf32, #tpu.memory_space<vmem_shared>> -> memref<80x128xf32, #tpu.memory_space<vmem_shared>>
      %dma_wait3A_61 = arith.constant 0 : i32
      %dma_wait3A_62 = tpu.memref_slice %arg12[%multiple_of3A_39, %dma_wait3A_61] : memref<10240x128xf32, #tpu.memory_space<vmem_shared>> -> memref<80x128xf32, #tpu.memory_space<vmem_shared>>
      tpu.wait_dma2 semaphore(%run_scoped3A : memref<!tpu.dma_semaphore, #tpu.memory_space<semaphore_mem>>) src(%arg10 : memref<80x128xf32, #tpu.memory_space<vmem>>) dst(%dma_wait3A_62 : memref<80x128xf32, #tpu.memory_space<vmem_shared>>)
      tpu.yield
    }) : () -> ()
    %barrier3A = arith.constant 0 : index
    tpu.barrier barrier_id(%barrier3A)
    %mul3A_40 = arith.constant 10000 : i32
    %mul3A_41 = arith.muli %add3A, %mul3A_40 : i32
    %scan3A = arith.constant 0 : i32
    %scan3A_42 = arith.constant 0 : i32
    %scan3A_43 = arith.constant 125 : i32
    %scan3A_44 = arith.addi %scan3A_42, %scan3A_43 : i32
    %scan3A_45 = arith.constant 1 : i32
    scf.for %scan3A_57 = %scan3A_42 to %scan3A_44 step %scan3A_45  : i32 {
      %mul3A_58 = arith.constant 80 : i32
      %mul3A_59 = arith.muli %scan3A_57, %mul3A_58 : i32
      %add3A_60 = arith.addi %mul3A_41, %mul3A_59 : i32
      %multiple_of3A_61 = tpu.assume_multiple %add3A_60, 8 : i32
      "tpu.region"() ({
        %run_scoped3A = tpu.sem_alloc : memref<!tpu.dma_semaphore, #tpu.memory_space<semaphore_mem>>
        %dma_start3A_66 = tpu.memref_slice %arg3[%multiple_of3A_61] : memref<320000xi32, #tpu.memory_space<hbm>> -> memref<80xi32, #tpu.memory_space<hbm>>
        %dma_start3A_67 = tpu.memref_slice %arg3[%multiple_of3A_61] : memref<320000xi32, #tpu.memory_space<hbm>> -> memref<80xi32, #tpu.memory_space<hbm>>
        tpu.enqueue_dma source(%dma_start3A_67 : memref<80xi32, #tpu.memory_space<hbm>>) target(%arg7 : memref<80xi32, #tpu.memory_space<vmem>>) target_semaphore(%run_scoped3A : memref<!tpu.dma_semaphore, #tpu.memory_space<semaphore_mem>>)
        %dma_wait3A_68 = tpu.memref_slice %arg3[%multiple_of3A_61] : memref<320000xi32, #tpu.memory_space<hbm>> -> memref<80xi32, #tpu.memory_space<hbm>>
        %dma_wait3A_69 = tpu.memref_slice %arg3[%multiple_of3A_61] : memref<320000xi32, #tpu.memory_space<hbm>> -> memref<80xi32, #tpu.memory_space<hbm>>
        tpu.wait_dma2 semaphore(%run_scoped3A : memref<!tpu.dma_semaphore, #tpu.memory_space<semaphore_mem>>) src(%dma_wait3A_69 : memref<80xi32, #tpu.memory_space<hbm>>) dst(%arg7 : memref<80xi32, #tpu.memory_space<vmem>>)
        tpu.yield
      }) : () -> ()
      "tpu.region"() ({
        %run_scoped3A = tpu.sem_alloc : memref<!tpu.dma_semaphore, #tpu.memory_space<semaphore_mem>>
        %dma_start3A_66 = tpu.memref_slice %arg4[%multiple_of3A_61] : memref<320000xi32, #tpu.memory_space<hbm>> -> memref<80xi32, #tpu.memory_space<hbm>>
        %dma_start3A_67 = tpu.memref_slice %arg4[%multiple_of3A_61] : memref<320000xi32, #tpu.memory_space<hbm>> -> memref<80xi32, #tpu.memory_space<hbm>>
        tpu.enqueue_dma source(%dma_start3A_67 : memref<80xi32, #tpu.memory_space<hbm>>) target(%arg8 : memref<80xi32, #tpu.memory_space<vmem>>) target_semaphore(%run_scoped3A : memref<!tpu.dma_semaphore, #tpu.memory_space<semaphore_mem>>)
        %dma_wait3A_68 = tpu.memref_slice %arg4[%multiple_of3A_61] : memref<320000xi32, #tpu.memory_space<hbm>> -> memref<80xi32, #tpu.memory_space<hbm>>
        %dma_wait3A_69 = tpu.memref_slice %arg4[%multiple_of3A_61] : memref<320000xi32, #tpu.memory_space<hbm>> -> memref<80xi32, #tpu.memory_space<hbm>>
        tpu.wait_dma2 semaphore(%run_scoped3A : memref<!tpu.dma_semaphore, #tpu.memory_space<semaphore_mem>>) src(%dma_wait3A_69 : memref<80xi32, #tpu.memory_space<hbm>>) dst(%arg8 : memref<80xi32, #tpu.memory_space<vmem>>)
        tpu.yield
      }) : () -> ()
      %dma_start3A = arith.constant 0 : i32
      %dma_start3A_62 = arith.constant 0 : i32
      %dma_start3A_63 = tpu.memref_slice %arg2[%dma_start3A, %dma_start3A_62] : memref<10240x128xf32, #tpu.memory_space<hbm>> -> memref<10240x128xf32, #tpu.memory_space<hbm>>
      tpu.enqueue_indirect_dma source(%dma_start3A_63 : memref<10240x128xf32, #tpu.memory_space<hbm>>) target(%arg9 : memref<80x128xf32, #tpu.memory_space<vmem>>) offsets(%arg7 : memref<80xi32, #tpu.memory_space<vmem>>) semaphore(%arg11 : memref<!tpu.dma_semaphore, #tpu.memory_space<semaphore_mem>>)
      %dma_wait3A = arith.constant 0 : i32
      %dma_wait3A_64 = arith.constant 0 : i32
      %dma_wait3A_65 = tpu.memref_slice %arg2[%dma_wait3A, %dma_wait3A_64] : memref<10240x128xf32, #tpu.memory_space<hbm>> -> memref<10240x128xf32, #tpu.memory_space<hbm>>
      tpu.wait_indirect_dma semaphore(%arg11 : memref<!tpu.dma_semaphore, #tpu.memory_space<semaphore_mem>>) src(%dma_wait3A_65 : memref<10240x128xf32, #tpu.memory_space<hbm>>) dst(%arg9 : memref<80x128xf32, #tpu.memory_space<vmem>>)
      "tpu.region"() ({
        %run_scoped3A = tpu.sem_alloc : memref<!tpu.dma_semaphore, #tpu.memory_space<semaphore_mem>>
        %dma_start3A_66 = arith.constant 0 : i32
        %dma_start3A_67 = arith.constant 0 : i32
        %dma_start3A_68 = tpu.memref_slice %arg12[%dma_start3A_66, %dma_start3A_67] : memref<10240x128xf32, #tpu.memory_space<vmem_shared>> -> memref<10240x128xf32, #tpu.memory_space<vmem_shared>>
        tpu.enqueue_indirect_dma source(%arg9 : memref<80x128xf32, #tpu.memory_space<vmem>>) target(%dma_start3A_68 : memref<10240x128xf32, #tpu.memory_space<vmem_shared>>) offsets(%arg8 : memref<80xi32, #tpu.memory_space<vmem>>) semaphore(%run_scoped3A : memref<!tpu.dma_semaphore, #tpu.memory_space<semaphore_mem>>) {add = true}
        %dma_wait3A_69 = arith.constant 0 : i32
        %dma_wait3A_70 = arith.constant 0 : i32
        %dma_wait3A_71 = tpu.memref_slice %arg12[%dma_wait3A_69, %dma_wait3A_70] : memref<10240x128xf32, #tpu.memory_space<vmem_shared>> -> memref<10240x128xf32, #tpu.memory_space<vmem_shared>>
        tpu.wait_indirect_dma semaphore(%run_scoped3A : memref<!tpu.dma_semaphore, #tpu.memory_space<semaphore_mem>>) src(%arg9 : memref<80x128xf32, #tpu.memory_space<vmem>>) dst(%dma_wait3A_71 : memref<10240x128xf32, #tpu.memory_space<vmem_shared>>)
        tpu.yield
      }) : () -> ()
    }
    %scan3A_46 = arith.constant 125 : i32
    %barrier3A_47 = arith.constant 0 : index
    tpu.barrier barrier_id(%barrier3A_47)
    %mul3A_48 = arith.constant 10240 : i32
    %mul3A_49 = arith.muli %arg0, %mul3A_48 : i32
    %mul3A_50 = arith.constant 640 : i32
    %mul3A_51 = arith.muli %arg1, %mul3A_50 : i32
    %add3A_52 = arith.addi %mul3A_49, %mul3A_51 : i32
    %multiple_of3A_53 = tpu.assume_multiple %add3A_52, 8 : i32
    %mul3A_54 = arith.constant 640 : i32
    %mul3A_55 = arith.muli %arg1, %mul3A_54 : i32
    %multiple_of3A_56 = tpu.assume_multiple %mul3A_55, 8 : i32
    "tpu.region"() ({
      %run_scoped3A = tpu.sem_alloc : memref<!tpu.dma_semaphore, #tpu.memory_space<semaphore_mem>>
      %dma_start3A = arith.constant 0 : i32
      %dma_start3A_57 = tpu.memref_slice %arg6[%multiple_of3A_53, %dma_start3A] : memref<20480x128xf32, #tpu.memory_space<hbm>> -> memref<640x128xf32, #tpu.memory_space<hbm>>
      %dma_start3A_58 = arith.constant 0 : i32
      %dma_start3A_59 = tpu.memref_slice %arg12[%multiple_of3A_56, %dma_start3A_58] : memref<10240x128xf32, #tpu.memory_space<vmem_shared>> -> memref<640x128xf32, #tpu.memory_space<vmem_shared>>
      tpu.enqueue_dma source(%dma_start3A_59 : memref<640x128xf32, #tpu.memory_space<vmem_shared>>) target(%dma_start3A_57 : memref<640x128xf32, #tpu.memory_space<hbm>>) target_semaphore(%run_scoped3A : memref<!tpu.dma_semaphore, #tpu.memory_space<semaphore_mem>>)
      %dma_wait3A = arith.constant 0 : i32
      %dma_wait3A_60 = tpu.memref_slice %arg6[%multiple_of3A_53, %dma_wait3A] : memref<20480x128xf32, #tpu.memory_space<hbm>> -> memref<640x128xf32, #tpu.memory_space<hbm>>
      %dma_wait3A_61 = arith.constant 0 : i32
      %dma_wait3A_62 = tpu.memref_slice %arg12[%multiple_of3A_56, %dma_wait3A_61] : memref<10240x128xf32, #tpu.memory_space<vmem_shared>> -> memref<640x128xf32, #tpu.memory_space<vmem_shared>>
      tpu.wait_dma2 semaphore(%run_scoped3A : memref<!tpu.dma_semaphore, #tpu.memory_space<semaphore_mem>>) src(%dma_wait3A_62 : memref<640x128xf32, #tpu.memory_space<vmem_shared>>) dst(%dma_wait3A_60 : memref<640x128xf32, #tpu.memory_space<hbm>>)
      tpu.yield
    }) : () -> ()
    return
  }
}

#map = affine_map<(d0, d1) -> (0, 0)>
#map1 = affine_map<(d0, d1) -> (0)>
module attributes {stable_mosaic.version = 14 : i64} {
  func.func @k(%arg0: i32, %arg1: i32, %arg2: memref<10240x128xf32, #tpu.memory_space<hbm>>, %arg3: memref<320000xi32, #tpu.memory_space<hbm>>, %arg4: memref<320000xi32, #tpu.memory_space<hbm>>, %arg5: memref<80x128xf32, #tpu.memory_space<hbm>>, %arg6: memref<20480x128xf32, #tpu.memory_space<hbm>>, %arg7: memref<80xi32, #tpu.memory_space<vmem>>, %arg8: memref<80xi32, #tpu.memory_space<vmem>>, %arg9: memref<80x128xf32, #tpu.memory_space<vmem>>, %arg10: memref<80x128xf32, #tpu.memory_space<vmem>>, %arg11: memref<!tpu.dma_semaphore, #tpu.memory_space<semaphore_mem>>, %arg12: memref<10240x128xf32, #tpu.memory_space<vmem_shared>>) attributes {dimension_semantics = [#tpu.dimension_semantics<core_parallel>, #tpu.dimension_semantics<subcore_parallel>], iteration_bounds = array<i64: 2, 16>, scalar_prefetch = 0 : i64, scratch_operands = 6 : i64, tpu.core_type = #tpu.core_type<sc_vector_subcore>, window_params = [{transform_indices = #map}, {transform_indices = #map1}, {transform_indices = #map1}, {transform_indices = #map}, {transform_indices = #map}]} {
    %mul3A = arith.constant 2 : i32
    %mul3A_0 = arith.muli %arg1, %mul3A : i32
    %add3A = arith.addi %mul3A_0, %arg0 : i32
    "tpu.region"() ({
      %run_scoped3A = tpu.sem_alloc : memref<!tpu.dma_semaphore, #tpu.memory_space<semaphore_mem>>
      tpu.enqueue_dma source(%arg5 : memref<80x128xf32, #tpu.memory_space<hbm>>) target(%arg10 : memref<80x128xf32, #tpu.memory_space<vmem>>) target_semaphore(%run_scoped3A : memref<!tpu.dma_semaphore, #tpu.memory_space<semaphore_mem>>)
      tpu.wait_dma2 semaphore(%run_scoped3A : memref<!tpu.dma_semaphore, #tpu.memory_space<semaphore_mem>>) src(%arg5 : memref<80x128xf32, #tpu.memory_space<hbm>>) dst(%arg10 : memref<80x128xf32, #tpu.memory_space<vmem>>)
      tpu.yield
    }) : () -> ()
    %mul3A_1 = arith.constant 640 : i32
    %mul3A_2 = arith.muli %arg1, %mul3A_1 : i32
    %add3A_3 = arith.constant 0 : i32
    %add3A_4 = arith.addi %mul3A_2, %add3A_3 : i32
    %multiple_of3A = tpu.assume_multiple %add3A_4, 8 : i32
    "tpu.region"() ({
      %run_scoped3A = tpu.sem_alloc : memref<!tpu.dma_semaphore, #tpu.memory_space<semaphore_mem>>
      %dma_start3A = arith.constant 0 : i32
      %dma_start3A_57 = tpu.memref_slice %arg12[%multiple_of3A, %dma_start3A] : memref<10240x128xf32, #tpu.memory_space<vmem_shared>> -> memref<80x128xf32, #tpu.memory_space<vmem_shared>>
      %dma_start3A_58 = arith.constant 0 : i32
      %dma_start3A_59 = tpu.memref_slice %arg12[%multiple_of3A, %dma_start3A_58] : memref<10240x128xf32, #tpu.memory_space<vmem_shared>> -> memref<80x128xf32, #tpu.memory_space<vmem_shared>>
      tpu.enqueue_dma source(%arg10 : memref<80x128xf32, #tpu.memory_space<vmem>>) target(%dma_start3A_59 : memref<80x128xf32, #tpu.memory_space<vmem_shared>>) target_semaphore(%run_scoped3A : memref<!tpu.dma_semaphore, #tpu.memory_space<semaphore_mem>>)
      %dma_wait3A = arith.constant 0 : i32
      %dma_wait3A_60 = tpu.memref_slice %arg12[%multiple_of3A, %dma_wait3A] : memref<10240x128xf32, #tpu.memory_space<vmem_shared>> -> memref<80x128xf32, #tpu.memory_space<vmem_shared>>
      %dma_wait3A_61 = arith.constant 0 : i32
      %dma_wait3A_62 = tpu.memref_slice %arg12[%multiple_of3A, %dma_wait3A_61] : memref<10240x128xf32, #tpu.memory_space<vmem_shared>> -> memref<80x128xf32, #tpu.memory_space<vmem_shared>>
      tpu.wait_dma2 semaphore(%run_scoped3A : memref<!tpu.dma_semaphore, #tpu.memory_space<semaphore_mem>>) src(%arg10 : memref<80x128xf32, #tpu.memory_space<vmem>>) dst(%dma_wait3A_62 : memref<80x128xf32, #tpu.memory_space<vmem_shared>>)
      tpu.yield
    }) : () -> ()
    %mul3A_5 = arith.constant 640 : i32
    %mul3A_6 = arith.muli %arg1, %mul3A_5 : i32
    %add3A_7 = arith.constant 80 : i32
    %add3A_8 = arith.addi %mul3A_6, %add3A_7 : i32
    %multiple_of3A_9 = tpu.assume_multiple %add3A_8, 8 : i32
    "tpu.region"() ({
      %run_scoped3A = tpu.sem_alloc : memref<!tpu.dma_semaphore, #tpu.memory_space<semaphore_mem>>
      %dma_start3A = arith.constant 0 : i32
      %dma_start3A_57 = tpu.memref_slice %arg12[%multiple_of3A_9, %dma_start3A] : memref<10240x128xf32, #tpu.memory_space<vmem_shared>> -> memref<80x128xf32, #tpu.memory_space<vmem_shared>>
      %dma_start3A_58 = arith.constant 0 : i32
      %dma_start3A_59 = tpu.memref_slice %arg12[%multiple_of3A_9, %dma_start3A_58] : memref<10240x128xf32, #tpu.memory_space<vmem_shared>> -> memref<80x128xf32, #tpu.memory_space<vmem_shared>>
      tpu.enqueue_dma source(%arg10 : memref<80x128xf32, #tpu.memory_space<vmem>>) target(%dma_start3A_59 : memref<80x128xf32, #tpu.memory_space<vmem_shared>>) target_semaphore(%run_scoped3A : memref<!tpu.dma_semaphore, #tpu.memory_space<semaphore_mem>>)
      %dma_wait3A = arith.constant 0 : i32
      %dma_wait3A_60 = tpu.memref_slice %arg12[%multiple_of3A_9, %dma_wait3A] : memref<10240x128xf32, #tpu.memory_space<vmem_shared>> -> memref<80x128xf32, #tpu.memory_space<vmem_shared>>
      %dma_wait3A_61 = arith.constant 0 : i32
      %dma_wait3A_62 = tpu.memref_slice %arg12[%multiple_of3A_9, %dma_wait3A_61] : memref<10240x128xf32, #tpu.memory_space<vmem_shared>> -> memref<80x128xf32, #tpu.memory_space<vmem_shared>>
      tpu.wait_dma2 semaphore(%run_scoped3A : memref<!tpu.dma_semaphore, #tpu.memory_space<semaphore_mem>>) src(%arg10 : memref<80x128xf32, #tpu.memory_space<vmem>>) dst(%dma_wait3A_62 : memref<80x128xf32, #tpu.memory_space<vmem_shared>>)
      tpu.yield
    }) : () -> ()
    %mul3A_10 = arith.constant 640 : i32
    %mul3A_11 = arith.muli %arg1, %mul3A_10 : i32
    %add3A_12 = arith.constant 160 : i32
    %add3A_13 = arith.addi %mul3A_11, %add3A_12 : i32
    %multiple_of3A_14 = tpu.assume_multiple %add3A_13, 8 : i32
    "tpu.region"() ({
      %run_scoped3A = tpu.sem_alloc : memref<!tpu.dma_semaphore, #tpu.memory_space<semaphore_mem>>
      %dma_start3A = arith.constant 0 : i32
      %dma_start3A_57 = tpu.memref_slice %arg12[%multiple_of3A_14, %dma_start3A] : memref<10240x128xf32, #tpu.memory_space<vmem_shared>> -> memref<80x128xf32, #tpu.memory_space<vmem_shared>>
      %dma_start3A_58 = arith.constant 0 : i32
      %dma_start3A_59 = tpu.memref_slice %arg12[%multiple_of3A_14, %dma_start3A_58] : memref<10240x128xf32, #tpu.memory_space<vmem_shared>> -> memref<80x128xf32, #tpu.memory_space<vmem_shared>>
      tpu.enqueue_dma source(%arg10 : memref<80x128xf32, #tpu.memory_space<vmem>>) target(%dma_start3A_59 : memref<80x128xf32, #tpu.memory_space<vmem_shared>>) target_semaphore(%run_scoped3A : memref<!tpu.dma_semaphore, #tpu.memory_space<semaphore_mem>>)
      %dma_wait3A = arith.constant 0 : i32
      %dma_wait3A_60 = tpu.memref_slice %arg12[%multiple_of3A_14, %dma_wait3A] : memref<10240x128xf32, #tpu.memory_space<vmem_shared>> -> memref<80x128xf32, #tpu.memory_space<vmem_shared>>
      %dma_wait3A_61 = arith.constant 0 : i32
      %dma_wait3A_62 = tpu.memref_slice %arg12[%multiple_of3A_14, %dma_wait3A_61] : memref<10240x128xf32, #tpu.memory_space<vmem_shared>> -> memref<80x128xf32, #tpu.memory_space<vmem_shared>>
      tpu.wait_dma2 semaphore(%run_scoped3A : memref<!tpu.dma_semaphore, #tpu.memory_space<semaphore_mem>>) src(%arg10 : memref<80x128xf32, #tpu.memory_space<vmem>>) dst(%dma_wait3A_62 : memref<80x128xf32, #tpu.memory_space<vmem_shared>>)
      tpu.yield
    }) : () -> ()
    %mul3A_15 = arith.constant 640 : i32
    %mul3A_16 = arith.muli %arg1, %mul3A_15 : i32
    %add3A_17 = arith.constant 240 : i32
    %add3A_18 = arith.addi %mul3A_16, %add3A_17 : i32
    %multiple_of3A_19 = tpu.assume_multiple %add3A_18, 8 : i32
    "tpu.region"() ({
      %run_scoped3A = tpu.sem_alloc : memref<!tpu.dma_semaphore, #tpu.memory_space<semaphore_mem>>
      %dma_start3A = arith.constant 0 : i32
      %dma_start3A_57 = tpu.memref_slice %arg12[%multiple_of3A_19, %dma_start3A] : memref<10240x128xf32, #tpu.memory_space<vmem_shared>> -> memref<80x128xf32, #tpu.memory_space<vmem_shared>>
      %dma_start3A_58 = arith.constant 0 : i32
      %dma_start3A_59 = tpu.memref_slice %arg12[%multiple_of3A_19, %dma_start3A_58] : memref<10240x128xf32, #tpu.memory_space<vmem_shared>> -> memref<80x128xf32, #tpu.memory_space<vmem_shared>>
      tpu.enqueue_dma source(%arg10 : memref<80x128xf32, #tpu.memory_space<vmem>>) target(%dma_start3A_59 : memref<80x128xf32, #tpu.memory_space<vmem_shared>>) target_semaphore(%run_scoped3A : memref<!tpu.dma_semaphore, #tpu.memory_space<semaphore_mem>>)
      %dma_wait3A = arith.constant 0 : i32
      %dma_wait3A_60 = tpu.memref_slice %arg12[%multiple_of3A_19, %dma_wait3A] : memref<10240x128xf32, #tpu.memory_space<vmem_shared>> -> memref<80x128xf32, #tpu.memory_space<vmem_shared>>
      %dma_wait3A_61 = arith.constant 0 : i32
      %dma_wait3A_62 = tpu.memref_slice %arg12[%multiple_of3A_19, %dma_wait3A_61] : memref<10240x128xf32, #tpu.memory_space<vmem_shared>> -> memref<80x128xf32, #tpu.memory_space<vmem_shared>>
      tpu.wait_dma2 semaphore(%run_scoped3A : memref<!tpu.dma_semaphore, #tpu.memory_space<semaphore_mem>>) src(%arg10 : memref<80x128xf32, #tpu.memory_space<vmem>>) dst(%dma_wait3A_62 : memref<80x128xf32, #tpu.memory_space<vmem_shared>>)
      tpu.yield
    }) : () -> ()
    %mul3A_20 = arith.constant 640 : i32
    %mul3A_21 = arith.muli %arg1, %mul3A_20 : i32
    %add3A_22 = arith.constant 320 : i32
    %add3A_23 = arith.addi %mul3A_21, %add3A_22 : i32
    %multiple_of3A_24 = tpu.assume_multiple %add3A_23, 8 : i32
    "tpu.region"() ({
      %run_scoped3A = tpu.sem_alloc : memref<!tpu.dma_semaphore, #tpu.memory_space<semaphore_mem>>
      %dma_start3A = arith.constant 0 : i32
      %dma_start3A_57 = tpu.memref_slice %arg12[%multiple_of3A_24, %dma_start3A] : memref<10240x128xf32, #tpu.memory_space<vmem_shared>> -> memref<80x128xf32, #tpu.memory_space<vmem_shared>>
      %dma_start3A_58 = arith.constant 0 : i32
      %dma_start3A_59 = tpu.memref_slice %arg12[%multiple_of3A_24, %dma_start3A_58] : memref<10240x128xf32, #tpu.memory_space<vmem_shared>> -> memref<80x128xf32, #tpu.memory_space<vmem_shared>>
      tpu.enqueue_dma source(%arg10 : memref<80x128xf32, #tpu.memory_space<vmem>>) target(%dma_start3A_59 : memref<80x128xf32, #tpu.memory_space<vmem_shared>>) target_semaphore(%run_scoped3A : memref<!tpu.dma_semaphore, #tpu.memory_space<semaphore_mem>>)
      %dma_wait3A = arith.constant 0 : i32
      %dma_wait3A_60 = tpu.memref_slice %arg12[%multiple_of3A_24, %dma_wait3A] : memref<10240x128xf32, #tpu.memory_space<vmem_shared>> -> memref<80x128xf32, #tpu.memory_space<vmem_shared>>
      %dma_wait3A_61 = arith.constant 0 : i32
      %dma_wait3A_62 = tpu.memref_slice %arg12[%multiple_of3A_24, %dma_wait3A_61] : memref<10240x128xf32, #tpu.memory_space<vmem_shared>> -> memref<80x128xf32, #tpu.memory_space<vmem_shared>>
      tpu.wait_dma2 semaphore(%run_scoped3A : memref<!tpu.dma_semaphore, #tpu.memory_space<semaphore_mem>>) src(%arg10 : memref<80x128xf32, #tpu.memory_space<vmem>>) dst(%dma_wait3A_62 : memref<80x128xf32, #tpu.memory_space<vmem_shared>>)
      tpu.yield
    }) : () -> ()
    %mul3A_25 = arith.constant 640 : i32
    %mul3A_26 = arith.muli %arg1, %mul3A_25 : i32
    %add3A_27 = arith.constant 400 : i32
    %add3A_28 = arith.addi %mul3A_26, %add3A_27 : i32
    %multiple_of3A_29 = tpu.assume_multiple %add3A_28, 8 : i32
    "tpu.region"() ({
      %run_scoped3A = tpu.sem_alloc : memref<!tpu.dma_semaphore, #tpu.memory_space<semaphore_mem>>
      %dma_start3A = arith.constant 0 : i32
      %dma_start3A_57 = tpu.memref_slice %arg12[%multiple_of3A_29, %dma_start3A] : memref<10240x128xf32, #tpu.memory_space<vmem_shared>> -> memref<80x128xf32, #tpu.memory_space<vmem_shared>>
      %dma_start3A_58 = arith.constant 0 : i32
      %dma_start3A_59 = tpu.memref_slice %arg12[%multiple_of3A_29, %dma_start3A_58] : memref<10240x128xf32, #tpu.memory_space<vmem_shared>> -> memref<80x128xf32, #tpu.memory_space<vmem_shared>>
      tpu.enqueue_dma source(%arg10 : memref<80x128xf32, #tpu.memory_space<vmem>>) target(%dma_start3A_59 : memref<80x128xf32, #tpu.memory_space<vmem_shared>>) target_semaphore(%run_scoped3A : memref<!tpu.dma_semaphore, #tpu.memory_space<semaphore_mem>>)
      %dma_wait3A = arith.constant 0 : i32
      %dma_wait3A_60 = tpu.memref_slice %arg12[%multiple_of3A_29, %dma_wait3A] : memref<10240x128xf32, #tpu.memory_space<vmem_shared>> -> memref<80x128xf32, #tpu.memory_space<vmem_shared>>
      %dma_wait3A_61 = arith.constant 0 : i32
      %dma_wait3A_62 = tpu.memref_slice %arg12[%multiple_of3A_29, %dma_wait3A_61] : memref<10240x128xf32, #tpu.memory_space<vmem_shared>> -> memref<80x128xf32, #tpu.memory_space<vmem_shared>>
      tpu.wait_dma2 semaphore(%run_scoped3A : memref<!tpu.dma_semaphore, #tpu.memory_space<semaphore_mem>>) src(%arg10 : memref<80x128xf32, #tpu.memory_space<vmem>>) dst(%dma_wait3A_62 : memref<80x128xf32, #tpu.memory_space<vmem_shared>>)
      tpu.yield
    }) : () -> ()
    %mul3A_30 = arith.constant 640 : i32
    %mul3A_31 = arith.muli %arg1, %mul3A_30 : i32
    %add3A_32 = arith.constant 480 : i32
    %add3A_33 = arith.addi %mul3A_31, %add3A_32 : i32
    %multiple_of3A_34 = tpu.assume_multiple %add3A_33, 8 : i32
    "tpu.region"() ({
      %run_scoped3A = tpu.sem_alloc : memref<!tpu.dma_semaphore, #tpu.memory_space<semaphore_mem>>
      %dma_start3A = arith.constant 0 : i32
      %dma_start3A_57 = tpu.memref_slice %arg12[%multiple_of3A_34, %dma_start3A] : memref<10240x128xf32, #tpu.memory_space<vmem_shared>> -> memref<80x128xf32, #tpu.memory_space<vmem_shared>>
      %dma_start3A_58 = arith.constant 0 : i32
      %dma_start3A_59 = tpu.memref_slice %arg12[%multiple_of3A_34, %dma_start3A_58] : memref<10240x128xf32, #tpu.memory_space<vmem_shared>> -> memref<80x128xf32, #tpu.memory_space<vmem_shared>>
      tpu.enqueue_dma source(%arg10 : memref<80x128xf32, #tpu.memory_space<vmem>>) target(%dma_start3A_59 : memref<80x128xf32, #tpu.memory_space<vmem_shared>>) target_semaphore(%run_scoped3A : memref<!tpu.dma_semaphore, #tpu.memory_space<semaphore_mem>>)
      %dma_wait3A = arith.constant 0 : i32
      %dma_wait3A_60 = tpu.memref_slice %arg12[%multiple_of3A_34, %dma_wait3A] : memref<10240x128xf32, #tpu.memory_space<vmem_shared>> -> memref<80x128xf32, #tpu.memory_space<vmem_shared>>
      %dma_wait3A_61 = arith.constant 0 : i32
      %dma_wait3A_62 = tpu.memref_slice %arg12[%multiple_of3A_34, %dma_wait3A_61] : memref<10240x128xf32, #tpu.memory_space<vmem_shared>> -> memref<80x128xf32, #tpu.memory_space<vmem_shared>>
      tpu.wait_dma2 semaphore(%run_scoped3A : memref<!tpu.dma_semaphore, #tpu.memory_space<semaphore_mem>>) src(%arg10 : memref<80x128xf32, #tpu.memory_space<vmem>>) dst(%dma_wait3A_62 : memref<80x128xf32, #tpu.memory_space<vmem_shared>>)
      tpu.yield
    }) : () -> ()
    %mul3A_35 = arith.constant 640 : i32
    %mul3A_36 = arith.muli %arg1, %mul3A_35 : i32
    %add3A_37 = arith.constant 560 : i32
    %add3A_38 = arith.addi %mul3A_36, %add3A_37 : i32
    %multiple_of3A_39 = tpu.assume_multiple %add3A_38, 8 : i32
    "tpu.region"() ({
      %run_scoped3A = tpu.sem_alloc : memref<!tpu.dma_semaphore, #tpu.memory_space<semaphore_mem>>
      %dma_start3A = arith.constant 0 : i32
      %dma_start3A_57 = tpu.memref_slice %arg12[%multiple_of3A_39, %dma_start3A] : memref<10240x128xf32, #tpu.memory_space<vmem_shared>> -> memref<80x128xf32, #tpu.memory_space<vmem_shared>>
      %dma_start3A_58 = arith.constant 0 : i32
      %dma_start3A_59 = tpu.memref_slice %arg12[%multiple_of3A_39, %dma_start3A_58] : memref<10240x128xf32, #tpu.memory_space<vmem_shared>> -> memref<80x128xf32, #tpu.memory_space<vmem_shared>>
      tpu.enqueue_dma source(%arg10 : memref<80x128xf32, #tpu.memory_space<vmem>>) target(%dma_start3A_59 : memref<80x128xf32, #tpu.memory_space<vmem_shared>>) target_semaphore(%run_scoped3A : memref<!tpu.dma_semaphore, #tpu.memory_space<semaphore_mem>>)
      %dma_wait3A = arith.constant 0 : i32
      %dma_wait3A_60 = tpu.memref_slice %arg12[%multiple_of3A_39, %dma_wait3A] : memref<10240x128xf32, #tpu.memory_space<vmem_shared>> -> memref<80x128xf32, #tpu.memory_space<vmem_shared>>
      %dma_wait3A_61 = arith.constant 0 : i32
      %dma_wait3A_62 = tpu.memref_slice %arg12[%multiple_of3A_39, %dma_wait3A_61] : memref<10240x128xf32, #tpu.memory_space<vmem_shared>> -> memref<80x128xf32, #tpu.memory_space<vmem_shared>>
      tpu.wait_dma2 semaphore(%run_scoped3A : memref<!tpu.dma_semaphore, #tpu.memory_space<semaphore_mem>>) src(%arg10 : memref<80x128xf32, #tpu.memory_space<vmem>>) dst(%dma_wait3A_62 : memref<80x128xf32, #tpu.memory_space<vmem_shared>>)
      tpu.yield
    }) : () -> ()
    %barrier3A = arith.constant 0 : index
    tpu.barrier barrier_id(%barrier3A)
    %mul3A_40 = arith.constant 10000 : i32
    %mul3A_41 = arith.muli %add3A, %mul3A_40 : i32
    %scan3A = arith.constant 0 : i32
    %scan3A_42 = arith.constant 0 : i32
    %scan3A_43 = arith.constant 125 : i32
    %scan3A_44 = arith.addi %scan3A_42, %scan3A_43 : i32
    %scan3A_45 = arith.constant 1 : i32
    scf.for %scan3A_57 = %scan3A_42 to %scan3A_44 step %scan3A_45  : i32 {
      %mul3A_58 = arith.constant 80 : i32
      %mul3A_59 = arith.muli %scan3A_57, %mul3A_58 : i32
      %add3A_60 = arith.addi %mul3A_41, %mul3A_59 : i32
      %multiple_of3A_61 = tpu.assume_multiple %add3A_60, 8 : i32
      "tpu.region"() ({
        %run_scoped3A = tpu.sem_alloc : memref<!tpu.dma_semaphore, #tpu.memory_space<semaphore_mem>>
        %dma_start3A_66 = tpu.memref_slice %arg3[%multiple_of3A_61] : memref<320000xi32, #tpu.memory_space<hbm>> -> memref<80xi32, #tpu.memory_space<hbm>>
        %dma_start3A_67 = tpu.memref_slice %arg3[%multiple_of3A_61] : memref<320000xi32, #tpu.memory_space<hbm>> -> memref<80xi32, #tpu.memory_space<hbm>>
        tpu.enqueue_dma source(%dma_start3A_67 : memref<80xi32, #tpu.memory_space<hbm>>) target(%arg7 : memref<80xi32, #tpu.memory_space<vmem>>) target_semaphore(%run_scoped3A : memref<!tpu.dma_semaphore, #tpu.memory_space<semaphore_mem>>)
        %dma_wait3A_68 = tpu.memref_slice %arg3[%multiple_of3A_61] : memref<320000xi32, #tpu.memory_space<hbm>> -> memref<80xi32, #tpu.memory_space<hbm>>
        %dma_wait3A_69 = tpu.memref_slice %arg3[%multiple_of3A_61] : memref<320000xi32, #tpu.memory_space<hbm>> -> memref<80xi32, #tpu.memory_space<hbm>>
        tpu.wait_dma2 semaphore(%run_scoped3A : memref<!tpu.dma_semaphore, #tpu.memory_space<semaphore_mem>>) src(%dma_wait3A_69 : memref<80xi32, #tpu.memory_space<hbm>>) dst(%arg7 : memref<80xi32, #tpu.memory_space<vmem>>)
        tpu.yield
      }) : () -> ()
      "tpu.region"() ({
        %run_scoped3A = tpu.sem_alloc : memref<!tpu.dma_semaphore, #tpu.memory_space<semaphore_mem>>
        %dma_start3A_66 = tpu.memref_slice %arg4[%multiple_of3A_61] : memref<320000xi32, #tpu.memory_space<hbm>> -> memref<80xi32, #tpu.memory_space<hbm>>
        %dma_start3A_67 = tpu.memref_slice %arg4[%multiple_of3A_61] : memref<320000xi32, #tpu.memory_space<hbm>> -> memref<80xi32, #tpu.memory_space<hbm>>
        tpu.enqueue_dma source(%dma_start3A_67 : memref<80xi32, #tpu.memory_space<hbm>>) target(%arg8 : memref<80xi32, #tpu.memory_space<vmem>>) target_semaphore(%run_scoped3A : memref<!tpu.dma_semaphore, #tpu.memory_space<semaphore_mem>>)
        %dma_wait3A_68 = tpu.memref_slice %arg4[%multiple_of3A_61] : memref<320000xi32, #tpu.memory_space<hbm>> -> memref<80xi32, #tpu.memory_space<hbm>>
        %dma_wait3A_69 = tpu.memref_slice %arg4[%multiple_of3A_61] : memref<320000xi32, #tpu.memory_space<hbm>> -> memref<80xi32, #tpu.memory_space<hbm>>
        tpu.wait_dma2 semaphore(%run_scoped3A : memref<!tpu.dma_semaphore, #tpu.memory_space<semaphore_mem>>) src(%dma_wait3A_69 : memref<80xi32, #tpu.memory_space<hbm>>) dst(%arg8 : memref<80xi32, #tpu.memory_space<vmem>>)
        tpu.yield
      }) : () -> ()
      %dma_start3A = arith.constant 0 : i32
      %dma_start3A_62 = arith.constant 0 : i32
      %dma_start3A_63 = tpu.memref_slice %arg2[%dma_start3A, %dma_start3A_62] : memref<10240x128xf32, #tpu.memory_space<hbm>> -> memref<10240x128xf32, #tpu.memory_space<hbm>>
      tpu.enqueue_indirect_dma source(%dma_start3A_63 : memref<10240x128xf32, #tpu.memory_space<hbm>>) target(%arg9 : memref<80x128xf32, #tpu.memory_space<vmem>>) offsets(%arg7 : memref<80xi32, #tpu.memory_space<vmem>>) semaphore(%arg11 : memref<!tpu.dma_semaphore, #tpu.memory_space<semaphore_mem>>)
      %dma_wait3A = arith.constant 0 : i32
      %dma_wait3A_64 = arith.constant 0 : i32
      %dma_wait3A_65 = tpu.memref_slice %arg2[%dma_wait3A, %dma_wait3A_64] : memref<10240x128xf32, #tpu.memory_space<hbm>> -> memref<10240x128xf32, #tpu.memory_space<hbm>>
      tpu.wait_indirect_dma semaphore(%arg11 : memref<!tpu.dma_semaphore, #tpu.memory_space<semaphore_mem>>) src(%dma_wait3A_65 : memref<10240x128xf32, #tpu.memory_space<hbm>>) dst(%arg9 : memref<80x128xf32, #tpu.memory_space<vmem>>)
      "tpu.region"() ({
        %run_scoped3A = tpu.sem_alloc : memref<!tpu.dma_semaphore, #tpu.memory_space<semaphore_mem>>
        %dma_start3A_66 = arith.constant 0 : i32
        %dma_start3A_67 = arith.constant 0 : i32
        %dma_start3A_68 = tpu.memref_slice %arg12[%dma_start3A_66, %dma_start3A_67] : memref<10240x128xf32, #tpu.memory_space<vmem_shared>> -> memref<10240x128xf32, #tpu.memory_space<vmem_shared>>
        tpu.enqueue_indirect_dma source(%arg9 : memref<80x128xf32, #tpu.memory_space<vmem>>) target(%dma_start3A_68 : memref<10240x128xf32, #tpu.memory_space<vmem_shared>>) offsets(%arg8 : memref<80xi32, #tpu.memory_space<vmem>>) semaphore(%run_scoped3A : memref<!tpu.dma_semaphore, #tpu.memory_space<semaphore_mem>>) {add = true}
        %dma_wait3A_69 = arith.constant 0 : i32
        %dma_wait3A_70 = arith.constant 0 : i32
        %dma_wait3A_71 = tpu.memref_slice %arg12[%dma_wait3A_69, %dma_wait3A_70] : memref<10240x128xf32, #tpu.memory_space<vmem_shared>> -> memref<10240x128xf32, #tpu.memory_space<vmem_shared>>
        tpu.wait_indirect_dma semaphore(%run_scoped3A : memref<!tpu.dma_semaphore, #tpu.memory_space<semaphore_mem>>) src(%arg9 : memref<80x128xf32, #tpu.memory_space<vmem>>) dst(%dma_wait3A_71 : memref<10240x128xf32, #tpu.memory_space<vmem_shared>>)
        tpu.yield
      }) : () -> ()
    }
    %scan3A_46 = arith.constant 125 : i32
    %barrier3A_47 = arith.constant 0 : index
    tpu.barrier barrier_id(%barrier3A_47)
    %mul3A_48 = arith.constant 10240 : i32
    %mul3A_49 = arith.muli %arg0, %mul3A_48 : i32
    %mul3A_50 = arith.constant 640 : i32
    %mul3A_51 = arith.muli %arg1, %mul3A_50 : i32
    %add3A_52 = arith.addi %mul3A_49, %mul3A_51 : i32
    %multiple_of3A_53 = tpu.assume_multiple %add3A_52, 8 : i32
    %mul3A_54 = arith.constant 640 : i32
    %mul3A_55 = arith.muli %arg1, %mul3A_54 : i32
    %multiple_of3A_56 = tpu.assume_multiple %mul3A_55, 8 : i32
    "tpu.region"() ({
      %run_scoped3A = tpu.sem_alloc : memref<!tpu.dma_semaphore, #tpu.memory_space<semaphore_mem>>
      %dma_start3A = arith.constant 0 : i32
      %dma_start3A_57 = tpu.memref_slice %arg6[%multiple_of3A_53, %dma_start3A] : memref<20480x128xf32, #tpu.memory_space<hbm>> -> memref<640x128xf32, #tpu.memory_space<hbm>>
      %dma_start3A_58 = arith.constant 0 : i32
      %dma_start3A_59 = tpu.memref_slice %arg12[%multiple_of3A_56, %dma_start3A_58] : memref<10240x128xf32, #tpu.memory_space<vmem_shared>> -> memref<640x128xf32, #tpu.memory_space<vmem_shared>>
      tpu.enqueue_dma source(%dma_start3A_59 : memref<640x128xf32, #tpu.memory_space<vmem_shared>>) target(%dma_start3A_57 : memref<640x128xf32, #tpu.memory_space<hbm>>) target_semaphore(%run_scoped3A : memref<!tpu.dma_semaphore, #tpu.memory_space<semaphore_mem>>)
      %dma_wait3A = arith.constant 0 : i32
      %dma_wait3A_60 = tpu.memref_slice %arg6[%multiple_of3A_53, %dma_wait3A] : memref<20480x128xf32, #tpu.memory_space<hbm>> -> memref<640x128xf32, #tpu.memory_space<hbm>>
      %dma_wait3A_61 = arith.constant 0 : i32
      %dma_wait3A_62 = tpu.memref_slice %arg12[%multiple_of3A_56, %dma_wait3A_61] : memref<10240x128xf32, #tpu.memory_space<vmem_shared>> -> memref<640x128xf32, #tpu.memory_space<vmem_shared>>
      tpu.wait_dma2 semaphore(%run_scoped3A : memref<!tpu.dma_semaphore, #tpu.memory_space<semaphore_mem>>) src(%dma_wait3A_62 : memref<640x128xf32, #tpu.memory_space<vmem_shared>>) dst(%dma_wait3A_60 : memref<640x128xf32, #tpu.memory_space<hbm>>)
      tpu.yield
    }) : () -> ()
    return
  }
}

module attributes {stable_mosaic.version = 14 : i64} {
  func.func @body(%arg0: i32, %arg1: memref<1280x128xf32, #tpu.memory_space<vmem>>, %arg2: memref<128x128xf32, #tpu.memory_space<vmem>>, %arg3: memref<1280x128xf32, #tpu.memory_space<vmem>>) attributes {dimension_semantics = [#tpu.dimension_semantics<arbitrary>], iteration_bounds = array<i64: 8>, scalar_prefetch = 0 : i64, scratch_operands = 0 : i64, tpu.core_type = #tpu.core_type<tc>, window_params = [{transform_indices = @transform_0, window_bounds = array<i64: 1280, 128>}, {pipeline_mode = #tpu.pipeline_mode<synchronous>, transform_indices = @transform_1, window_bounds = array<i64: 128, 128>}, {transform_indices = @transform_2, window_bounds = array<i64: 1280, 128>}]} {
    %get3A = arith.constant 0 : index
    %get3A_0 = arith.constant 0 : index
    %get3A_1 = vector.load %arg1[%get3A, %get3A_0] : memref<1280x128xf32, #tpu.memory_space<vmem>>, vector<1280x128xf32>
    %get3A_2 = arith.constant 0 : index
    %get3A_3 = arith.constant 0 : index
    %get3A_4 = vector.load %arg2[%get3A_2, %get3A_3] : memref<128x128xf32, #tpu.memory_space<vmem>>, vector<128x128xf32>
    %dot_general3A = arith.constant dense<0.000000e+00> : vector<1280x128xf32>
    %dot_general3A_5 = tpu.matmul %get3A_1, %get3A_4, %dot_general3A {dimension_numbers = #tpu.dot_dimension_numbers<[1], [0], [0], [1], [0, 0, 1, 1], [], []>, transpose_lhs_hint = false} : vector<1280x128xf32>, vector<128x128xf32>, vector<1280x128xf32> -> vector<1280x128xf32>
    %swap3A = arith.constant 0 : index
    %swap3A_6 = arith.constant 0 : index
    %swap3A_7 = vector.load %arg3[%swap3A, %swap3A_6] : memref<1280x128xf32, #tpu.memory_space<vmem>>, vector<1280x128xf32>
    tpu.vector_store %arg3[%swap3A, %swap3A_6], %dot_general3A_5 {strides = array<i32>} : memref<1280x128xf32, #tpu.memory_space<vmem>>, vector<1280x128xf32>,
    return
  }
  func.func @transform_0(%arg0: i32) -> (i32, i32) {
    %c0_i32 = arith.constant 0 : i32
    %c0_i32_0 = arith.constant 0 : i32
    return %arg0, %c0_i32 : i32, i32
  }
  func.func @transform_1(%arg0: i32) -> (i32, i32) {
    %c0_i32 = arith.constant 0 : i32
    %c0_i32_0 = arith.constant 0 : i32
    %c0_i32_1 = arith.constant 0 : i32
    return %c0_i32, %c0_i32_0 : i32, i32
  }
  func.func @transform_2(%arg0: i32) -> (i32, i32) {
    %c0_i32 = arith.constant 0 : i32
    %c0_i32_0 = arith.constant 0 : i32
    return %arg0, %c0_i32 : i32, i32
  }
}

module attributes {stable_mosaic.version = 14 : i64} {
  func.func @body(%arg0: i32, %arg1: memref<2x1280x128xf32, #tpu.memory_space<vmem>>, %arg2: memref<1280x128xf32, #tpu.memory_space<vmem>>, %arg3: memref<384x128xf32, #tpu.memory_space<vmem>>, %arg4: memref<384x128xf32, #tpu.memory_space<vmem>>, %arg5: memref<1x384xf32, #tpu.memory_space<vmem>>, %arg6: memref<1x384xf32, #tpu.memory_space<vmem>>, %arg7: memref<128x128xf32, #tpu.memory_space<vmem>>, %arg8: memref<1280x128xf32, #tpu.memory_space<vmem>>, %arg9: memref<1280x128xf32, #tpu.memory_space<vmem>>) attributes {dimension_semantics = [#tpu.dimension_semantics<arbitrary>], iteration_bounds = array<i64: 8>, scalar_prefetch = 0 : i64, scratch_operands = 0 : i64, tpu.core_type = #tpu.core_type<tc>, window_params = [{transform_indices = @transform_0, window_bounds = array<i64: 2, 1280, 128>}, {transform_indices = @transform_1, window_bounds = array<i64: 1280, 128>}, {pipeline_mode = #tpu.pipeline_mode<synchronous>, transform_indices = @transform_2, window_bounds = array<i64: 384, 128>}, {pipeline_mode = #tpu.pipeline_mode<synchronous>, transform_indices = @transform_3, window_bounds = array<i64: 384, 128>}, {pipeline_mode = #tpu.pipeline_mode<synchronous>, transform_indices = @transform_4, window_bounds = array<i64: 1, 384>}, {pipeline_mode = #tpu.pipeline_mode<synchronous>, transform_indices = @transform_5, window_bounds = array<i64: 1, 384>}, {pipeline_mode = #tpu.pipeline_mode<synchronous>, transform_indices = @transform_6, window_bounds = array<i64: 128, 128>}, {transform_indices = @transform_7, window_bounds = array<i64: 1280, 128>}, {transform_indices = @transform_8, window_bounds = array<i64: 1280, 128>}]} {
    %get3A = arith.constant 0 : index
    %get3A_0 = arith.constant 0 : index
    %get3A_1 = arith.constant 0 : index
    %get3A_2 = vector.load %arg1[%get3A, %get3A_0, %get3A_1] : memref<2x1280x128xf32, #tpu.memory_space<vmem>>, vector<1x1280x128xf32>
    %get3A_3 = vector.shape_cast %get3A_2 : vector<1x1280x128xf32> to vector<1280x128xf32>
    %get3A_4 = arith.constant 1 : index
    %get3A_5 = arith.constant 0 : index
    %get3A_6 = arith.constant 0 : index
    %get3A_7 = vector.load %arg1[%get3A_4, %get3A_5, %get3A_6] : memref<2x1280x128xf32, #tpu.memory_space<vmem>>, vector<1x1280x128xf32>
    %get3A_8 = vector.shape_cast %get3A_7 : vector<1x1280x128xf32> to vector<1280x128xf32>
    %add3A = arith.addf %get3A_3, %get3A_8 : vector<1280x128xf32>
    %get3A_9 = arith.constant 0 : index
    %get3A_10 = arith.constant 0 : index
    %get3A_11 = vector.load %arg2[%get3A_9, %get3A_10] : memref<1280x128xf32, #tpu.memory_space<vmem>>, vector<1280x128xf32>
    %get3A_12 = arith.constant 0 : index
    %get3A_13 = arith.constant 0 : index
    %get3A_14 = vector.load %arg3[%get3A_12, %get3A_13] : memref<384x128xf32, #tpu.memory_space<vmem>>, vector<384x128xf32>
    %dot_general3A = arith.constant dense<0.000000e+00> : vector<1280x384xf32>
    %dot_general3A_15 = tpu.matmul %add3A, %get3A_14, %dot_general3A {dimension_numbers = #tpu.dot_dimension_numbers<[1], [1], [0], [0], [0, 0, 1, 0], [], []>, transpose_lhs_hint = false} : vector<1280x128xf32>, vector<384x128xf32>, vector<1280x384xf32> -> vector<1280x384xf32>
    %get3A_16 = arith.constant 0 : index
    %get3A_17 = arith.constant 0 : index
    %get3A_18 = vector.load %arg5[%get3A_16, %get3A_17] : memref<1x384xf32, #tpu.memory_space<vmem>>, vector<1x384xf32>
    %add3A_19 = vector.broadcast %get3A_18 : vector<1x384xf32> to vector<1280x384xf32>
    %add3A_20 = arith.addf %dot_general3A_15, %add3A_19 : vector<1280x384xf32>
    %get3A_21 = arith.constant 0 : index
    %get3A_22 = arith.constant 0 : index
    %get3A_23 = vector.load %arg4[%get3A_21, %get3A_22] : memref<384x128xf32, #tpu.memory_space<vmem>>, vector<384x128xf32>
    %dot_general3A_24 = arith.constant dense<0.000000e+00> : vector<1280x384xf32>
    %dot_general3A_25 = tpu.matmul %get3A_11, %get3A_23, %dot_general3A_24 {dimension_numbers = #tpu.dot_dimension_numbers<[1], [1], [0], [0], [0, 0, 1, 0], [], []>, transpose_lhs_hint = false} : vector<1280x128xf32>, vector<384x128xf32>, vector<1280x384xf32> -> vector<1280x384xf32>
    %get3A_26 = arith.constant 0 : index
    %get3A_27 = arith.constant 0 : index
    %get3A_28 = vector.load %arg6[%get3A_26, %get3A_27] : memref<1x384xf32, #tpu.memory_space<vmem>>, vector<1x384xf32>
    %add3A_29 = vector.broadcast %get3A_28 : vector<1x384xf32> to vector<1280x384xf32>
    %add3A_30 = arith.addf %dot_general3A_25, %add3A_29 : vector<1280x384xf32>
    %slice3A = vector.extract_strided_slice %add3A_20 {offsets = [0, 0], sizes = [1280, 128], strides = [1, 1]} : vector<1280x384xf32> to vector<1280x128xf32>
    %slice3A_31 = vector.extract_strided_slice %add3A_30 {offsets = [0, 0], sizes = [1280, 128], strides = [1, 1]} : vector<1280x384xf32> to vector<1280x128xf32>
    %add3A_32 = arith.addf %slice3A, %slice3A_31 : vector<1280x128xf32>
    %logistic3A = arith.negf %add3A_32 : vector<1280x128xf32>
    %logistic3A_33 = math.exp %logistic3A : vector<1280x128xf32>
    %logistic3A_34 = arith.constant 1.000000e+00 : f32
    %logistic3A_35 = vector.broadcast %logistic3A_34 : f32 to vector<1280x128xf32>
    %logistic3A_36 = arith.addf %logistic3A_35, %logistic3A_33 : vector<1280x128xf32>
    %logistic3A_37 = arith.divf %logistic3A_35, %logistic3A_36 : vector<1280x128xf32>
    %slice3A_38 = vector.extract_strided_slice %add3A_20 {offsets = [0, 128], sizes = [1280, 128], strides = [1, 1]} : vector<1280x384xf32> to vector<1280x128xf32>
    %slice3A_39 = vector.extract_strided_slice %add3A_30 {offsets = [0, 128], sizes = [1280, 128], strides = [1, 1]} : vector<1280x384xf32> to vector<1280x128xf32>
    %add3A_40 = arith.addf %slice3A_38, %slice3A_39 : vector<1280x128xf32>
    %logistic3A_41 = arith.negf %add3A_40 : vector<1280x128xf32>
    %logistic3A_42 = math.exp %logistic3A_41 : vector<1280x128xf32>
    %logistic3A_43 = arith.constant 1.000000e+00 : f32
    %logistic3A_44 = vector.broadcast %logistic3A_43 : f32 to vector<1280x128xf32>
    %logistic3A_45 = arith.addf %logistic3A_44, %logistic3A_42 : vector<1280x128xf32>
    %logistic3A_46 = arith.divf %logistic3A_44, %logistic3A_45 : vector<1280x128xf32>
    %slice3A_47 = vector.extract_strided_slice %add3A_20 {offsets = [0, 256], sizes = [1280, 128], strides = [1, 1]} : vector<1280x384xf32> to vector<1280x128xf32>
    %slice3A_48 = vector.extract_strided_slice %add3A_30 {offsets = [0, 256], sizes = [1280, 128], strides = [1, 1]} : vector<1280x384xf32> to vector<1280x128xf32>
    %mul3A = arith.mulf %logistic3A_37, %slice3A_48 : vector<1280x128xf32>
    %add3A_49 = arith.addf %slice3A_47, %mul3A : vector<1280x128xf32>
    %tanh3A = math.tanh %add3A_49 : vector<1280x128xf32>
    %sub3A = arith.constant 1.000000e+00 : f32
    %sub3A_50 = vector.broadcast %sub3A : f32 to vector<1280x128xf32>
    %sub3A_51 = arith.subf %sub3A_50, %logistic3A_46 : vector<1280x128xf32>
    %mul3A_52 = arith.mulf %sub3A_51, %tanh3A : vector<1280x128xf32>
    %mul3A_53 = arith.mulf %logistic3A_46, %get3A_11 : vector<1280x128xf32>
    %add3A_54 = arith.addf %mul3A_52, %mul3A_53 : vector<1280x128xf32>
    %swap3A = arith.constant 0 : index
    %swap3A_55 = arith.constant 0 : index
    %swap3A_56 = vector.load %arg8[%swap3A, %swap3A_55] : memref<1280x128xf32, #tpu.memory_space<vmem>>, vector<1280x128xf32>
    tpu.vector_store %arg8[%swap3A, %swap3A_55], %add3A_54 {strides = array<i32>} : memref<1280x128xf32, #tpu.memory_space<vmem>>, vector<1280x128xf32>,
    %get3A_57 = arith.constant 0 : index
    %get3A_58 = arith.constant 0 : index
    %get3A_59 = vector.load %arg7[%get3A_57, %get3A_58] : memref<128x128xf32, #tpu.memory_space<vmem>>, vector<128x128xf32>
    %dot_general3A_60 = arith.constant dense<0.000000e+00> : vector<1280x128xf32>
    %dot_general3A_61 = tpu.matmul %add3A_54, %get3A_59, %dot_general3A_60 {dimension_numbers = #tpu.dot_dimension_numbers<[1], [0], [0], [1], [0, 0, 1, 1], [], []>, transpose_lhs_hint = false} : vector<1280x128xf32>, vector<128x128xf32>, vector<1280x128xf32> -> vector<1280x128xf32>
    %swap3A_62 = arith.constant 0 : index
    %swap3A_63 = arith.constant 0 : index
    %swap3A_64 = vector.load %arg9[%swap3A_62, %swap3A_63] : memref<1280x128xf32, #tpu.memory_space<vmem>>, vector<1280x128xf32>
    tpu.vector_store %arg9[%swap3A_62, %swap3A_63], %dot_general3A_61 {strides = array<i32>} : memref<1280x128xf32, #tpu.memory_space<vmem>>, vector<1280x128xf32>,
    return
  }
  func.func @transform_0(%arg0: i32) -> (i32, i32, i32) {
    %c0_i32 = arith.constant 0 : i32
    %c0_i32_0 = arith.constant 0 : i32
    %c0_i32_1 = arith.constant 0 : i32
    return %c0_i32, %arg0, %c0_i32_0 : i32, i32, i32
  }
  func.func @transform_1(%arg0: i32) -> (i32, i32) {
    %c0_i32 = arith.constant 0 : i32
    %c0_i32_0 = arith.constant 0 : i32
    return %arg0, %c0_i32 : i32, i32
  }
  func.func @transform_2(%arg0: i32) -> (i32, i32) {
    %c0_i32 = arith.constant 0 : i32
    %c0_i32_0 = arith.constant 0 : i32
    %c0_i32_1 = arith.constant 0 : i32
    return %c0_i32, %c0_i32_0 : i32, i32
  }
  func.func @transform_3(%arg0: i32) -> (i32, i32) {
    %c0_i32 = arith.constant 0 : i32
    %c0_i32_0 = arith.constant 0 : i32
    %c0_i32_1 = arith.constant 0 : i32
    return %c0_i32, %c0_i32_0 : i32, i32
  }
  func.func @transform_4(%arg0: i32) -> (i32, i32) {
    %c0_i32 = arith.constant 0 : i32
    %c0_i32_0 = arith.constant 0 : i32
    %c0_i32_1 = arith.constant 0 : i32
    return %c0_i32, %c0_i32_0 : i32, i32
  }
  func.func @transform_5(%arg0: i32) -> (i32, i32) {
    %c0_i32 = arith.constant 0 : i32
    %c0_i32_0 = arith.constant 0 : i32
    %c0_i32_1 = arith.constant 0 : i32
    return %c0_i32, %c0_i32_0 : i32, i32
  }
  func.func @transform_6(%arg0: i32) -> (i32, i32) {
    %c0_i32 = arith.constant 0 : i32
    %c0_i32_0 = arith.constant 0 : i32
    %c0_i32_1 = arith.constant 0 : i32
    return %c0_i32, %c0_i32_0 : i32, i32
  }
  func.func @transform_7(%arg0: i32) -> (i32, i32) {
    %c0_i32 = arith.constant 0 : i32
    %c0_i32_0 = arith.constant 0 : i32
    return %arg0, %c0_i32 : i32, i32
  }
  func.func @transform_8(%arg0: i32) -> (i32, i32) {
    %c0_i32 = arith.constant 0 : i32
    %c0_i32_0 = arith.constant 0 : i32
    return %arg0, %c0_i32 : i32, i32
  }
}

module attributes {stable_mosaic.version = 14 : i64} {
  func.func @body(%arg0: i32, %arg1: memref<2x1280x128xf32, #tpu.memory_space<vmem>>, %arg2: memref<1280x128xf32, #tpu.memory_space<vmem>>, %arg3: memref<384x128xf32, #tpu.memory_space<vmem>>, %arg4: memref<384x128xf32, #tpu.memory_space<vmem>>, %arg5: memref<1x384xf32, #tpu.memory_space<vmem>>, %arg6: memref<1x384xf32, #tpu.memory_space<vmem>>, %arg7: memref<128x128xf32, #tpu.memory_space<vmem>>, %arg8: memref<1280x128xf32, #tpu.memory_space<vmem>>, %arg9: memref<1280x128xf32, #tpu.memory_space<vmem>>) attributes {dimension_semantics = [#tpu.dimension_semantics<arbitrary>], iteration_bounds = array<i64: 8>, scalar_prefetch = 0 : i64, scratch_operands = 0 : i64, tpu.core_type = #tpu.core_type<tc>, window_params = [{transform_indices = @transform_0, window_bounds = array<i64: 2, 1280, 128>}, {transform_indices = @transform_1, window_bounds = array<i64: 1280, 128>}, {pipeline_mode = #tpu.pipeline_mode<synchronous>, transform_indices = @transform_2, window_bounds = array<i64: 384, 128>}, {pipeline_mode = #tpu.pipeline_mode<synchronous>, transform_indices = @transform_3, window_bounds = array<i64: 384, 128>}, {pipeline_mode = #tpu.pipeline_mode<synchronous>, transform_indices = @transform_4, window_bounds = array<i64: 1, 384>}, {pipeline_mode = #tpu.pipeline_mode<synchronous>, transform_indices = @transform_5, window_bounds = array<i64: 1, 384>}, {pipeline_mode = #tpu.pipeline_mode<synchronous>, transform_indices = @transform_6, window_bounds = array<i64: 128, 128>}, {transform_indices = @transform_7, window_bounds = array<i64: 1280, 128>}, {transform_indices = @transform_8, window_bounds = array<i64: 1280, 128>}]} {
    %get3A = arith.constant 0 : index
    %get3A_0 = arith.constant 0 : index
    %get3A_1 = arith.constant 0 : index
    %get3A_2 = vector.load %arg1[%get3A, %get3A_0, %get3A_1] : memref<2x1280x128xf32, #tpu.memory_space<vmem>>, vector<1x1280x128xf32>
    %get3A_3 = vector.shape_cast %get3A_2 : vector<1x1280x128xf32> to vector<1280x128xf32>
    %get3A_4 = arith.constant 1 : index
    %get3A_5 = arith.constant 0 : index
    %get3A_6 = arith.constant 0 : index
    %get3A_7 = vector.load %arg1[%get3A_4, %get3A_5, %get3A_6] : memref<2x1280x128xf32, #tpu.memory_space<vmem>>, vector<1x1280x128xf32>
    %get3A_8 = vector.shape_cast %get3A_7 : vector<1x1280x128xf32> to vector<1280x128xf32>
    %add3A = arith.addf %get3A_3, %get3A_8 : vector<1280x128xf32>
    %get3A_9 = arith.constant 0 : index
    %get3A_10 = arith.constant 0 : index
    %get3A_11 = vector.load %arg2[%get3A_9, %get3A_10] : memref<1280x128xf32, #tpu.memory_space<vmem>>, vector<1280x128xf32>
    %get3A_12 = arith.constant 0 : index
    %get3A_13 = arith.constant 0 : index
    %get3A_14 = vector.load %arg3[%get3A_12, %get3A_13] : memref<384x128xf32, #tpu.memory_space<vmem>>, vector<384x128xf32>
    %dot_general3A = arith.constant dense<0.000000e+00> : vector<1280x384xf32>
    %dot_general3A_15 = tpu.matmul %add3A, %get3A_14, %dot_general3A {dimension_numbers = #tpu.dot_dimension_numbers<[1], [1], [0], [0], [0, 0, 1, 0], [], []>, transpose_lhs_hint = false} : vector<1280x128xf32>, vector<384x128xf32>, vector<1280x384xf32> -> vector<1280x384xf32>
    %get3A_16 = arith.constant 0 : index
    %get3A_17 = arith.constant 0 : index
    %get3A_18 = vector.load %arg5[%get3A_16, %get3A_17] : memref<1x384xf32, #tpu.memory_space<vmem>>, vector<1x384xf32>
    %add3A_19 = vector.broadcast %get3A_18 : vector<1x384xf32> to vector<1280x384xf32>
    %add3A_20 = arith.addf %dot_general3A_15, %add3A_19 : vector<1280x384xf32>
    %get3A_21 = arith.constant 0 : index
    %get3A_22 = arith.constant 0 : index
    %get3A_23 = vector.load %arg4[%get3A_21, %get3A_22] : memref<384x128xf32, #tpu.memory_space<vmem>>, vector<384x128xf32>
    %dot_general3A_24 = arith.constant dense<0.000000e+00> : vector<1280x384xf32>
    %dot_general3A_25 = tpu.matmul %get3A_11, %get3A_23, %dot_general3A_24 {dimension_numbers = #tpu.dot_dimension_numbers<[1], [1], [0], [0], [0, 0, 1, 0], [], []>, transpose_lhs_hint = false} : vector<1280x128xf32>, vector<384x128xf32>, vector<1280x384xf32> -> vector<1280x384xf32>
    %get3A_26 = arith.constant 0 : index
    %get3A_27 = arith.constant 0 : index
    %get3A_28 = vector.load %arg6[%get3A_26, %get3A_27] : memref<1x384xf32, #tpu.memory_space<vmem>>, vector<1x384xf32>
    %add3A_29 = vector.broadcast %get3A_28 : vector<1x384xf32> to vector<1280x384xf32>
    %add3A_30 = arith.addf %dot_general3A_25, %add3A_29 : vector<1280x384xf32>
    %slice3A = vector.extract_strided_slice %add3A_20 {offsets = [0, 0], sizes = [1280, 128], strides = [1, 1]} : vector<1280x384xf32> to vector<1280x128xf32>
    %slice3A_31 = vector.extract_strided_slice %add3A_30 {offsets = [0, 0], sizes = [1280, 128], strides = [1, 1]} : vector<1280x384xf32> to vector<1280x128xf32>
    %add3A_32 = arith.addf %slice3A, %slice3A_31 : vector<1280x128xf32>
    %logistic3A = arith.negf %add3A_32 : vector<1280x128xf32>
    %logistic3A_33 = math.exp %logistic3A : vector<1280x128xf32>
    %logistic3A_34 = arith.constant 1.000000e+00 : f32
    %logistic3A_35 = vector.broadcast %logistic3A_34 : f32 to vector<1280x128xf32>
    %logistic3A_36 = arith.addf %logistic3A_35, %logistic3A_33 : vector<1280x128xf32>
    %logistic3A_37 = arith.divf %logistic3A_35, %logistic3A_36 : vector<1280x128xf32>
    %slice3A_38 = vector.extract_strided_slice %add3A_20 {offsets = [0, 128], sizes = [1280, 128], strides = [1, 1]} : vector<1280x384xf32> to vector<1280x128xf32>
    %slice3A_39 = vector.extract_strided_slice %add3A_30 {offsets = [0, 128], sizes = [1280, 128], strides = [1, 1]} : vector<1280x384xf32> to vector<1280x128xf32>
    %add3A_40 = arith.addf %slice3A_38, %slice3A_39 : vector<1280x128xf32>
    %logistic3A_41 = arith.negf %add3A_40 : vector<1280x128xf32>
    %logistic3A_42 = math.exp %logistic3A_41 : vector<1280x128xf32>
    %logistic3A_43 = arith.constant 1.000000e+00 : f32
    %logistic3A_44 = vector.broadcast %logistic3A_43 : f32 to vector<1280x128xf32>
    %logistic3A_45 = arith.addf %logistic3A_44, %logistic3A_42 : vector<1280x128xf32>
    %logistic3A_46 = arith.divf %logistic3A_44, %logistic3A_45 : vector<1280x128xf32>
    %slice3A_47 = vector.extract_strided_slice %add3A_20 {offsets = [0, 256], sizes = [1280, 128], strides = [1, 1]} : vector<1280x384xf32> to vector<1280x128xf32>
    %slice3A_48 = vector.extract_strided_slice %add3A_30 {offsets = [0, 256], sizes = [1280, 128], strides = [1, 1]} : vector<1280x384xf32> to vector<1280x128xf32>
    %mul3A = arith.mulf %logistic3A_37, %slice3A_48 : vector<1280x128xf32>
    %add3A_49 = arith.addf %slice3A_47, %mul3A : vector<1280x128xf32>
    %tanh3A = math.tanh %add3A_49 : vector<1280x128xf32>
    %sub3A = arith.constant 1.000000e+00 : f32
    %sub3A_50 = vector.broadcast %sub3A : f32 to vector<1280x128xf32>
    %sub3A_51 = arith.subf %sub3A_50, %logistic3A_46 : vector<1280x128xf32>
    %mul3A_52 = arith.mulf %sub3A_51, %tanh3A : vector<1280x128xf32>
    %mul3A_53 = arith.mulf %logistic3A_46, %get3A_11 : vector<1280x128xf32>
    %add3A_54 = arith.addf %mul3A_52, %mul3A_53 : vector<1280x128xf32>
    %swap3A = arith.constant 0 : index
    %swap3A_55 = arith.constant 0 : index
    %swap3A_56 = vector.load %arg8[%swap3A, %swap3A_55] : memref<1280x128xf32, #tpu.memory_space<vmem>>, vector<1280x128xf32>
    tpu.vector_store %arg8[%swap3A, %swap3A_55], %add3A_54 {strides = array<i32>} : memref<1280x128xf32, #tpu.memory_space<vmem>>, vector<1280x128xf32>,
    %get3A_57 = arith.constant 0 : index
    %get3A_58 = arith.constant 0 : index
    %get3A_59 = vector.load %arg7[%get3A_57, %get3A_58] : memref<128x128xf32, #tpu.memory_space<vmem>>, vector<128x128xf32>
    %dot_general3A_60 = arith.constant dense<0.000000e+00> : vector<1280x128xf32>
    %dot_general3A_61 = tpu.matmul %add3A_54, %get3A_59, %dot_general3A_60 {dimension_numbers = #tpu.dot_dimension_numbers<[1], [0], [0], [1], [0, 0, 1, 1], [], []>, transpose_lhs_hint = false} : vector<1280x128xf32>, vector<128x128xf32>, vector<1280x128xf32> -> vector<1280x128xf32>
    %swap3A_62 = arith.constant 0 : index
    %swap3A_63 = arith.constant 0 : index
    %swap3A_64 = vector.load %arg9[%swap3A_62, %swap3A_63] : memref<1280x128xf32, #tpu.memory_space<vmem>>, vector<1280x128xf32>
    tpu.vector_store %arg9[%swap3A_62, %swap3A_63], %dot_general3A_61 {strides = array<i32>} : memref<1280x128xf32, #tpu.memory_space<vmem>>, vector<1280x128xf32>,
    return
  }
  func.func @transform_0(%arg0: i32) -> (i32, i32, i32) {
    %c0_i32 = arith.constant 0 : i32
    %c0_i32_0 = arith.constant 0 : i32
    %c0_i32_1 = arith.constant 0 : i32
    return %c0_i32, %arg0, %c0_i32_0 : i32, i32, i32
  }
  func.func @transform_1(%arg0: i32) -> (i32, i32) {
    %c0_i32 = arith.constant 0 : i32
    %c0_i32_0 = arith.constant 0 : i32
    return %arg0, %c0_i32 : i32, i32
  }
  func.func @transform_2(%arg0: i32) -> (i32, i32) {
    %c0_i32 = arith.constant 0 : i32
    %c0_i32_0 = arith.constant 0 : i32
    %c0_i32_1 = arith.constant 0 : i32
    return %c0_i32, %c0_i32_0 : i32, i32
  }
  func.func @transform_3(%arg0: i32) -> (i32, i32) {
    %c0_i32 = arith.constant 0 : i32
    %c0_i32_0 = arith.constant 0 : i32
    %c0_i32_1 = arith.constant 0 : i32
    return %c0_i32, %c0_i32_0 : i32, i32
  }
  func.func @transform_4(%arg0: i32) -> (i32, i32) {
    %c0_i32 = arith.constant 0 : i32
    %c0_i32_0 = arith.constant 0 : i32
    %c0_i32_1 = arith.constant 0 : i32
    return %c0_i32, %c0_i32_0 : i32, i32
  }
  func.func @transform_5(%arg0: i32) -> (i32, i32) {
    %c0_i32 = arith.constant 0 : i32
    %c0_i32_0 = arith.constant 0 : i32
    %c0_i32_1 = arith.constant 0 : i32
    return %c0_i32, %c0_i32_0 : i32, i32
  }
  func.func @transform_6(%arg0: i32) -> (i32, i32) {
    %c0_i32 = arith.constant 0 : i32
    %c0_i32_0 = arith.constant 0 : i32
    %c0_i32_1 = arith.constant 0 : i32
    return %c0_i32, %c0_i32_0 : i32, i32
  }
  func.func @transform_7(%arg0: i32) -> (i32, i32) {
    %c0_i32 = arith.constant 0 : i32
    %c0_i32_0 = arith.constant 0 : i32
    return %arg0, %c0_i32 : i32, i32
  }
  func.func @transform_8(%arg0: i32) -> (i32, i32) {
    %c0_i32 = arith.constant 0 : i32
    %c0_i32_0 = arith.constant 0 : i32
    return %arg0, %c0_i32 : i32, i32
  }
}

module attributes {stable_mosaic.version = 14 : i64} {
  func.func @body(%arg0: i32, %arg1: memref<1280x128xf32, #tpu.memory_space<vmem>>, %arg2: memref<1x128xf32, #tpu.memory_space<vmem>>, %arg3: memref<1x1xf32, #tpu.memory_space<vmem>>, %arg4: memref<1024x128xf32, #tpu.memory_space<vmem>>, %arg5: memref<1x1024xf32, #tpu.memory_space<vmem>>, %arg6: memref<1x256xf32, #tpu.memory_space<vmem>>, %arg7: memref<1x128xf32, #tpu.memory_space<vmem>>, %arg8: memref<1x1xf32, #tpu.memory_space<vmem>>) attributes {dimension_semantics = [#tpu.dimension_semantics<arbitrary>], iteration_bounds = array<i64: 8>, scalar_prefetch = 0 : i64, scratch_operands = 2 : i64, tpu.core_type = #tpu.core_type<tc>, window_params = [{transform_indices = @transform_0, window_bounds = array<i64: 1280, 128>}, {pipeline_mode = #tpu.pipeline_mode<synchronous>, transform_indices = @transform_1, window_bounds = array<i64: 1, 128>}, {pipeline_mode = #tpu.pipeline_mode<synchronous>, transform_indices = @transform_2, window_bounds = array<i64: 1, 1>}, {pipeline_mode = #tpu.pipeline_mode<synchronous>, transform_indices = @transform_3, window_bounds = array<i64: 1024, 128>}, {pipeline_mode = #tpu.pipeline_mode<synchronous>, transform_indices = @transform_4, window_bounds = array<i64: 1, 1024>}, {pipeline_mode = #tpu.pipeline_mode<synchronous>, transform_indices = @transform_5, window_bounds = array<i64: 1, 256>}]} {
    %get3A = arith.constant 0 : index
    %get3A_0 = arith.constant 0 : index
    %get3A_1 = vector.load %arg1[%get3A, %get3A_0] : memref<1280x128xf32, #tpu.memory_space<vmem>>, vector<1280x128xf32>
    %get3A_2 = arith.constant 0 : index
    %get3A_3 = arith.constant 0 : index
    %get3A_4 = vector.load %arg2[%get3A_2, %get3A_3] : memref<1x128xf32, #tpu.memory_space<vmem>>, vector<1x128xf32>
    %mul3A = vector.broadcast %get3A_4 : vector<1x128xf32> to vector<1280x128xf32>
    %mul3A_5 = arith.mulf %get3A_1, %mul3A : vector<1280x128xf32>
    %reduce_sum3A = arith.constant dense<0.000000e+00> : vector<1280xf32>
    %reduce_sum3A_6 = vector.multi_reduction <add>, %mul3A_5, %reduce_sum3A [1] : vector<1280x128xf32> to vector<1280xf32>
    %broadcast_in_dim3A = vector.shape_cast %reduce_sum3A_6 : vector<1280xf32> to vector<1280x1xf32>
    %get3A_7 = arith.constant 0 : index
    %get3A_8 = arith.constant 0 : index
    %get3A_9 = vector.load %arg3[%get3A_7, %get3A_8] : memref<1x1xf32, #tpu.memory_space<vmem>>, vector<1x1xf32>
    %get3A_10 = vector.extract %get3A_9[0, 0] : f32 from vector<1x1xf32>
    %add3A = vector.broadcast %get3A_10 : f32 to vector<1280x1xf32>
    %add3A_11 = arith.addf %broadcast_in_dim3A, %add3A : vector<1280x1xf32>
    %logistic3A = arith.negf %add3A_11 : vector<1280x1xf32>
    %logistic3A_12 = math.exp %logistic3A : vector<1280x1xf32>
    %logistic3A_13 = arith.constant 1.000000e+00 : f32
    %logistic3A_14 = vector.broadcast %logistic3A_13 : f32 to vector<1280x1xf32>
    %logistic3A_15 = arith.addf %logistic3A_14, %logistic3A_12 : vector<1280x1xf32>
    %logistic3A_16 = arith.divf %logistic3A_14, %logistic3A_15 : vector<1280x1xf32>
    %mul3A_17 = arith.constant 1280 : i32
    %mul3A_18 = arith.muli %arg0, %mul3A_17 : i32
    %iota3A = tpu.iota {dimensions = array<i32: 0>} : vector<1280x1xi32>
    %add3A_19 = vector.broadcast %mul3A_18 : i32 to vector<1280x1xi32>
    %add3A_20 = arith.addi %add3A_19, %iota3A : vector<1280x1xi32>
    %lt3A = arith.constant 10000 : i32
    %lt3A_21 = vector.broadcast %lt3A : i32 to vector<1280x1xi32>
    %lt3A_22 = arith.cmpi slt, %add3A_20, %lt3A_21 : vector<1280x1xi32>
    %exp3A = math.exp %logistic3A_16 : vector<1280x1xf32>
    %jit3A = arith.constant 0.000000e+00 : f32
    %broadcast_in_dim3A_23 = vector.broadcast %jit3A : f32 to vector<1280x1xf32>
    %select_n3A = arith.select %lt3A_22, %exp3A, %broadcast_in_dim3A_23 : vector<1280x1xi1>, vector<1280x1xf32>
    %dot_general3A = arith.constant dense<0.000000e+00> : vector<1x128xf32>
    %dot_general3A_24 = tpu.matmul %select_n3A, %get3A_1, %dot_general3A {dimension_numbers = #tpu.dot_dimension_numbers<[0], [0], [1], [1], [0, 1, 1, 1], [], []>, transpose_lhs_hint = false} : vector<1280x1xf32>, vector<1280x128xf32>, vector<1x128xf32> -> vector<1x128xf32>
    %reduce_sum3A_25 = vector.shape_cast %select_n3A : vector<1280x1xf32> to vector<1x1280x1xf32>
    %reduce_sum3A_26 = arith.constant dense<0.000000e+00> : vector<1xf32>
    %reduce_sum3A_27 = vector.multi_reduction <add>, %reduce_sum3A_25, %reduce_sum3A_26 [1, 2] : vector<1x1280x1xf32> to vector<1xf32>
    %reduce_sum3A_28 = vector.shape_cast %reduce_sum3A_27 : vector<1xf32> to vector<1x1x1xf32>
    %reduce_sum3A_29 = vector.extract %reduce_sum3A_28[0, 0, 0] : f32 from vector<1x1x1xf32>
    %eq3A = arith.constant 0 : i32
    %eq3A_30 = arith.cmpi eq, %arg0, %eq3A : i32
    %convert_element_type3A = arith.extui %eq3A_30 : i1 to i32
    %cond3A = arith.constant 0 : i32
    %cond3A_31 = arith.cmpi ne, %convert_element_type3A, %cond3A : i32
    scf.if %cond3A_31 {
      %broadcast_in_dim3A_51 = arith.constant 0.000000e+00 : f32
      %broadcast_in_dim3A_52 = vector.broadcast %broadcast_in_dim3A_51 : f32 to vector<1x128xf32>
      %swap3A_53 = arith.constant 0 : index
      %swap3A_54 = arith.constant 0 : index
      %swap3A_55 = vector.load %arg7[%swap3A_53, %swap3A_54] : memref<1x128xf32, #tpu.memory_space<vmem>>, vector<1x128xf32>
      tpu.vector_store %arg7[%swap3A_53, %swap3A_54], %broadcast_in_dim3A_52 {strides = array<i32>} : memref<1x128xf32, #tpu.memory_space<vmem>>, vector<1x128xf32>,
      %broadcast_in_dim3A_56 = arith.constant 0.000000e+00 : f32
      %broadcast_in_dim3A_57 = vector.broadcast %broadcast_in_dim3A_56 : f32 to vector<1x1xf32>
      %swap3A_58 = arith.constant 0 : index
      %swap3A_59 = arith.constant 0 : index
      %swap3A_60 = vector.load %arg8[%swap3A_58, %swap3A_59] : memref<1x1xf32, #tpu.memory_space<vmem>>, vector<1x1xf32>
      tpu.vector_store %arg8[%swap3A_58, %swap3A_59], %broadcast_in_dim3A_57 {strides = array<i32>} : memref<1x1xf32, #tpu.memory_space<vmem>>, vector<1x1xf32>,
    } else {
    }
    %get3A_32 = arith.constant 0 : index
    %get3A_33 = arith.constant 0 : index
    %get3A_34 = vector.load %arg7[%get3A_32, %get3A_33] : memref<1x128xf32, #tpu.memory_space<vmem>>, vector<1x128xf32>
    %add3A_35 = arith.addf %get3A_34, %dot_general3A_24 : vector<1x128xf32>
    %swap3A = arith.constant 0 : index
    %swap3A_36 = arith.constant 0 : index
    %swap3A_37 = vector.load %arg7[%swap3A, %swap3A_36] : memref<1x128xf32, #tpu.memory_space<vmem>>, vector<1x128xf32>
    tpu.vector_store %arg7[%swap3A, %swap3A_36], %add3A_35 {strides = array<i32>} : memref<1x128xf32, #tpu.memory_space<vmem>>, vector<1x128xf32>,
    %get3A_38 = arith.constant 0 : index
    %get3A_39 = arith.constant 0 : index
    %get3A_40 = vector.load %arg8[%get3A_38, %get3A_39] : memref<1x1xf32, #tpu.memory_space<vmem>>, vector<1x1xf32>
    %add3A_41 = vector.broadcast %reduce_sum3A_29 : f32 to vector<1x1xf32>
    %add3A_42 = arith.addf %get3A_40, %add3A_41 : vector<1x1xf32>
    %swap3A_43 = arith.constant 0 : index
    %swap3A_44 = arith.constant 0 : index
    %swap3A_45 = vector.load %arg8[%swap3A_43, %swap3A_44] : memref<1x1xf32, #tpu.memory_space<vmem>>, vector<1x1xf32>
    tpu.vector_store %arg8[%swap3A_43, %swap3A_44], %add3A_42 {strides = array<i32>} : memref<1x1xf32, #tpu.memory_space<vmem>>, vector<1x1xf32>,
    %eq3A_46 = arith.constant 7 : i32
    %eq3A_47 = arith.cmpi eq, %arg0, %eq3A_46 : i32
    %convert_element_type3A_48 = arith.extui %eq3A_47 : i1 to i32
    %cond3A_49 = arith.constant 0 : i32
    %cond3A_50 = arith.cmpi ne, %convert_element_type3A_48, %cond3A_49 : i32
    scf.if %cond3A_50 {
      %get3A_51 = arith.constant 0 : index
      %get3A_52 = arith.constant 0 : index
      %get3A_53 = vector.load %arg7[%get3A_51, %get3A_52] : memref<1x128xf32, #tpu.memory_space<vmem>>, vector<1x128xf32>
      %get3A_54 = arith.constant 0 : index
      %get3A_55 = arith.constant 0 : index
      %get3A_56 = vector.load %arg8[%get3A_54, %get3A_55] : memref<1x1xf32, #tpu.memory_space<vmem>>, vector<1x1xf32>
      %get3A_57 = vector.extract %get3A_56[0, 0] : f32 from vector<1x1xf32>
      %div3A = vector.broadcast %get3A_57 : f32 to vector<1x128xf32>
      %div3A_58 = arith.divf %get3A_53, %div3A : vector<1x128xf32>
      %get3A_59 = arith.constant 0 : index
      %get3A_60 = arith.constant 0 : index
      %get3A_61 = vector.load %arg4[%get3A_59, %get3A_60] : memref<1024x128xf32, #tpu.memory_space<vmem>>, vector<1024x128xf32>
      %dot_general3A_62 = arith.constant dense<0.000000e+00> : vector<1x1024xf32>
      %dot_general3A_63 = tpu.matmul %div3A_58, %get3A_61, %dot_general3A_62 {dimension_numbers = #tpu.dot_dimension_numbers<[1], [1], [0], [0], [0, 0, 1, 0], [], []>, transpose_lhs_hint = false} : vector<1x128xf32>, vector<1024x128xf32>, vector<1x1024xf32> -> vector<1x1024xf32>
      %get3A_64 = arith.constant 0 : index
      %get3A_65 = arith.constant 0 : index
      %get3A_66 = vector.load %arg5[%get3A_64, %get3A_65] : memref<1x1024xf32, #tpu.memory_space<vmem>>, vector<1x1024xf32>
      %add3A_67 = arith.addf %dot_general3A_63, %get3A_66 : vector<1x1024xf32>
      %slice3A = vector.extract_strided_slice %add3A_67 {offsets = [0, 0], sizes = [1, 256], strides = [1, 1]} : vector<1x1024xf32> to vector<1x256xf32>
      %logistic3A_68 = arith.negf %slice3A : vector<1x256xf32>
      %logistic3A_69 = math.exp %logistic3A_68 : vector<1x256xf32>
      %logistic3A_70 = arith.constant 1.000000e+00 : f32
      %logistic3A_71 = vector.broadcast %logistic3A_70 : f32 to vector<1x256xf32>
      %logistic3A_72 = arith.addf %logistic3A_71, %logistic3A_69 : vector<1x256xf32>
      %logistic3A_73 = arith.divf %logistic3A_71, %logistic3A_72 : vector<1x256xf32>
      %slice3A_74 = vector.extract_strided_slice %add3A_67 {offsets = [0, 512], sizes = [1, 256], strides = [1, 1]} : vector<1x1024xf32> to vector<1x256xf32>
      %tanh3A = math.tanh %slice3A_74 : vector<1x256xf32>
      %slice3A_75 = vector.extract_strided_slice %add3A_67 {offsets = [0, 768], sizes = [1, 256], strides = [1, 1]} : vector<1x1024xf32> to vector<1x256xf32>
      %logistic3A_76 = arith.negf %slice3A_75 : vector<1x256xf32>
      %logistic3A_77 = math.exp %logistic3A_76 : vector<1x256xf32>
      %logistic3A_78 = arith.constant 1.000000e+00 : f32
      %logistic3A_79 = vector.broadcast %logistic3A_78 : f32 to vector<1x256xf32>
      %logistic3A_80 = arith.addf %logistic3A_79, %logistic3A_77 : vector<1x256xf32>
      %logistic3A_81 = arith.divf %logistic3A_79, %logistic3A_80 : vector<1x256xf32>
      %mul3A_82 = arith.mulf %logistic3A_73, %tanh3A : vector<1x256xf32>
      %tanh3A_83 = math.tanh %mul3A_82 : vector<1x256xf32>
      %mul3A_84 = arith.mulf %logistic3A_81, %tanh3A_83 : vector<1x256xf32>
      %swap3A_85 = arith.constant 0 : index
      %swap3A_86 = arith.constant 0 : index
      %swap3A_87 = vector.load %arg6[%swap3A_85, %swap3A_86] : memref<1x256xf32, #tpu.memory_space<vmem>>, vector<1x256xf32>
      tpu.vector_store %arg6[%swap3A_85, %swap3A_86], %mul3A_84 {strides = array<i32>} : memref<1x256xf32, #tpu.memory_space<vmem>>, vector<1x256xf32>,
    } else {
    }
    return
  }
  func.func @transform_0(%arg0: i32) -> (i32, i32) {
    %c0_i32 = arith.constant 0 : i32
    %c0_i32_0 = arith.constant 0 : i32
    return %arg0, %c0_i32 : i32, i32
  }
  func.func @transform_1(%arg0: i32) -> (i32, i32) {
    %c0_i32 = arith.constant 0 : i32
    %c0_i32_0 = arith.constant 0 : i32
    %c0_i32_1 = arith.constant 0 : i32
    return %c0_i32, %c0_i32_0 : i32, i32
  }
  func.func @transform_2(%arg0: i32) -> (i32, i32) {
    %c0_i32 = arith.constant 0 : i32
    %c0_i32_0 = arith.constant 0 : i32
    %c0_i32_1 = arith.constant 0 : i32
    return %c0_i32, %c0_i32_0 : i32, i32
  }
  func.func @transform_3(%arg0: i32) -> (i32, i32) {
    %c0_i32 = arith.constant 0 : i32
    %c0_i32_0 = arith.constant 0 : i32
    %c0_i32_1 = arith.constant 0 : i32
    return %c0_i32, %c0_i32_0 : i32, i32
  }
  func.func @transform_4(%arg0: i32) -> (i32, i32) {
    %c0_i32 = arith.constant 0 : i32
    %c0_i32_0 = arith.constant 0 : i32
    %c0_i32_1 = arith.constant 0 : i32
    return %c0_i32, %c0_i32_0 : i32, i32
  }
  func.func @transform_5(%arg0: i32) -> (i32, i32) {
    %c0_i32 = arith.constant 0 : i32
    %c0_i32_0 = arith.constant 0 : i32
    %c0_i32_1 = arith.constant 0 : i32
    return %c0_i32, %c0_i32_0 : i32, i32
  }
}

module attributes {stable_mosaic.version = 14 : i64} {
  func.func @body(%arg0: i32, %arg1: memref<1x256xf32, #tpu.memory_space<vmem>>, %arg2: memref<2048x256xf32, #tpu.memory_space<vmem>>, %arg3: memref<1x2048xf32, #tpu.memory_space<vmem>>, %arg4: memref<1x2048xf32, #tpu.memory_space<vmem>>) attributes {dimension_semantics = [#tpu.dimension_semantics<arbitrary>], iteration_bounds = array<i64: 5>, scalar_prefetch = 0 : i64, scratch_operands = 0 : i64, tpu.core_type = #tpu.core_type<tc>, window_params = [{pipeline_mode = #tpu.pipeline_mode<synchronous>, transform_indices = @transform_0, window_bounds = array<i64: 1, 256>}, {transform_indices = @transform_1, window_bounds = array<i64: 2048, 256>}, {transform_indices = @transform_2, window_bounds = array<i64: 1, 2048>}, {transform_indices = @transform_3, window_bounds = array<i64: 1, 2048>}]} {
    %get3A = arith.constant 0 : index
    %get3A_0 = arith.constant 0 : index
    %get3A_1 = vector.load %arg1[%get3A, %get3A_0] : memref<1x256xf32, #tpu.memory_space<vmem>>, vector<1x256xf32>
    %get3A_2 = arith.constant 0 : index
    %get3A_3 = arith.constant 0 : index
    %get3A_4 = vector.load %arg2[%get3A_2, %get3A_3] : memref<2048x256xf32, #tpu.memory_space<vmem>>, vector<2048x256xf32>
    %dot_general3A = arith.constant dense<0.000000e+00> : vector<1x2048xf32>
    %dot_general3A_5 = tpu.matmul %get3A_1, %get3A_4, %dot_general3A {dimension_numbers = #tpu.dot_dimension_numbers<[1], [1], [0], [0], [0, 0, 1, 0], [], []>, transpose_lhs_hint = false} : vector<1x256xf32>, vector<2048x256xf32>, vector<1x2048xf32> -> vector<1x2048xf32>
    %get3A_6 = arith.constant 0 : index
    %get3A_7 = arith.constant 0 : index
    %get3A_8 = vector.load %arg3[%get3A_6, %get3A_7] : memref<1x2048xf32, #tpu.memory_space<vmem>>, vector<1x2048xf32>
    %add3A = arith.addf %dot_general3A_5, %get3A_8 : vector<1x2048xf32>
    %swap3A = arith.constant 0 : index
    %swap3A_9 = arith.constant 0 : index
    %swap3A_10 = vector.load %arg4[%swap3A, %swap3A_9] : memref<1x2048xf32, #tpu.memory_space<vmem>>, vector<1x2048xf32>
    tpu.vector_store %arg4[%swap3A, %swap3A_9], %add3A {strides = array<i32>} : memref<1x2048xf32, #tpu.memory_space<vmem>>, vector<1x2048xf32>,
    return
  }
  func.func @transform_0(%arg0: i32) -> (i32, i32) {
    %c0_i32 = arith.constant 0 : i32
    %c0_i32_0 = arith.constant 0 : i32
    %c0_i32_1 = arith.constant 0 : i32
    return %c0_i32, %c0_i32_0 : i32, i32
  }
  func.func @transform_1(%arg0: i32) -> (i32, i32) {
    %c0_i32 = arith.constant 0 : i32
    %c0_i32_0 = arith.constant 0 : i32
    return %arg0, %c0_i32 : i32, i32
  }
  func.func @transform_2(%arg0: i32) -> (i32, i32) {
    %c0_i32 = arith.constant 0 : i32
    %c0_i32_0 = arith.constant 0 : i32
    return %c0_i32, %arg0 : i32, i32
  }
  func.func @transform_3(%arg0: i32) -> (i32, i32) {
    %c0_i32 = arith.constant 0 : i32
    %c0_i32_0 = arith.constant 0 : i32
    return %c0_i32, %arg0 : i32, i32
  }
}

</mosaic_0001>

<sc_bundles>
// kernel: kernel.14.cloned.1.call-start
scs
__scs_entry_jumppad:
0x0: {  	(pc) =	sbr.rel $0x88, $3  }
0x1: {  	(tag) =	ssettag $0x0;
	lr =	simm.s32 $0x1  }
0x2: {  	[smem:$0x3F92] =	sst lr;
	_ =	strace $0xD0000000  }
0x3: {  	_ = 	snop  }
0x4: {  	_ = 	snop  }
0x5: {  	_ = 	snop  }
0x6: {  	_ = 	snop  }
0x7: {  	_ = 	snop  }
__scs_overlays_trampoline_lowered:
0x8: {  	[smem:$0x3FA1] =	sst s0  }
0x9: {  	[smem:$0x3FA2] =	sst s1  }
0xa: {  	[smem:$0x3FA3] =	sst s2  }
0xb: {  	[smem:$0x3FA4] =	sst s3  }
0xc: {  	[smem:$0x3FA5] =	sst s4  }
0xd: {  	[smem:$0x3FA6] =	sst s5  }
0xe: {  	[smem:$0x3FA7] =	sst s6  }
0xf: {  	[smem:$0x3FA8] =	sst s7  }
0x10: {  	[smem:$0x3FA9] =	sst s8  }
0x11: {  	[smem:$0x3FAA] =	sst s9;
	s0 =	simm.s32 @!p0 $0x0  }
0x12: {  	s1 =	sld [smem:$0x3F90];
	s0 =	simm.s32 @p0 $0x1  }
0x13: {  	[smem:$0x3FAB] =	sst s0;
	s0 =	simm.s32 @!p1 $0x0  }
0x14: {  	s2 =	sld [smem:$0x3F8F];
	s0 =	simm.s32 @p1 $0x1  }
0x15: {  	[smem:$0x3FAC] =	sst s0;
	s0 =	simm.s32 @!p2 $0x0  }
0x16: {  	s3 =	sld [smem:$0x3FDB];
	s0 =	simm.s32 @p2 $0x1  }
0x17: {  	s4 =	simm.s32 $0x1BF5;
	[smem:$0x3FAE] =	sst s0  }
0x18: {  	s0 =	sld [smem:$0x3F91];
	_ =	swait.ge [sflag:s4], $0x0  }
0x19: {  	s7 =	sld [smem:$0x3F92]  }
0x1a: {  	s8 =	sadd.s32 $0xFFFFE003, lr  }
0x1b: {  	s9 =	sadd.s32 $0xFFFFFEF7, lr;
	s5 =	simm.s32 $0xFFFFFFFF;
	p2 =	slt.u32 s8, $0xFFFFF086  }
0x1c: {  	p1 =	slt.u32 s9, $0xF7A;
	s5 =	simm.s32 @!p2 $0x0  }
0x1d: {  	s5 =	simm.s32 @p1 $0x1;
	p0 =	seq.s32 s7, s2  }
0x1e: {  	s7 =	smul.u32 @!p0 $0xF7A, s2;
	p2 =	seq.s32 @!p0 s5, $0x0  }
0x1f: {  	s9 =	smul.u32 $0xF7A, s1;
	s8 =	simm.s32 @!p0 $0x1BF5;
	p2 =	por !p2, p0  }
0x20: {  	[sflag:s8] =	ssyncset.s32 @!p0 $0xFFFFF086;
	s6 =	sadd.s32 @!p0 s3, s7;
	s7 =	simm.s32 @!p0 $0x108  }
0x21: {  	s3 =	sadd.s32 s3, s9;
	s6 =	sadd.s32 @!p0 $0x88, s6;
	s7 =	simm.s32 @p2 $0x1082  }
0x22: {  	[simem:s7], [sflag:s8] =	dma.local @!p0 [hbm:s6], $0xF7A  }
0x23: {  	s9 =	sor.u32 $0xD0000000, s2;
	s6 =	simm.s32 $0x108;
	_ =	swait.ge @!p0 [sflag:s8], $0x0  }
0x24: {  	s3 =	sadd.s32 $0x88, s3;
	s6 =	simm.s32 @!p1 $0x1082;
	[sflag:s4] =	ssyncset.s32 $0xFFFFF086  }
0x25: {  	[simem:s6], [sflag:s4] =	dma.local [hbm:s3], $0xF7A  }
0x26: {  	[smem:$0x3F92] =	sst s1;
	(tag) =	ssettag s2;
	_ =	strace s9  }
0x27: {  	s1 =	sld [smem:$0x3FA2]  }
0x28: {  	s2 =	sld [smem:$0x3FA3]  }
0x29: {  	s4 =	sld [smem:$0x3FA5]  }
0x2a: {  	p0 =	seq.s32 s5, $0x0;
	s5 =	sld [smem:$0x3FA6]  }
0x2b: {  	s6 =	sld [smem:$0x3FA7]  }
0x2c: {  	s7 =	sld [smem:$0x3FA8]  }
0x2d: {  	s3 =	simm.s32 $0x108;
	s8 =	sld [smem:$0x3FA9]  }
0x2e: {  	s3 =	simm.s32 @!p0 $0x1082;
	s9 =	sld [smem:$0x3FAA]  }
0x2f: {  	lr =	sadd.s32 s0, s3;
	s0 =	sld [smem:$0x3FA1]  }
0x30: {  	s3 =	sld [smem:$0x3FA4]  }
0x31: {  	[smem:$0x3FAD] =	sst s10  }
0x32: {  	s10 =	sld [smem:$0x3FAB];
	_ =	sdelay $0x3  }
0x33: {  	p0 =	seq.s32 s10, $0x1;
	s10 =	sld [smem:$0x3FAD];
	_ =	sdelay $0x3  }
0x34: {  	[smem:$0x3FAD] =	sst s10  }
0x35: {  	s10 =	sld [smem:$0x3FAC];
	_ =	sdelay $0x3  }
0x36: {  	p1 =	seq.s32 s10, $0x1;
	s10 =	sld [smem:$0x3FAD];
	_ =	sdelay $0x3  }
0x37: {  	[smem:$0x3FAD] =	sst s10  }
0x38: {  	s10 =	sld [smem:$0x3FAE]  }
0x39: {  	_ = 	snop;
	(pc) =	sbr.ind lr, $3  }
0x3a: {  	_ = 	snop  }
0x3b: {  	_ = 	snop  }
0x3c: {  	p2 =	seq.s32 s10, $0x1;
	s10 =	sld [smem:$0x3FAD]  }
0x3d: {  	_ =	shalt  }
0x3e: {  	_ =	shalt  }
0x3f: {  	_ =	shalt  }
0x40: {  	_ =	shalt  }
0x41: {  	_ =	shalt  }
0x42: {  	_ =	shalt  }
0x43: {  	_ =	shalt  }
0x44: {  	_ =	shalt  }
0x45: {  	_ =	shalt  }
0x46: {  	_ =	shalt  }
0x47: {  	_ =	shalt  }
0x48: {  	_ =	shalt  }
0x49: {  	_ =	shalt  }
0x4a: {  	_ =	shalt  }
0x4b: {  	_ =	shalt  }
0x4c: {  	_ =	shalt  }
0x4d: {  	_ =	shalt  }
0x4e: {  	_ =	shalt  }
0x4f: {  	_ =	shalt  }
0x50: {  	_ =	shalt  }
0x51: {  	_ =	shalt  }
0x52: {  	_ =	shalt  }
0x53: {  	_ =	shalt  }
0x54: {  	_ =	shalt  }
0x55: {  	_ =	shalt  }
0x56: {  	_ =	shalt  }
0x57: {  	_ =	shalt  }
0x58: {  	_ =	shalt  }
0x59: {  	_ =	shalt  }
0x5a: {  	_ =	shalt  }
0x5b: {  	_ =	shalt  }
0x5c: {  	_ =	shalt  }
0x5d: {  	_ =	shalt  }
0x5e: {  	_ =	shalt  }
0x5f: {  	_ =	shalt  }
0x60: {  	_ =	shalt  }
0x61: {  	_ =	shalt  }
0x62: {  	_ =	shalt  }
0x63: {  	_ =	shalt  }
0x64: {  	_ =	shalt  }
0x65: {  	_ =	shalt  }
0x66: {  	_ =	shalt  }
0x67: {  	_ =	shalt  }
0x68: {  	_ =	shalt  }
0x69: {  	_ =	shalt  }
0x6a: {  	_ =	shalt  }
0x6b: {  	_ =	shalt  }
0x6c: {  	_ =	shalt  }
0x6d: {  	_ =	shalt  }
0x6e: {  	_ =	shalt  }
0x6f: {  	_ =	shalt  }
0x70: {  	_ =	shalt  }
0x71: {  	_ =	shalt  }
0x72: {  	_ =	shalt  }
0x73: {  	_ =	shalt  }
0x74: {  	_ =	shalt  }
0x75: {  	_ =	shalt  }
0x76: {  	_ =	shalt  }
0x77: {  	_ =	shalt  }
0x78: {  	_ =	shalt  }
0x79: {  	_ =	shalt  }
0x7a: {  	_ =	shalt  }
0x7b: {  	_ =	shalt  }
0x7c: {  	_ =	shalt  }
0x7d: {  	_ =	shalt  }
0x7e: {  	_ =	shalt  }
0x7f: {  	_ =	shalt  }
0x80: {  	_ =	shalt  }
0x81: {  	_ =	shalt  }
0x82: {  	_ =	shalt  }
0x83: {  	_ =	shalt  }
0x84: {  	_ =	shalt  }
0x85: {  	_ =	shalt  }
0x86: {  	_ =	shalt  }
0x87: {  	_ =	shalt  }
.Lfunc_end0:
.L_simem_size_0:
called_computation_lowered:
.L_overlay_start_0:
0x88: {  	s2 =	sld [smem:$0x3FD9]  }
0x89: {  	s3 =	sld [smem:$0x3FFE];
	_ =	sdelay $0x1  }
0x8a: {  	s1 =	srdreg.scid  }
0x8b: {  	s0 =	sand.u32 $0x1, s1  }
0x8c: {  	s17 =	sshll.u32 s0, $0xA;
	s2 =	sadd.s32 s3, s2  }
0x8d: {  	s2 =	sadd.s32 s2, s17  }
0x8e: {  	[smem:$0x3FB9] =	sst s2  }
0x8f: {  	_ = 	snop  }
0x90: {  	s2 =	sld [smem:$0x3FC7];
	(tm) =	ssettm $0x1  }
0x91: {  	s18 =	sld [smem:$0x3FFB];
	_ =	sdelay $0x3  }
0x92: {  	_ =	strace s18  }
0x93: {  	s3 =	sld [smem:$0x3FFC];
	_ =	sdelay $0x3  }
0x94: {  	_ =	strace s3  }
0x95: {  	s3 =	sld [smem:$0x3FFD];
	_ =	sdelay $0x3  }
0x96: {  	_ =	strace s3  }
0x97: {  	_ =	strace $0x8FFFFFFF  }
0x98: {  	s19 =	sld [smem:$0x3FDB];
	_ =	sdelay $0x1  }
0x99: {  	s4 =	simm.s32 $_scs_section_size  }
0x9a: {  	s5 =	simm.s32 $_size__tile_overlayer_lowered;
	s6 =	simm.s32 $_tile_overlayer_lowered  }
0x9b: {  	s22 =	simm.s32 $0x1BFF;
	s21 =	sshll.u32 s6, $0x1;
	s3 =	sadd.s32 s4, s19  }
0x9c: {  	s7 =	simm.s32 $0x0;
	s20 =	sshll.u32 s5, $0x1;
	s5 =	sadd.s32 s21, s3  }
0x9d: {  	[timem:s7], [sflag:s22] =	dma.local [hbm:s5], s20  }
0x9e: {  	_ =	swait.ge [sflag:s22], s20  }
0x9f: {  	s4 =	ssub.s32 $0x0, s20;
	[sflag:s22] =	ssyncset.done $0x0  }
0xa0: {  	[sflag:s22] =	ssyncadd.s32 s4;
	_ =	sdelay $0x1  }
0xa1: {  	s23 =	simm.s32 $0x1B8B  }
0xa2: {  	_ =	swait.ge [sflag:s23], $0x1  }
0xa3: {  	[sflag:s23] =	ssyncset.done $0x0  }
0xa4: {  	s25 =	simm.s32 $0x1B8E;
	s24 =	sld [smem:$0x3FFE];
	[sflag:s23] =	ssyncadd.s32 $0xFFFFFFFF  }
0xa5: {  	s26 =	simm.s32 $execute0_lowered;
	[smem:$0x3FD2] =	sst s25  }
0xa6: {  	s5 =	sshll.u32 s26, $0x1;
	_ =	strace $0x80000046;
	[dreg:$0x1] =	wrdreg $0xFFFFFFFF  }
0xa7: {  	s28 =	simm.s32 $_size_execute0_lowered;
	s3 =	sadd.s32 s3, s5;
	[dreg:$0x0] =	wrdreg $0x0  }
0xa8: {  	s5 =	sshll.u32 s28, $0x1;
	[dreg:$0x2] =	wrdreg s3  }
0xa9: {  	[dreg:$0x3] =	wrdreg s5  }
0xaa: {  	[dreg:$0x4] =	wrdreg $0xC0  }
0xab: {  	_ =	task [dreg:s7], $0x5FFFF  }
0xac: {  	[dreg:$0x1] =	wrdreg $0xFFFFFFFF  }
0xad: {  	[dreg:$0x0] =	wrdreg $0x60  }
0xae: {  	[dreg:$0x2] =	wrdreg s2  }
0xaf: {  	[dreg:$0x3] =	wrdreg s24  }
0xb0: {  	[dreg:$0x4] =	wrdreg $0x9  }
0xb1: {  	_ =	task.clear_ibuf [dreg:s7], $0x5FFFF;
	_ =	strace $0x90000046  }
0xb2: {  	s29 =	simm.s32 $0x9;
	_ =	strace $0x80000048  }
0xb3: {  	_ =	swait.ge [sflag:s29], $0x1  }
0xb4: {  	[sflag:s29] =	ssyncadd.s32 $0xFFFFFFFF  }
0xb5: {  	_ =	strace $0x90000048  }
0xb6: {  	_ =	sfence  }
0xb7: {  	s30 =	sld [smem:$0x0];
	_ =	sdelay $0x2  }
0xb8: {  	s31 =	sshll.u32 s1, $0xD;
	s1 =	sshrl.u32 s1, $0x2  }
0xb9: {  	s3 =	sand.u32 $0x4000, s31;
	s1 =	sadd.s32 s1, s30  }
0xba: {  	s0 =	sor.u32 s3, s0;
	s1 =	sshll.u32 s1, $0x11  }
0xbb: {  	s0 =	sor.u32 s1, s0  }
0xbc: {  	s0 =	sadd.s32 $0x8F2B, s0  }
0xbd: {  	[sflag:s0] =	ssyncadd.remote.s32 $0x1  }
0xbe: {  	_ =	sfence.sel $0xFFFF  }
0xbf: {  	[dreg:$0x0] =	wrdreg $0xFFFFFFFF;
	(pc) =	sbr.abs _section_cstart, $3  }
0xc0: {  	[dreg:$0x1] =	wrdreg $0xFFFFFFFF  }
0xc1: {  	_ =	task.clear_ibuf [dreg:s7], $0x2FFFF;
	_ =	strace $0x9FFFFFFF  }
0xc2: {  	(tm) =	ssettm $0x7FFFFFFF  }
0xc3: {  	_ =	shalt  }
tec
execute0_lowered:
.L_overlay_start_1:
0x0: {  	(tag) =	ssettag $0x1  }
0x1: {  	s1 =	srdreg.scid;
	s0 =	stileid.u32  }
0x2: {  	s15 =	sand.u32 $0x1, s1;
	s28 =	sshll.u32 s0, $0x1  }
0x3: {  	s2 =	rddreg [dreg:$0x0];
	s9 =	sor.u32 s15, s28  }
0x4: {  	s10 =	rddreg [dreg:$0x1];
	s14 =	smul.u32 $0x140, s9  }
0x5: {  	s3 =	simm.s32 $0x0;
	s1 =	rddreg [dreg:$0x2]  }
0x6: {  	[smem:$0x7FF] =	sst s3;
	s16 =	sadd.s32 $0x4000, s10;
	s4 =	sshrl.u32 s14, $0x3  }
0x7: {  	_ =	strace $0x80000047;
	s5 =	sadd.s32 s16, s4;
	s4 =	simm.s32 $0x2  }
0x8: {  	[tilespmem:s3], [sflag:$0x2] =	stream.linear.gather [hbm4b:s5+s3], $0x50, $0x38;
	[tilespmem:$0x2880] =	vst v63  }
0x9: {  	_ =	swait.ge [sflag:s4], $0x50  }
0xa: {  	s6 =	simm.s32 $0x50;
	[sflag:s4] =	ssyncset.done $0x0  }
0xb: {  	s7 =	simm.s32 $0x80;
	s8 =	simm.s32 $0x1;
	[sflag:s4] =	ssyncadd.s32 $0xFFFFFFB0  }
0xc: {  	[tilespmem:s7], [sflag:$0x1] =	stream.indirect.gather [hbm4b:s2+s6], $0x80, s3, s6, $0xb8;
	[tilespmem:$0x2880] =	vst v63  }
0xd: {  	s9 =	smul.u32 $0x1400, s9;
	_ =	swait.ge [sflag:s8], $0x2800  }
0xe: {  	s17 =	sadd.s32 $0x4600, s10;
	[sflag:s8] =	ssyncset.done $0x0  }
0xf: {  	s9 =	sadd.s32 s17, s9;
	[sflag:s8] =	ssyncadd.s32 $0xFFFFD800  }
0x10: {  	[hbm4b:s9+s3] =	stream.linear.scatter [tilespmem:s7], [sflag:$0x2], $0x2800, $0x38;
	[tilespmem:$0x2880] =	vst v63  }
0x11: {  	s11 =	sadd.s32 $0x50, s14;
	_ =	swait.ge [sflag:s4], $0x2800  }
0x12: {  	s29 =	sshrl.u32 s11, $0x3;
	[sflag:s4] =	ssyncset.done $0x0  }
0x13: {  	s10 =	sadd.s32 s16, s29;
	[sflag:s4] =	ssyncadd.s32 $0xFFFFD800  }
0x14: {  	[tilespmem:s3], [sflag:$0x2] =	stream.linear.gather [hbm4b:s10+s3], $0x50, $0x38;
	[tilespmem:$0x2880] =	vst v63  }
0x15: {  	_ =	swait.ge [sflag:s4], $0x50  }
0x16: {  	[sflag:s4] =	ssyncset.done $0x0  }
0x17: {  	[sflag:s4] =	ssyncadd.s32 $0xFFFFFFB0  }
0x18: {  	[tilespmem:s7], [sflag:$0x1] =	stream.indirect.gather [hbm4b:s2+s6], $0x80, s3, s6, $0xb8;
	[tilespmem:$0x2880] =	vst v63  }
0x19: {  	_ =	swait.ge [sflag:s8], $0x2800  }
0x1a: {  	s11 =	sshll.u32 s11, $0x4;
	[sflag:s8] =	ssyncset.done $0x0  }
0x1b: {  	s11 =	sadd.s32 s17, s11;
	[sflag:s8] =	ssyncadd.s32 $0xFFFFD800  }
0x1c: {  	[hbm4b:s11+s3] =	stream.linear.scatter [tilespmem:s7], [sflag:$0x2], $0x2800, $0x38;
	[tilespmem:$0x2880] =	vst v63  }
0x1d: {  	s13 =	sadd.s32 $0xA0, s14;
	_ =	swait.ge [sflag:s4], $0x2800  }
0x1e: {  	s12 =	sshrl.u32 s13, $0x3;
	[sflag:s4] =	ssyncset.done $0x0  }
0x1f: {  	s12 =	sadd.s32 s16, s12;
	[sflag:s4] =	ssyncadd.s32 $0xFFFFD800  }
0x20: {  	[tilespmem:s3], [sflag:$0x2] =	stream.linear.gather [hbm4b:s12+s3], $0x50, $0x38;
	[tilespmem:$0x2880] =	vst v63  }
0x21: {  	_ =	swait.ge [sflag:s4], $0x50  }
0x22: {  	[sflag:s4] =	ssyncset.done $0x0  }
0x23: {  	[sflag:s4] =	ssyncadd.s32 $0xFFFFFFB0  }
0x24: {  	[tilespmem:s7], [sflag:$0x1] =	stream.indirect.gather [hbm4b:s2+s6], $0x80, s3, s6, $0xb8;
	[tilespmem:$0x2880] =	vst v63  }
0x25: {  	_ =	swait.ge [sflag:s8], $0x2800  }
0x26: {  	s13 =	sshll.u32 s13, $0x4;
	[sflag:s8] =	ssyncset.done $0x0  }
0x27: {  	s13 =	sadd.s32 s17, s13;
	[sflag:s8] =	ssyncadd.s32 $0xFFFFD800  }
0x28: {  	[hbm4b:s13+s3] =	stream.linear.scatter [tilespmem:s7], [sflag:$0x2], $0x2800, $0x38;
	[tilespmem:$0x2880] =	vst v63  }
0x29: {  	s18 =	sadd.s32 $0xF0, s14;
	_ =	swait.ge [sflag:s4], $0x2800  }
0x2a: {  	s14 =	sshrl.u32 s18, $0x3;
	[sflag:s4] =	ssyncset.done $0x0  }
0x2b: {  	s15 =	ssub.s32 $0x2, s15;
	s14 =	sadd.s32 s16, s14;
	[sflag:s4] =	ssyncadd.s32 $0xFFFFD800  }
0x2c: {  	[tilespmem:s3], [sflag:$0x2] =	stream.linear.gather [hbm4b:s14+s3], $0x50, $0x38;
	[tilespmem:$0x2880] =	vst v63  }
0x2d: {  	s30 =	sshrl.u32 s15, $0x1;
	_ =	swait.ge [sflag:s4], $0x50  }
0x2e: {  	s16 =	ssub.s32 s15, s30;
	[sflag:s4] =	ssyncset.done $0x0  }
0x2f: {  	s16 =	smax.u32 s16, $0x1;
	[sflag:s4] =	ssyncadd.s32 $0xFFFFFFB0  }
0x30: {  	[tilespmem:s7], [sflag:$0x1] =	stream.indirect.gather [hbm4b:s2+s6], $0x80, s3, s6, $0xb8;
	[tilespmem:$0x2880] =	vst v63  }
0x31: {  	p0 =	sne.s32 s16, $0x1;
	_ =	swait.ge [sflag:s8], $0x2800  }
.Ltmp0:
0x32: {  	s31 =	sshll.u32 s18, $0x4;
	[sflag:s8] =	ssyncset.done $0x0;
	(pc) =	sbr.rel @!p0 .LBB2_2-.Ltmp0, $4  }
0x33: {  	s15 =	sadd.s32 s17, s31;
	[sflag:s8] =	ssyncadd.s32 $0xFFFFD800  }
0x34: {  	[hbm4b:s15+s3] =	stream.linear.scatter [tilespmem:s7], [sflag:$0x2], $0x2800, $0x38;
	[tilespmem:$0x2880] =	vst v63  }
0x35: {  	_ =	swait.ge [sflag:s4], $0x2800  }
0x36: {  	s16 =	sadd.s32 $0xFFFFFFFF, s16;
	[sflag:s4] =	ssyncset.done $0x0  }
.LBB2_1:
0x37: {  	p0 =	sne.s32 s16, $0x1;
	s16 =	sadd.s32 $0xFFFFFFFF, s16;
	[sflag:s4] =	ssyncadd.s32 $0xFFFFD800  }
0x38: {  	[tilespmem:s3], [sflag:$0x2] =	stream.linear.gather [hbm4b:s5+s3], $0x50, $0x38;
	[tilespmem:$0x2880] =	vst v63  }
0x39: {  	_ =	swait.ge [sflag:s4], $0x50  }
0x3a: {  	[sflag:s4] =	ssyncset.done $0x0  }
0x3b: {  	[sflag:s4] =	ssyncadd.s32 $0xFFFFFFB0  }
0x3c: {  	[tilespmem:s7], [sflag:$0x1] =	stream.indirect.gather [hbm4b:s2+s6], $0x80, s3, s6, $0xb8;
	[tilespmem:$0x2880] =	vst v63  }
0x3d: {  	_ =	swait.ge [sflag:s8], $0x2800  }
0x3e: {  	[sflag:s8] =	ssyncset.done $0x0  }
0x3f: {  	[sflag:s8] =	ssyncadd.s32 $0xFFFFD800  }
0x40: {  	[hbm4b:s9+s3] =	stream.linear.scatter [tilespmem:s7], [sflag:$0x2], $0x2800, $0x38;
	[tilespmem:$0x2880] =	vst v63  }
0x41: {  	_ =	swait.ge [sflag:s4], $0x2800  }
0x42: {  	[sflag:s4] =	ssyncset.done $0x0  }
0x43: {  	[sflag:s4] =	ssyncadd.s32 $0xFFFFD800  }
0x44: {  	[tilespmem:s3], [sflag:$0x2] =	stream.linear.gather [hbm4b:s10+s3], $0x50, $0x38;
	[tilespmem:$0x2880] =	vst v63  }
0x45: {  	_ =	swait.ge [sflag:s4], $0x50  }
0x46: {  	[sflag:s4] =	ssyncset.done $0x0  }
0x47: {  	[sflag:s4] =	ssyncadd.s32 $0xFFFFFFB0  }
0x48: {  	[tilespmem:s7], [sflag:$0x1] =	stream.indirect.gather [hbm4b:s2+s6], $0x80, s3, s6, $0xb8;
	[tilespmem:$0x2880] =	vst v63  }
0x49: {  	_ =	swait.ge [sflag:s8], $0x2800  }
0x4a: {  	[sflag:s8] =	ssyncset.done $0x0  }
0x4b: {  	[sflag:s8] =	ssyncadd.s32 $0xFFFFD800  }
0x4c: {  	[hbm4b:s11+s3] =	stream.linear.scatter [tilespmem:s7], [sflag:$0x2], $0x2800, $0x38;
	[tilespmem:$0x2880] =	vst v63  }
0x4d: {  	_ =	swait.ge [sflag:s4], $0x2800  }
0x4e: {  	[sflag:s4] =	ssyncset.done $0x0  }
0x4f: {  	[sflag:s4] =	ssyncadd.s32 $0xFFFFD800  }
0x50: {  	[tilespmem:s3], [sflag:$0x2] =	stream.linear.gather [hbm4b:s12+s3], $0x50, $0x38;
	[tilespmem:$0x2880] =	vst v63  }
0x51: {  	_ =	swait.ge [sflag:s4], $0x50  }
0x52: {  	[sflag:s4] =	ssyncset.done $0x0  }
0x53: {  	[sflag:s4] =	ssyncadd.s32 $0xFFFFFFB0  }
0x54: {  	[tilespmem:s7], [sflag:$0x1] =	stream.indirect.gather [hbm4b:s2+s6], $0x80, s3, s6, $0xb8;
	[tilespmem:$0x2880] =	vst v63  }
0x55: {  	_ =	swait.ge [sflag:s8], $0x2800  }
0x56: {  	[sflag:s8] =	ssyncset.done $0x0  }
0x57: {  	[sflag:s8] =	ssyncadd.s32 $0xFFFFD800  }
0x58: {  	[hbm4b:s13+s3] =	stream.linear.scatter [tilespmem:s7], [sflag:$0x2], $0x2800, $0x38;
	[tilespmem:$0x2880] =	vst v63  }
0x59: {  	_ =	swait.ge [sflag:s4], $0x2800  }
0x5a: {  	[sflag:s4] =	ssyncset.done $0x0  }
0x5b: {  	[sflag:s4] =	ssyncadd.s32 $0xFFFFD800  }
0x5c: {  	[tilespmem:s3], [sflag:$0x2] =	stream.linear.gather [hbm4b:s14+s3], $0x50, $0x38;
	[tilespmem:$0x2880] =	vst v63  }
0x5d: {  	_ =	swait.ge [sflag:s4], $0x50  }
0x5e: {  	[sflag:s4] =	ssyncset.done $0x0  }
0x5f: {  	[sflag:s4] =	ssyncadd.s32 $0xFFFFFFB0  }
0x60: {  	[tilespmem:s7], [sflag:$0x1] =	stream.indirect.gather [hbm4b:s2+s6], $0x80, s3, s6, $0xb8;
	[tilespmem:$0x2880] =	vst v63  }
0x61: {  	_ =	swait.ge [sflag:s8], $0x2800  }
.Ltmp1:
0x62: {  	[sflag:s8] =	ssyncset.done $0x0;
	(pc) =	sbr.rel @p0 .LBB2_1-.Ltmp1, $4  }
0x63: {  	[sflag:s8] =	ssyncadd.s32 $0xFFFFD800  }
0x64: {  	[hbm4b:s15+s3] =	stream.linear.scatter [tilespmem:s7], [sflag:$0x2], $0x2800, $0x38;
	[tilespmem:$0x2880] =	vst v63  }
0x65: {  	_ =	swait.ge [sflag:s4], $0x2800  }
0x66: {  	[sflag:s4] =	ssyncset.done $0x0  }
.LBB2_2:
0x67: {  	[sflag:s4] =	ssyncadd.s32 $0xFFFFD800  }
0x68: {  	_ =	sfence.sel $0x180000  }
0x69: {  	[bflag:$0x0] =	sbarrier.arrive $0xFFFF  }
0x6a: {  	p0 =	sne.s32 s0, $0x0;
	_ =	strace $0x90000047  }
0x6b: {  	s0 =	sadd.s32 @!p0 $0x100000, s1;
	[bflag:$0x2] =	sbarrier.arrive $0xFFFF  }
0x6c: {  	[sflag:s0] =	ssyncadd.tile.s32 @!p0 $0x1;
	_ =	shalt  }
.Lfunc_end2:
_tile_overlayer_lowered:
.L_overlay_start_2:
0x6d: {  	(tag) =	ssettag $0x2  }
0x6e: {  	s0 =	rddreg [dreg:$0x0];
	s2 =	stileid.u32  }
0x6f: {  	s1 =	rddreg [dreg:$0x1];
	p0 =	sne.s32 s2, $0x0  }
0x70: {  	s3 =	rddreg [dreg:$0x2];
	[bflag:$0x3] =	sbarrier.arrive $0xFFFF;
	s2 =	simm.s32 @!p0 $0x1C02  }
0x71: {  	[timem:s3], [sflag:s2] =	dma.local @!p0 [hbm:s0], s1  }
0x72: {  	s0 =	simm.s32 @!p0 $0x2  }
0x73: {  	_ =	swait.ge @!p0 [sflag:s0], s1  }
0x74: {  	s1 =	ssub.s32 @!p0 $0x0, s1;
	[sflag:s0] =	ssyncset.done @!p0 $0x0  }
0x75: {  	[sflag:s0] =	ssyncadd.s32 @!p0 s1  }
0x76: {  	[bflag:$0x3] =	sbarrier.arrive $0xFFFF  }
0x77: {  	_ =	shalt  }

// kernel: kernel.17.cloned.1.call-start
scs
__scs_entry_jumppad:
0x0: {  	(pc) =	sbr.rel $0x88, $3  }
0x1: {  	(tag) =	ssettag $0x0;
	lr =	simm.s32 $0x1  }
0x2: {  	[smem:$0x3F92] =	sst lr;
	_ =	strace $0xD0000000  }
0x3: {  	_ = 	snop  }
0x4: {  	_ = 	snop  }
0x5: {  	_ = 	snop  }
0x6: {  	_ = 	snop  }
0x7: {  	_ = 	snop  }
__scs_overlays_trampoline_lowered:
0x8: {  	[smem:$0x3FA1] =	sst s0  }
0x9: {  	[smem:$0x3FA2] =	sst s1  }
0xa: {  	[smem:$0x3FA3] =	sst s2  }
0xb: {  	[smem:$0x3FA4] =	sst s3  }
0xc: {  	[smem:$0x3FA5] =	sst s4  }
0xd: {  	[smem:$0x3FA6] =	sst s5  }
0xe: {  	[smem:$0x3FA7] =	sst s6  }
0xf: {  	[smem:$0x3FA8] =	sst s7  }
0x10: {  	[smem:$0x3FA9] =	sst s8  }
0x11: {  	[smem:$0x3FAA] =	sst s9;
	s0 =	simm.s32 @!p0 $0x0  }
0x12: {  	s1 =	sld [smem:$0x3F90];
	s0 =	simm.s32 @p0 $0x1  }
0x13: {  	[smem:$0x3FAB] =	sst s0;
	s0 =	simm.s32 @!p1 $0x0  }
0x14: {  	s2 =	sld [smem:$0x3F8F];
	s0 =	simm.s32 @p1 $0x1  }
0x15: {  	[smem:$0x3FAC] =	sst s0;
	s0 =	simm.s32 @!p2 $0x0  }
0x16: {  	s3 =	sld [smem:$0x3FDB];
	s0 =	simm.s32 @p2 $0x1  }
0x17: {  	s4 =	simm.s32 $0x1BF5;
	[smem:$0x3FAE] =	sst s0  }
0x18: {  	s0 =	sld [smem:$0x3F91];
	_ =	swait.ge [sflag:s4], $0x0  }
0x19: {  	s7 =	sld [smem:$0x3F92]  }
0x1a: {  	s8 =	sadd.s32 $0xFFFFE003, lr  }
0x1b: {  	s9 =	sadd.s32 $0xFFFFFEF7, lr;
	s5 =	simm.s32 $0xFFFFFFFF;
	p2 =	slt.u32 s8, $0xFFFFF086  }
0x1c: {  	p1 =	slt.u32 s9, $0xF7A;
	s5 =	simm.s32 @!p2 $0x0  }
0x1d: {  	s5 =	simm.s32 @p1 $0x1;
	p0 =	seq.s32 s7, s2  }
0x1e: {  	s7 =	smul.u32 @!p0 $0xF7A, s2;
	p2 =	seq.s32 @!p0 s5, $0x0  }
0x1f: {  	s9 =	smul.u32 $0xF7A, s1;
	s8 =	simm.s32 @!p0 $0x1BF5;
	p2 =	por !p2, p0  }
0x20: {  	[sflag:s8] =	ssyncset.s32 @!p0 $0xFFFFF086;
	s6 =	sadd.s32 @!p0 s3, s7;
	s7 =	simm.s32 @!p0 $0x108  }
0x21: {  	s3 =	sadd.s32 s3, s9;
	s6 =	sadd.s32 @!p0 $0x88, s6;
	s7 =	simm.s32 @p2 $0x1082  }
0x22: {  	[simem:s7], [sflag:s8] =	dma.local @!p0 [hbm:s6], $0xF7A  }
0x23: {  	s9 =	sor.u32 $0xD0000000, s2;
	s6 =	simm.s32 $0x108;
	_ =	swait.ge @!p0 [sflag:s8], $0x0  }
0x24: {  	s3 =	sadd.s32 $0x88, s3;
	s6 =	simm.s32 @!p1 $0x1082;
	[sflag:s4] =	ssyncset.s32 $0xFFFFF086  }
0x25: {  	[simem:s6], [sflag:s4] =	dma.local [hbm:s3], $0xF7A  }
0x26: {  	[smem:$0x3F92] =	sst s1;
	(tag) =	ssettag s2;
	_ =	strace s9  }
0x27: {  	s1 =	sld [smem:$0x3FA2]  }
0x28: {  	s2 =	sld [smem:$0x3FA3]  }
0x29: {  	s4 =	sld [smem:$0x3FA5]  }
0x2a: {  	p0 =	seq.s32 s5, $0x0;
	s5 =	sld [smem:$0x3FA6]  }
0x2b: {  	s6 =	sld [smem:$0x3FA7]  }
0x2c: {  	s7 =	sld [smem:$0x3FA8]  }
0x2d: {  	s3 =	simm.s32 $0x108;
	s8 =	sld [smem:$0x3FA9]  }
0x2e: {  	s3 =	simm.s32 @!p0 $0x1082;
	s9 =	sld [smem:$0x3FAA]  }
0x2f: {  	lr =	sadd.s32 s0, s3;
	s0 =	sld [smem:$0x3FA1]  }
0x30: {  	s3 =	sld [smem:$0x3FA4]  }
0x31: {  	[smem:$0x3FAD] =	sst s10  }
0x32: {  	s10 =	sld [smem:$0x3FAB];
	_ =	sdelay $0x3  }
0x33: {  	p0 =	seq.s32 s10, $0x1;
	s10 =	sld [smem:$0x3FAD];
	_ =	sdelay $0x3  }
0x34: {  	[smem:$0x3FAD] =	sst s10  }
0x35: {  	s10 =	sld [smem:$0x3FAC];
	_ =	sdelay $0x3  }
0x36: {  	p1 =	seq.s32 s10, $0x1;
	s10 =	sld [smem:$0x3FAD];
	_ =	sdelay $0x3  }
0x37: {  	[smem:$0x3FAD] =	sst s10  }
0x38: {  	s10 =	sld [smem:$0x3FAE]  }
0x39: {  	_ = 	snop;
	(pc) =	sbr.ind lr, $3  }
0x3a: {  	_ = 	snop  }
0x3b: {  	_ = 	snop  }
0x3c: {  	p2 =	seq.s32 s10, $0x1;
	s10 =	sld [smem:$0x3FAD]  }
0x3d: {  	_ =	shalt  }
0x3e: {  	_ =	shalt  }
0x3f: {  	_ =	shalt  }
0x40: {  	_ =	shalt  }
0x41: {  	_ =	shalt  }
0x42: {  	_ =	shalt  }
0x43: {  	_ =	shalt  }
0x44: {  	_ =	shalt  }
0x45: {  	_ =	shalt  }
0x46: {  	_ =	shalt  }
0x47: {  	_ =	shalt  }
0x48: {  	_ =	shalt  }
0x49: {  	_ =	shalt  }
0x4a: {  	_ =	shalt  }
0x4b: {  	_ =	shalt  }
0x4c: {  	_ =	shalt  }
0x4d: {  	_ =	shalt  }
0x4e: {  	_ =	shalt  }
0x4f: {  	_ =	shalt  }
0x50: {  	_ =	shalt  }
0x51: {  	_ =	shalt  }
0x52: {  	_ =	shalt  }
0x53: {  	_ =	shalt  }
0x54: {  	_ =	shalt  }
0x55: {  	_ =	shalt  }
0x56: {  	_ =	shalt  }
0x57: {  	_ =	shalt  }
0x58: {  	_ =	shalt  }
0x59: {  	_ =	shalt  }
0x5a: {  	_ =	shalt  }
0x5b: {  	_ =	shalt  }
0x5c: {  	_ =	shalt  }
0x5d: {  	_ =	shalt  }
0x5e: {  	_ =	shalt  }
0x5f: {  	_ =	shalt  }
0x60: {  	_ =	shalt  }
0x61: {  	_ =	shalt  }
0x62: {  	_ =	shalt  }
0x63: {  	_ =	shalt  }
0x64: {  	_ =	shalt  }
0x65: {  	_ =	shalt  }
0x66: {  	_ =	shalt  }
0x67: {  	_ =	shalt  }
0x68: {  	_ =	shalt  }
0x69: {  	_ =	shalt  }
0x6a: {  	_ =	shalt  }
0x6b: {  	_ =	shalt  }
0x6c: {  	_ =	shalt  }
0x6d: {  	_ =	shalt  }
0x6e: {  	_ =	shalt  }
0x6f: {  	_ =	shalt  }
0x70: {  	_ =	shalt  }
0x71: {  	_ =	shalt  }
0x72: {  	_ =	shalt  }
0x73: {  	_ =	shalt  }
0x74: {  	_ =	shalt  }
0x75: {  	_ =	shalt  }
0x76: {  	_ =	shalt  }
0x77: {  	_ =	shalt  }
0x78: {  	_ =	shalt  }
0x79: {  	_ =	shalt  }
0x7a: {  	_ =	shalt  }
0x7b: {  	_ =	shalt  }
0x7c: {  	_ =	shalt  }
0x7d: {  	_ =	shalt  }
0x7e: {  	_ =	shalt  }
0x7f: {  	_ =	shalt  }
0x80: {  	_ =	shalt  }
0x81: {  	_ =	shalt  }
0x82: {  	_ =	shalt  }
0x83: {  	_ =	shalt  }
0x84: {  	_ =	shalt  }
0x85: {  	_ =	shalt  }
0x86: {  	_ =	shalt  }
0x87: {  	_ =	shalt  }
.Lfunc_end0:
.L_simem_size_0:
called_computation.1_lowered:
.L_overlay_start_0:
0x88: {  	s2 =	sld [smem:$0x3FD9]  }
0x89: {  	s3 =	sld [smem:$0x3FFE];
	_ =	sdelay $0x1  }
0x8a: {  	s1 =	srdreg.scid  }
0x8b: {  	s0 =	sand.u32 $0x1, s1  }
0x8c: {  	s16 =	sshll.u32 s0, $0xA;
	s2 =	sadd.s32 s3, s2  }
0x8d: {  	s2 =	sadd.s32 s2, s16  }
0x8e: {  	[smem:$0x3FB9] =	sst s2  }
0x8f: {  	_ = 	snop  }
0x90: {  	(tm) =	ssettm $0x1  }
0x91: {  	s17 =	sld [smem:$0x3FFB];
	_ =	sdelay $0x3  }
0x92: {  	_ =	strace s17  }
0x93: {  	s2 =	sld [smem:$0x3FFC];
	_ =	sdelay $0x3  }
0x94: {  	_ =	strace s2  }
0x95: {  	s2 =	sld [smem:$0x3FFD];
	_ =	sdelay $0x3  }
0x96: {  	_ =	strace s2  }
0x97: {  	_ =	strace $0x8FFFFFFF  }
0x98: {  	s18 =	sld [smem:$0x3FDB];
	_ =	sdelay $0x1  }
0x99: {  	s19 =	simm.s32 $_scs_section_size  }
0x9a: {  	s4 =	simm.s32 $_size__tile_overlayer_lowered;
	s5 =	simm.s32 $_tile_overlayer_lowered  }
0x9b: {  	s22 =	simm.s32 $0x1BFF;
	s21 =	sshll.u32 s5, $0x1;
	s2 =	sadd.s32 s19, s18  }
0x9c: {  	s6 =	simm.s32 $0x0;
	s20 =	sshll.u32 s4, $0x1;
	s4 =	sadd.s32 s21, s2  }
0x9d: {  	[timem:s6], [sflag:s22] =	dma.local [hbm:s4], s20  }
0x9e: {  	_ =	swait.ge [sflag:s22], s20  }
0x9f: {  	s3 =	ssub.s32 $0x0, s20;
	[sflag:s22] =	ssyncset.done $0x0  }
0xa0: {  	[sflag:s22] =	ssyncadd.s32 s3;
	_ =	sdelay $0x1  }
0xa1: {  	s23 =	simm.s32 $0x1B8B  }
0xa2: {  	_ =	swait.ge [sflag:s23], $0x1  }
0xa3: {  	[sflag:s23] =	ssyncset.done $0x0  }
0xa4: {  	s25 =	simm.s32 $0x1B8E;
	s24 =	sld [smem:$0x3FFE];
	[sflag:s23] =	ssyncadd.s32 $0xFFFFFFFF  }
0xa5: {  	s26 =	simm.s32 $execute0_lowered;
	[smem:$0x3FD2] =	sst s25  }
0xa6: {  	s4 =	sshll.u32 s26, $0x1;
	_ =	strace $0x80000049;
	[dreg:$0x1] =	wrdreg $0xFFFFFFFF  }
0xa7: {  	s28 =	simm.s32 $_size_execute0_lowered;
	s2 =	sadd.s32 s2, s4;
	[dreg:$0x0] =	wrdreg $0x0  }
0xa8: {  	s4 =	sshll.u32 s28, $0x1;
	[dreg:$0x2] =	wrdreg s2  }
0xa9: {  	[dreg:$0x3] =	wrdreg s4  }
0xaa: {  	[dreg:$0x4] =	wrdreg $0xC0  }
0xab: {  	_ =	task [dreg:s6], $0x5FFFF  }
0xac: {  	[dreg:$0x1] =	wrdreg $0xFFFFFFFF  }
0xad: {  	[dreg:$0x0] =	wrdreg $0x60  }
0xae: {  	[dreg:$0x2] =	wrdreg s24  }
0xaf: {  	[dreg:$0x3] =	wrdreg $0x51000  }
0xb0: {  	[dreg:$0x4] =	wrdreg $0x9  }
0xb1: {  	_ =	task.clear_ibuf [dreg:s6], $0x5FFFF;
	_ =	strace $0x90000049  }
0xb2: {  	s29 =	simm.s32 $0x9;
	_ =	strace $0x8000004B  }
0xb3: {  	_ =	swait.ge [sflag:s29], $0x1  }
0xb4: {  	[sflag:s29] =	ssyncadd.s32 $0xFFFFFFFF  }
0xb5: {  	_ =	strace $0x9000004B  }
0xb6: {  	_ =	sfence  }
0xb7: {  	s30 =	sld [smem:$0x0];
	_ =	sdelay $0x2  }
0xb8: {  	s31 =	sshll.u32 s1, $0xD;
	s1 =	sshrl.u32 s1, $0x2  }
0xb9: {  	s3 =	sand.u32 $0x4000, s31;
	s1 =	sadd.s32 s1, s30  }
0xba: {  	s0 =	sor.u32 s3, s0;
	s1 =	sshll.u32 s1, $0x11  }
0xbb: {  	s0 =	sor.u32 s1, s0  }
0xbc: {  	s0 =	sadd.s32 $0x8F2B, s0  }
0xbd: {  	[sflag:s0] =	ssyncadd.remote.s32 $0x1  }
0xbe: {  	_ =	sfence.sel $0xFFFF  }
0xbf: {  	[dreg:$0x0] =	wrdreg $0xFFFFFFFF;
	(pc) =	sbr.abs _section_cstart, $3  }
0xc0: {  	[dreg:$0x1] =	wrdreg $0xFFFFFFFF  }
0xc1: {  	_ =	task.clear_ibuf [dreg:s6], $0x2FFFF;
	_ =	strace $0x9FFFFFFF  }
0xc2: {  	(tm) =	ssettm $0x7FFFFFFF  }
0xc3: {  	_ =	shalt  }
tec
execute0_lowered:
.L_overlay_start_1:
0x0: {  	(tag) =	ssettag $0x1  }
0x1: {  	s6 =	rddreg [dreg:$0x0];
	s1 =	srdreg.scid  }
0x2: {  	s0 =	stileid.u32;
	s2 =	rddreg [dreg:$0x1]  }
0x3: {  	s3 =	simm.s32 $0x0;
	s18 =	simm.s32 $0x2900;
	s19 =	simm.s32 $0x2  }
0x4: {  	s20 =	simm.s32 $0x80;
	s21 =	simm.s32 $0x50;
	s4 =	smul.u32 $0x4E20, s0  }
0x5: {  	s22 =	simm.s32 $0x100;
	s23 =	simm.s32 $0x1;
	s8 =	smul.u32 $0x2800, s0  }
0x6: {  	s26 =	simm.s32 $0x0;
	s7 =	sand.u32 $0x1, s1;
	s10 =	smul.u32 $0x50000, s0  }
0x7: {  	[smem:$0x7FF] =	sst s3;
	s24 =	sshll.u32 s0, $0x6;
	s5 =	smul.u32 $0x2710, s7  }
0x8: {  	_ =	strace $0x8000004A;
	s9 =	smul.u32 $0x28000, s7;
	s7 =	ssub.s32 $0x2, s7  }
0x9: {  	s24 =	sor.u32 $0x1C02, s24;
	s31 =	sshrl.u32 s7, $0x1;
	s10 =	sshrl.u32 s10, $0x2  }
0xa: {  	s5 =	sadd.s32 s5, s4;
	s4 =	sadd.s32 $0x4000, s6;
	s8 =	sadd.s32 s8, s9  }
0xb: {  	s15 =	ssub.s32 s7, s31;
	s5 =	sshrl.u32 s5, $0x3;
	s14 =	sadd.s32 s8, s6  }
0xc: {  	s17 =	sadd.s32 s5, s6;
	s5 =	sadd.s32 $0x2C000, s6;
	s6 =	sadd.s32 s10, s2  }
0xd: {  	s15 =	smax.u32 s15, $0x1;
	s14 =	sadd.s32 $0x40200, s14;
	s7 =	sadd.s32 $0x2800, s6  }
0xe: {  	s8 =	sadd.s32 $0x5000, s6;
	s9 =	sadd.s32 $0x7800, s6;
	s10 =	sadd.s32 $0xA000, s6  }
0xf: {  	s11 =	sadd.s32 $0xC800, s6;
	s12 =	sadd.s32 $0xF000, s6;
	s13 =	sadd.s32 $0x11800, s6  }
0x10: {  	s16 =	sadd.s32 $0x2C600, s17;
	s17 =	sadd.s32 $0x36400, s17;
	s25 =	sshrl.u32 s6, $0x3  }
.LBB2_1:
0x11: {  	[tilespmem:s18], [sflag:$0x2] =	stream.linear.gather [hbm4b:s5+s3], $0x2800, $0x38;
	[tilespmem:$0x19100] =	vst v63  }
0x12: {  	_ =	swait.ge [sflag:s19], $0x2800  }
0x13: {  	[sflag:s19] =	ssyncset.done $0x0  }
0x14: {  	[sflag:s19] =	ssyncadd.s32 $0xFFFFD800  }
0x15: {  	[spmem:s6] =	stream.linear.scatter [tilespmem:s18], [sflag:$0x2], $0x2800, $0x38;
	[tilespmem:$0x19100] =	vst v63  }
0x16: {  	_ =	swait.ge [sflag:s19], $0x2800  }
0x17: {  	[sflag:s19] =	ssyncset.done $0x0  }
0x18: {  	[sflag:s19] =	ssyncadd.s32 $0xFFFFD800  }
0x19: {  	[spmem:s7] =	stream.linear.scatter [tilespmem:s18], [sflag:$0x2], $0x2800, $0x38;
	[tilespmem:$0x19100] =	vst v63  }
0x1a: {  	_ =	swait.ge [sflag:s19], $0x2800  }
0x1b: {  	[sflag:s19] =	ssyncset.done $0x0  }
0x1c: {  	[sflag:s19] =	ssyncadd.s32 $0xFFFFD800  }
0x1d: {  	[spmem:s8] =	stream.linear.scatter [tilespmem:s18], [sflag:$0x2], $0x2800, $0x38;
	[tilespmem:$0x19100] =	vst v63  }
0x1e: {  	_ =	swait.ge [sflag:s19], $0x2800  }
0x1f: {  	[sflag:s19] =	ssyncset.done $0x0  }
0x20: {  	[sflag:s19] =	ssyncadd.s32 $0xFFFFD800  }
0x21: {  	[spmem:s9] =	stream.linear.scatter [tilespmem:s18], [sflag:$0x2], $0x2800, $0x38;
	[tilespmem:$0x19100] =	vst v63  }
0x22: {  	_ =	swait.ge [sflag:s19], $0x2800  }
0x23: {  	[sflag:s19] =	ssyncset.done $0x0  }
0x24: {  	[sflag:s19] =	ssyncadd.s32 $0xFFFFD800  }
0x25: {  	[spmem:s10] =	stream.linear.scatter [tilespmem:s18], [sflag:$0x2], $0x2800, $0x38;
	[tilespmem:$0x19100] =	vst v63  }
0x26: {  	_ =	swait.ge [sflag:s19], $0x2800  }
0x27: {  	[sflag:s19] =	ssyncset.done $0x0  }
0x28: {  	[sflag:s19] =	ssyncadd.s32 $0xFFFFD800  }
0x29: {  	[spmem:s11] =	stream.linear.scatter [tilespmem:s18], [sflag:$0x2], $0x2800, $0x38;
	[tilespmem:$0x19100] =	vst v63  }
0x2a: {  	_ =	swait.ge [sflag:s19], $0x2800  }
0x2b: {  	[sflag:s19] =	ssyncset.done $0x0  }
0x2c: {  	[sflag:s19] =	ssyncadd.s32 $0xFFFFD800  }
0x2d: {  	[spmem:s12] =	stream.linear.scatter [tilespmem:s18], [sflag:$0x2], $0x2800, $0x38;
	[tilespmem:$0x19100] =	vst v63  }
0x2e: {  	_ =	swait.ge [sflag:s19], $0x2800  }
0x2f: {  	[sflag:s19] =	ssyncset.done $0x0  }
0x30: {  	[sflag:s19] =	ssyncadd.s32 $0xFFFFD800  }
0x31: {  	[spmem:s13] =	stream.linear.scatter [tilespmem:s18], [sflag:$0x2], $0x2800, $0x38;
	[tilespmem:$0x19100] =	vst v63  }
0x32: {  	_ =	swait.ge [sflag:s19], $0x2800  }
0x33: {  	[sflag:s19] =	ssyncset.done $0x0  }
0x34: {  	[sflag:s19] =	ssyncadd.s32 $0xFFFFD800  }
0x35: {  	s28 =	sadd.s32 $0x0, s17;
	[bflag:$0x0] =	sbarrier.arrive $0xFFFF  }
0x36: {  	[tilespmem:s3], [sflag:$0x2] =	stream.linear.gather [hbm4b:s28+s3], $0x50, $0x38;
	[tilespmem:$0x19100] =	vst v63  }
0x37: {  	_ =	swait.ge [sflag:s19], $0x50  }
0x38: {  	[sflag:s19] =	ssyncset.done $0x0  }
0x39: {  	s28 =	sadd.s32 $0x0, s16;
	[sflag:s19] =	ssyncadd.s32 $0xFFFFFFB0  }
0x3a: {  	[tilespmem:s20], [sflag:$0x2] =	stream.linear.gather [hbm4b:s28+s3], $0x50, $0x38;
	[tilespmem:$0x19100] =	vst v63  }
0x3b: {  	_ =	swait.ge [sflag:s19], $0x50  }
0x3c: {  	[sflag:s19] =	ssyncset.done $0x0  }
0x3d: {  	[sflag:s19] =	ssyncadd.s32 $0xFFFFFFB0  }
0x3e: {  	[tilespmem:s22], [sflag:$0x1] =	stream.indirect.gather [hbm4b:s4+s21], $0x80, s3, s21, $0xb8;
	[tilespmem:$0x19100] =	vst v63  }
0x3f: {  	_ =	swait.ge [sflag:s23], $0x2800  }
0x40: {  	[sflag:s23] =	ssyncset.done $0x0  }
0x41: {  	[sflag:s23] =	ssyncadd.s32 $0xFFFFD800  }
0x42: {  	[spmem:s2] =	stream.indirect.scatter.add.f32 [tilespmem:s22], [sflag:$0x2], $0x80, s20, s21, $0xb8;
	[tilespmem:$0x19100] =	vst v63  }
0x43: {  	_ =	swait.ge [sflag:s19], $0x2800  }
0x44: {  	s29 =	simm.s32 $0x14;
	s28 =	simm.s32 $0xA;
	[sflag:s19] =	ssyncset.done $0x0  }
.LBB2_2:
0x45: {  	s30 =	sadd.s32 s28, s17  }
0x46: {  	[sflag:s19] =	ssyncadd.s32 $0xFFFFD800;
	s31 =	smov.u32 s29;
	s1 =	sadd.s32 $0xA, s29  }
0x47: {  	[tilespmem:s3], [sflag:$0x2] =	stream.linear.gather [hbm4b:s30+s3], $0x50, $0x38;
	[tilespmem:$0x19100] =	vst v63  }
0x48: {  	p0 =	sne.s32 s29, $0x4D8;
	_ =	swait.ge [sflag:s19], $0x50  }
0x49: {  	[sflag:s19] =	ssyncset.done $0x0  }
0x4a: {  	s29 =	sadd.s32 s28, s16;
	s28 =	smov.u32 s31;
	[sflag:s19] =	ssyncadd.s32 $0xFFFFFFB0  }
0x4b: {  	[tilespmem:s20], [sflag:$0x2] =	stream.linear.gather [hbm4b:s29+s3], $0x50, $0x38;
	[tilespmem:$0x19100] =	vst v63  }
0x4c: {  	_ =	swait.ge [sflag:s19], $0x50  }
0x4d: {  	[sflag:s19] =	ssyncset.done $0x0  }
0x4e: {  	[sflag:s19] =	ssyncadd.s32 $0xFFFFFFB0  }
0x4f: {  	[tilespmem:s22], [sflag:$0x1] =	stream.indirect.gather [hbm4b:s4+s21], $0x80, s3, s21, $0xb8;
	[tilespmem:$0x19100] =	vst v63  }
0x50: {  	_ =	swait.ge [sflag:s23], $0x2800  }
.Ltmp0:
0x51: {  	[sflag:s23] =	ssyncset.done $0x0;
	(pc) =	sbr.rel @p0 .LBB2_2-.Ltmp0, $4  }
0x52: {  	[sflag:s23] =	ssyncadd.s32 $0xFFFFD800  }
0x53: {  	[spmem:s2] =	stream.indirect.scatter.add.f32 [tilespmem:s22], [sflag:$0x2], $0x80, s20, s21, $0xb8;
	[tilespmem:$0x19100] =	vst v63  }
0x54: {  	_ =	swait.ge [sflag:s19], $0x2800  }
0x55: {  	s29 =	smov.u32 s1;
	[sflag:s19] =	ssyncset.done $0x0  }
0x56: {  	s1 =	sadd.s32 s28, s17;
	[sflag:s19] =	ssyncadd.s32 $0xFFFFD800  }
0x57: {  	[tilespmem:s3], [sflag:$0x2] =	stream.linear.gather [hbm4b:s1+s3], $0x50, $0x38;
	[tilespmem:$0x19100] =	vst v63  }
0x58: {  	_ =	swait.ge [sflag:s19], $0x50  }
0x59: {  	[sflag:s19] =	ssyncset.done $0x0  }
0x5a: {  	s31 =	sadd.s32 s28, s16;
	[sflag:s19] =	ssyncadd.s32 $0xFFFFFFB0  }
0x5b: {  	[tilespmem:s20], [sflag:$0x2] =	stream.linear.gather [hbm4b:s31+s3], $0x50, $0x38;
	[tilespmem:$0x19100] =	vst v63  }
0x5c: {  	_ =	swait.ge [sflag:s19], $0x50  }
0x5d: {  	[sflag:s19] =	ssyncset.done $0x0  }
0x5e: {  	[sflag:s19] =	ssyncadd.s32 $0xFFFFFFB0  }
0x5f: {  	[tilespmem:s22], [sflag:$0x1] =	stream.indirect.gather [hbm4b:s4+s21], $0x80, s3, s21, $0xb8;
	[tilespmem:$0x19100] =	vst v63  }
0x60: {  	_ =	swait.ge [sflag:s23], $0x2800  }
0x61: {  	[sflag:s23] =	ssyncset.done $0x0  }
0x62: {  	[sflag:s23] =	ssyncadd.s32 $0xFFFFD800  }
0x63: {  	[spmem:s2] =	stream.indirect.scatter.add.f32 [tilespmem:s22], [sflag:$0x2], $0x80, s20, s21, $0xb8;
	[tilespmem:$0x19100] =	vst v63  }
0x64: {  	_ =	swait.ge [sflag:s19], $0x2800  }
0x65: {  	s26 =	sadd.s32 $0x1, s26;
	[sflag:s19] =	ssyncset.done $0x0  }
0x66: {  	p0 =	sne.s32 s26, s15;
	[sflag:s19] =	ssyncadd.s32 $0xFFFFD800  }
.Ltmp1:
0x67: {  	[bflag:$0x0] =	sbarrier.arrive $0xFFFF;
	(pc) =	sbr.rel @p0 .LBB2_1-.Ltmp1, $4  }
0x68: {  	[hbm:s14], [sflag:s24] =	dma.local [spmem:s25], $0x2800  }
0x69: {  	_ =	swait.ge [sflag:s19], $0x2800  }
0x6a: {  	[sflag:s19] =	ssyncset.done $0x0  }
0x6b: {  	[sflag:s19] =	ssyncadd.s32 $0xFFFFD800  }
0x6c: {  	_ =	sfence.sel $0x180000  }
0x6d: {  	[bflag:$0x0] =	sbarrier.arrive $0xFFFF  }
0x6e: {  	_ =	strace $0x9000004A  }
0x6f: {  	[bflag:$0x2] =	sbarrier.arrive $0xFFFF  }
0x70: {  	p0 =	sne.s32 s0, $0x0;
	s0 =	rddreg [dreg:$0x2]  }
0x71: {  	s0 =	sadd.s32 @!p0 $0x100000, s0  }
0x72: {  	[sflag:s0] =	ssyncadd.tile.s32 @!p0 $0x1;
	_ =	shalt  }
.Lfunc_end2:
_tile_overlayer_lowered:
.L_overlay_start_2:
0x73: {  	(tag) =	ssettag $0x2  }
0x74: {  	s0 =	rddreg [dreg:$0x0];
	s2 =	stileid.u32  }
0x75: {  	s1 =	rddreg [dreg:$0x1];
	p0 =	sne.s32 s2, $0x0  }
0x76: {  	s3 =	rddreg [dreg:$0x2];
	[bflag:$0x3] =	sbarrier.arrive $0xFFFF;
	s2 =	simm.s32 @!p0 $0x1C02  }
0x77: {  	[timem:s3], [sflag:s2] =	dma.local @!p0 [hbm:s0], s1  }
0x78: {  	s0 =	simm.s32 @!p0 $0x2  }
0x79: {  	_ =	swait.ge @!p0 [sflag:s0], s1  }
0x7a: {  	s1 =	ssub.s32 @!p0 $0x0, s1;
	[sflag:s0] =	ssyncset.done @!p0 $0x0  }
0x7b: {  	[sflag:s0] =	ssyncadd.s32 @!p0 s1  }
0x7c: {  	[bflag:$0x3] =	sbarrier.arrive $0xFFFF  }
0x7d: {  	_ =	shalt  }

// kernel: kernel.20.cloned.1.call-start
scs
__scs_entry_jumppad:
0x0: {  	(pc) =	sbr.rel $0x88, $3  }
0x1: {  	(tag) =	ssettag $0x0;
	lr =	simm.s32 $0x1  }
0x2: {  	[smem:$0x3F92] =	sst lr;
	_ =	strace $0xD0000000  }
0x3: {  	_ = 	snop  }
0x4: {  	_ = 	snop  }
0x5: {  	_ = 	snop  }
0x6: {  	_ = 	snop  }
0x7: {  	_ = 	snop  }
__scs_overlays_trampoline_lowered:
0x8: {  	[smem:$0x3FA1] =	sst s0  }
0x9: {  	[smem:$0x3FA2] =	sst s1  }
0xa: {  	[smem:$0x3FA3] =	sst s2  }
0xb: {  	[smem:$0x3FA4] =	sst s3  }
0xc: {  	[smem:$0x3FA5] =	sst s4  }
0xd: {  	[smem:$0x3FA6] =	sst s5  }
0xe: {  	[smem:$0x3FA7] =	sst s6  }
0xf: {  	[smem:$0x3FA8] =	sst s7  }
0x10: {  	[smem:$0x3FA9] =	sst s8  }
0x11: {  	[smem:$0x3FAA] =	sst s9;
	s0 =	simm.s32 @!p0 $0x0  }
0x12: {  	s1 =	sld [smem:$0x3F90];
	s0 =	simm.s32 @p0 $0x1  }
0x13: {  	[smem:$0x3FAB] =	sst s0;
	s0 =	simm.s32 @!p1 $0x0  }
0x14: {  	s2 =	sld [smem:$0x3F8F];
	s0 =	simm.s32 @p1 $0x1  }
0x15: {  	[smem:$0x3FAC] =	sst s0;
	s0 =	simm.s32 @!p2 $0x0  }
0x16: {  	s3 =	sld [smem:$0x3FDB];
	s0 =	simm.s32 @p2 $0x1  }
0x17: {  	s4 =	simm.s32 $0x1BF5;
	[smem:$0x3FAE] =	sst s0  }
0x18: {  	s0 =	sld [smem:$0x3F91];
	_ =	swait.ge [sflag:s4], $0x0  }
0x19: {  	s7 =	sld [smem:$0x3F92]  }
0x1a: {  	s8 =	sadd.s32 $0xFFFFE003, lr  }
0x1b: {  	s9 =	sadd.s32 $0xFFFFFEF7, lr;
	s5 =	simm.s32 $0xFFFFFFFF;
	p2 =	slt.u32 s8, $0xFFFFF086  }
0x1c: {  	p1 =	slt.u32 s9, $0xF7A;
	s5 =	simm.s32 @!p2 $0x0  }
0x1d: {  	s5 =	simm.s32 @p1 $0x1;
	p0 =	seq.s32 s7, s2  }
0x1e: {  	s7 =	smul.u32 @!p0 $0xF7A, s2;
	p2 =	seq.s32 @!p0 s5, $0x0  }
0x1f: {  	s9 =	smul.u32 $0xF7A, s1;
	s8 =	simm.s32 @!p0 $0x1BF5;
	p2 =	por !p2, p0  }
0x20: {  	[sflag:s8] =	ssyncset.s32 @!p0 $0xFFFFF086;
	s6 =	sadd.s32 @!p0 s3, s7;
	s7 =	simm.s32 @!p0 $0x108  }
0x21: {  	s3 =	sadd.s32 s3, s9;
	s6 =	sadd.s32 @!p0 $0x88, s6;
	s7 =	simm.s32 @p2 $0x1082  }
0x22: {  	[simem:s7], [sflag:s8] =	dma.local @!p0 [hbm:s6], $0xF7A  }
0x23: {  	s9 =	sor.u32 $0xD0000000, s2;
	s6 =	simm.s32 $0x108;
	_ =	swait.ge @!p0 [sflag:s8], $0x0  }
0x24: {  	s3 =	sadd.s32 $0x88, s3;
	s6 =	simm.s32 @!p1 $0x1082;
	[sflag:s4] =	ssyncset.s32 $0xFFFFF086  }
0x25: {  	[simem:s6], [sflag:s4] =	dma.local [hbm:s3], $0xF7A  }
0x26: {  	[smem:$0x3F92] =	sst s1;
	(tag) =	ssettag s2;
	_ =	strace s9  }
0x27: {  	s1 =	sld [smem:$0x3FA2]  }
0x28: {  	s2 =	sld [smem:$0x3FA3]  }
0x29: {  	s4 =	sld [smem:$0x3FA5]  }
0x2a: {  	p0 =	seq.s32 s5, $0x0;
	s5 =	sld [smem:$0x3FA6]  }
0x2b: {  	s6 =	sld [smem:$0x3FA7]  }
0x2c: {  	s7 =	sld [smem:$0x3FA8]  }
0x2d: {  	s3 =	simm.s32 $0x108;
	s8 =	sld [smem:$0x3FA9]  }
0x2e: {  	s3 =	simm.s32 @!p0 $0x1082;
	s9 =	sld [smem:$0x3FAA]  }
0x2f: {  	lr =	sadd.s32 s0, s3;
	s0 =	sld [smem:$0x3FA1]  }
0x30: {  	s3 =	sld [smem:$0x3FA4]  }
0x31: {  	[smem:$0x3FAD] =	sst s10  }
0x32: {  	s10 =	sld [smem:$0x3FAB];
	_ =	sdelay $0x3  }
0x33: {  	p0 =	seq.s32 s10, $0x1;
	s10 =	sld [smem:$0x3FAD];
	_ =	sdelay $0x3  }
0x34: {  	[smem:$0x3FAD] =	sst s10  }
0x35: {  	s10 =	sld [smem:$0x3FAC];
	_ =	sdelay $0x3  }
0x36: {  	p1 =	seq.s32 s10, $0x1;
	s10 =	sld [smem:$0x3FAD];
	_ =	sdelay $0x3  }
0x37: {  	[smem:$0x3FAD] =	sst s10  }
0x38: {  	s10 =	sld [smem:$0x3FAE]  }
0x39: {  	_ = 	snop;
	(pc) =	sbr.ind lr, $3  }
0x3a: {  	_ = 	snop  }
0x3b: {  	_ = 	snop  }
0x3c: {  	p2 =	seq.s32 s10, $0x1;
	s10 =	sld [smem:$0x3FAD]  }
0x3d: {  	_ =	shalt  }
0x3e: {  	_ =	shalt  }
0x3f: {  	_ =	shalt  }
0x40: {  	_ =	shalt  }
0x41: {  	_ =	shalt  }
0x42: {  	_ =	shalt  }
0x43: {  	_ =	shalt  }
0x44: {  	_ =	shalt  }
0x45: {  	_ =	shalt  }
0x46: {  	_ =	shalt  }
0x47: {  	_ =	shalt  }
0x48: {  	_ =	shalt  }
0x49: {  	_ =	shalt  }
0x4a: {  	_ =	shalt  }
0x4b: {  	_ =	shalt  }
0x4c: {  	_ =	shalt  }
0x4d: {  	_ =	shalt  }
0x4e: {  	_ =	shalt  }
0x4f: {  	_ =	shalt  }
0x50: {  	_ =	shalt  }
0x51: {  	_ =	shalt  }
0x52: {  	_ =	shalt  }
0x53: {  	_ =	shalt  }
0x54: {  	_ =	shalt  }
0x55: {  	_ =	shalt  }
0x56: {  	_ =	shalt  }
0x57: {  	_ =	shalt  }
0x58: {  	_ =	shalt  }
0x59: {  	_ =	shalt  }
0x5a: {  	_ =	shalt  }
0x5b: {  	_ =	shalt  }
0x5c: {  	_ =	shalt  }
0x5d: {  	_ =	shalt  }
0x5e: {  	_ =	shalt  }
0x5f: {  	_ =	shalt  }
0x60: {  	_ =	shalt  }
0x61: {  	_ =	shalt  }
0x62: {  	_ =	shalt  }
0x63: {  	_ =	shalt  }
0x64: {  	_ =	shalt  }
0x65: {  	_ =	shalt  }
0x66: {  	_ =	shalt  }
0x67: {  	_ =	shalt  }
0x68: {  	_ =	shalt  }
0x69: {  	_ =	shalt  }
0x6a: {  	_ =	shalt  }
0x6b: {  	_ =	shalt  }
0x6c: {  	_ =	shalt  }
0x6d: {  	_ =	shalt  }
0x6e: {  	_ =	shalt  }
0x6f: {  	_ =	shalt  }
0x70: {  	_ =	shalt  }
0x71: {  	_ =	shalt  }
0x72: {  	_ =	shalt  }
0x73: {  	_ =	shalt  }
0x74: {  	_ =	shalt  }
0x75: {  	_ =	shalt  }
0x76: {  	_ =	shalt  }
0x77: {  	_ =	shalt  }
0x78: {  	_ =	shalt  }
0x79: {  	_ =	shalt  }
0x7a: {  	_ =	shalt  }
0x7b: {  	_ =	shalt  }
0x7c: {  	_ =	shalt  }
0x7d: {  	_ =	shalt  }
0x7e: {  	_ =	shalt  }
0x7f: {  	_ =	shalt  }
0x80: {  	_ =	shalt  }
0x81: {  	_ =	shalt  }
0x82: {  	_ =	shalt  }
0x83: {  	_ =	shalt  }
0x84: {  	_ =	shalt  }
0x85: {  	_ =	shalt  }
0x86: {  	_ =	shalt  }
0x87: {  	_ =	shalt  }
.Lfunc_end0:
.L_simem_size_0:
called_computation.2_lowered:
.L_overlay_start_0:
0x88: {  	s2 =	sld [smem:$0x3FD9]  }
0x89: {  	s3 =	sld [smem:$0x3FFE];
	_ =	sdelay $0x1  }
0x8a: {  	s1 =	srdreg.scid  }
0x8b: {  	s0 =	sand.u32 $0x1, s1  }
0x8c: {  	s16 =	sshll.u32 s0, $0xA;
	s2 =	sadd.s32 s3, s2  }
0x8d: {  	s2 =	sadd.s32 s2, s16  }
0x8e: {  	[smem:$0x3FB9] =	sst s2  }
0x8f: {  	_ = 	snop  }
0x90: {  	(tm) =	ssettm $0x1  }
0x91: {  	s17 =	sld [smem:$0x3FFB];
	_ =	sdelay $0x3  }
0x92: {  	_ =	strace s17  }
0x93: {  	s2 =	sld [smem:$0x3FFC];
	_ =	sdelay $0x3  }
0x94: {  	_ =	strace s2  }
0x95: {  	s2 =	sld [smem:$0x3FFD];
	_ =	sdelay $0x3  }
0x96: {  	_ =	strace s2  }
0x97: {  	_ =	strace $0x8FFFFFFF  }
0x98: {  	s18 =	sld [smem:$0x3FDB];
	_ =	sdelay $0x1  }
0x99: {  	s19 =	simm.s32 $_scs_section_size  }
0x9a: {  	s4 =	simm.s32 $_size__tile_overlayer_lowered;
	s5 =	simm.s32 $_tile_overlayer_lowered  }
0x9b: {  	s22 =	simm.s32 $0x1BFF;
	s21 =	sshll.u32 s5, $0x1;
	s2 =	sadd.s32 s19, s18  }
0x9c: {  	s6 =	simm.s32 $0x0;
	s20 =	sshll.u32 s4, $0x1;
	s4 =	sadd.s32 s21, s2  }
0x9d: {  	[timem:s6], [sflag:s22] =	dma.local [hbm:s4], s20  }
0x9e: {  	_ =	swait.ge [sflag:s22], s20  }
0x9f: {  	s3 =	ssub.s32 $0x0, s20;
	[sflag:s22] =	ssyncset.done $0x0  }
0xa0: {  	[sflag:s22] =	ssyncadd.s32 s3;
	_ =	sdelay $0x1  }
0xa1: {  	s23 =	simm.s32 $0x1B8B  }
0xa2: {  	_ =	swait.ge [sflag:s23], $0x1  }
0xa3: {  	[sflag:s23] =	ssyncset.done $0x0  }
0xa4: {  	s25 =	simm.s32 $0x1B8E;
	s24 =	sld [smem:$0x3FFE];
	[sflag:s23] =	ssyncadd.s32 $0xFFFFFFFF  }
0xa5: {  	s26 =	simm.s32 $execute0_lowered;
	[smem:$0x3FD2] =	sst s25  }
0xa6: {  	s4 =	sshll.u32 s26, $0x1;
	_ =	strace $0x8000004C;
	[dreg:$0x1] =	wrdreg $0xFFFFFFFF  }
0xa7: {  	s28 =	simm.s32 $_size_execute0_lowered;
	s2 =	sadd.s32 s2, s4;
	[dreg:$0x0] =	wrdreg $0x0  }
0xa8: {  	s4 =	sshll.u32 s28, $0x1;
	[dreg:$0x2] =	wrdreg s2  }
0xa9: {  	[dreg:$0x3] =	wrdreg s4  }
0xaa: {  	[dreg:$0x4] =	wrdreg $0xC0  }
0xab: {  	_ =	task [dreg:s6], $0x5FFFF  }
0xac: {  	[dreg:$0x1] =	wrdreg $0xFFFFFFFF  }
0xad: {  	[dreg:$0x0] =	wrdreg $0x60  }
0xae: {  	[dreg:$0x2] =	wrdreg s24  }
0xaf: {  	[dreg:$0x3] =	wrdreg $0x51000  }
0xb0: {  	[dreg:$0x4] =	wrdreg $0x9  }
0xb1: {  	_ =	task.clear_ibuf [dreg:s6], $0x5FFFF;
	_ =	strace $0x9000004C  }
0xb2: {  	s29 =	simm.s32 $0x9;
	_ =	strace $0x8000004E  }
0xb3: {  	_ =	swait.ge [sflag:s29], $0x1  }
0xb4: {  	[sflag:s29] =	ssyncadd.s32 $0xFFFFFFFF  }
0xb5: {  	_ =	strace $0x9000004E  }
0xb6: {  	_ =	sfence  }
0xb7: {  	s30 =	sld [smem:$0x0];
	_ =	sdelay $0x2  }
0xb8: {  	s31 =	sshll.u32 s1, $0xD;
	s1 =	sshrl.u32 s1, $0x2  }
0xb9: {  	s3 =	sand.u32 $0x4000, s31;
	s1 =	sadd.s32 s1, s30  }
0xba: {  	s0 =	sor.u32 s3, s0;
	s1 =	sshll.u32 s1, $0x11  }
0xbb: {  	s0 =	sor.u32 s1, s0  }
0xbc: {  	s0 =	sadd.s32 $0x8F2B, s0  }
0xbd: {  	[sflag:s0] =	ssyncadd.remote.s32 $0x1  }
0xbe: {  	_ =	sfence.sel $0xFFFF  }
0xbf: {  	[dreg:$0x0] =	wrdreg $0xFFFFFFFF;
	(pc) =	sbr.abs _section_cstart, $3  }
0xc0: {  	[dreg:$0x1] =	wrdreg $0xFFFFFFFF  }
0xc1: {  	_ =	task.clear_ibuf [dreg:s6], $0x2FFFF;
	_ =	strace $0x9FFFFFFF  }
0xc2: {  	(tm) =	ssettm $0x7FFFFFFF  }
0xc3: {  	_ =	shalt  }
tec
execute0_lowered:
.L_overlay_start_1:
0x0: {  	(tag) =	ssettag $0x1  }
0x1: {  	s6 =	rddreg [dreg:$0x0];
	s1 =	srdreg.scid  }
0x2: {  	s0 =	stileid.u32;
	s2 =	rddreg [dreg:$0x1]  }
0x3: {  	s3 =	simm.s32 $0x0;
	s18 =	simm.s32 $0x2900;
	s19 =	simm.s32 $0x2  }
0x4: {  	s20 =	simm.s32 $0x80;
	s21 =	simm.s32 $0x50;
	s4 =	smul.u32 $0x4E20, s0  }
0x5: {  	s22 =	simm.s32 $0x100;
	s23 =	simm.s32 $0x1;
	s8 =	smul.u32 $0x2800, s0  }
0x6: {  	s26 =	simm.s32 $0x0;
	s7 =	sand.u32 $0x1, s1;
	s10 =	smul.u32 $0x50000, s0  }
0x7: {  	[smem:$0x7FF] =	sst s3;
	s24 =	sshll.u32 s0, $0x6;
	s5 =	smul.u32 $0x2710, s7  }
0x8: {  	_ =	strace $0x8000004D;
	s9 =	smul.u32 $0x28000, s7;
	s7 =	ssub.s32 $0x2, s7  }
0x9: {  	s24 =	sor.u32 $0x1C02, s24;
	s31 =	sshrl.u32 s7, $0x1;
	s10 =	sshrl.u32 s10, $0x2  }
0xa: {  	s5 =	sadd.s32 s5, s4;
	s4 =	sadd.s32 $0x4000, s6;
	s8 =	sadd.s32 s8, s9  }
0xb: {  	s15 =	ssub.s32 s7, s31;
	s5 =	sshrl.u32 s5, $0x3;
	s14 =	sadd.s32 s8, s6  }
0xc: {  	s17 =	sadd.s32 s5, s6;
	s5 =	sadd.s32 $0x2C000, s6;
	s6 =	sadd.s32 s10, s2  }
0xd: {  	s15 =	smax.u32 s15, $0x1;
	s14 =	sadd.s32 $0x40200, s14;
	s7 =	sadd.s32 $0x2800, s6  }
0xe: {  	s8 =	sadd.s32 $0x5000, s6;
	s9 =	sadd.s32 $0x7800, s6;
	s10 =	sadd.s32 $0xA000, s6  }
0xf: {  	s11 =	sadd.s32 $0xC800, s6;
	s12 =	sadd.s32 $0xF000, s6;
	s13 =	sadd.s32 $0x11800, s6  }
0x10: {  	s16 =	sadd.s32 $0x2C600, s17;
	s17 =	sadd.s32 $0x36400, s17;
	s25 =	sshrl.u32 s6, $0x3  }
.LBB2_1:
0x11: {  	[tilespmem:s18], [sflag:$0x2] =	stream.linear.gather [hbm4b:s5+s3], $0x2800, $0x38;
	[tilespmem:$0x19100] =	vst v63  }
0x12: {  	_ =	swait.ge [sflag:s19], $0x2800  }
0x13: {  	[sflag:s19] =	ssyncset.done $0x0  }
0x14: {  	[sflag:s19] =	ssyncadd.s32 $0xFFFFD800  }
0x15: {  	[spmem:s6] =	stream.linear.scatter [tilespmem:s18], [sflag:$0x2], $0x2800, $0x38;
	[tilespmem:$0x19100] =	vst v63  }
0x16: {  	_ =	swait.ge [sflag:s19], $0x2800  }
0x17: {  	[sflag:s19] =	ssyncset.done $0x0  }
0x18: {  	[sflag:s19] =	ssyncadd.s32 $0xFFFFD800  }
0x19: {  	[spmem:s7] =	stream.linear.scatter [tilespmem:s18], [sflag:$0x2], $0x2800, $0x38;
	[tilespmem:$0x19100] =	vst v63  }
0x1a: {  	_ =	swait.ge [sflag:s19], $0x2800  }
0x1b: {  	[sflag:s19] =	ssyncset.done $0x0  }
0x1c: {  	[sflag:s19] =	ssyncadd.s32 $0xFFFFD800  }
0x1d: {  	[spmem:s8] =	stream.linear.scatter [tilespmem:s18], [sflag:$0x2], $0x2800, $0x38;
	[tilespmem:$0x19100] =	vst v63  }
0x1e: {  	_ =	swait.ge [sflag:s19], $0x2800  }
0x1f: {  	[sflag:s19] =	ssyncset.done $0x0  }
0x20: {  	[sflag:s19] =	ssyncadd.s32 $0xFFFFD800  }
0x21: {  	[spmem:s9] =	stream.linear.scatter [tilespmem:s18], [sflag:$0x2], $0x2800, $0x38;
	[tilespmem:$0x19100] =	vst v63  }
0x22: {  	_ =	swait.ge [sflag:s19], $0x2800  }
0x23: {  	[sflag:s19] =	ssyncset.done $0x0  }
0x24: {  	[sflag:s19] =	ssyncadd.s32 $0xFFFFD800  }
0x25: {  	[spmem:s10] =	stream.linear.scatter [tilespmem:s18], [sflag:$0x2], $0x2800, $0x38;
	[tilespmem:$0x19100] =	vst v63  }
0x26: {  	_ =	swait.ge [sflag:s19], $0x2800  }
0x27: {  	[sflag:s19] =	ssyncset.done $0x0  }
0x28: {  	[sflag:s19] =	ssyncadd.s32 $0xFFFFD800  }
0x29: {  	[spmem:s11] =	stream.linear.scatter [tilespmem:s18], [sflag:$0x2], $0x2800, $0x38;
	[tilespmem:$0x19100] =	vst v63  }
0x2a: {  	_ =	swait.ge [sflag:s19], $0x2800  }
0x2b: {  	[sflag:s19] =	ssyncset.done $0x0  }
0x2c: {  	[sflag:s19] =	ssyncadd.s32 $0xFFFFD800  }
0x2d: {  	[spmem:s12] =	stream.linear.scatter [tilespmem:s18], [sflag:$0x2], $0x2800, $0x38;
	[tilespmem:$0x19100] =	vst v63  }
0x2e: {  	_ =	swait.ge [sflag:s19], $0x2800  }
0x2f: {  	[sflag:s19] =	ssyncset.done $0x0  }
0x30: {  	[sflag:s19] =	ssyncadd.s32 $0xFFFFD800  }
0x31: {  	[spmem:s13] =	stream.linear.scatter [tilespmem:s18], [sflag:$0x2], $0x2800, $0x38;
	[tilespmem:$0x19100] =	vst v63  }
0x32: {  	_ =	swait.ge [sflag:s19], $0x2800  }
0x33: {  	[sflag:s19] =	ssyncset.done $0x0  }
0x34: {  	[sflag:s19] =	ssyncadd.s32 $0xFFFFD800  }
0x35: {  	s28 =	sadd.s32 $0x0, s17;
	[bflag:$0x0] =	sbarrier.arrive $0xFFFF  }
0x36: {  	[tilespmem:s3], [sflag:$0x2] =	stream.linear.gather [hbm4b:s28+s3], $0x50, $0x38;
	[tilespmem:$0x19100] =	vst v63  }
0x37: {  	_ =	swait.ge [sflag:s19], $0x50  }
0x38: {  	[sflag:s19] =	ssyncset.done $0x0  }
0x39: {  	s28 =	sadd.s32 $0x0, s16;
	[sflag:s19] =	ssyncadd.s32 $0xFFFFFFB0  }
0x3a: {  	[tilespmem:s20], [sflag:$0x2] =	stream.linear.gather [hbm4b:s28+s3], $0x50, $0x38;
	[tilespmem:$0x19100] =	vst v63  }
0x3b: {  	_ =	swait.ge [sflag:s19], $0x50  }
0x3c: {  	[sflag:s19] =	ssyncset.done $0x0  }
0x3d: {  	[sflag:s19] =	ssyncadd.s32 $0xFFFFFFB0  }
0x3e: {  	[tilespmem:s22], [sflag:$0x1] =	stream.indirect.gather [hbm4b:s4+s21], $0x80, s3, s21, $0xb8;
	[tilespmem:$0x19100] =	vst v63  }
0x3f: {  	_ =	swait.ge [sflag:s23], $0x2800  }
0x40: {  	[sflag:s23] =	ssyncset.done $0x0  }
0x41: {  	[sflag:s23] =	ssyncadd.s32 $0xFFFFD800  }
0x42: {  	[spmem:s2] =	stream.indirect.scatter.add.f32 [tilespmem:s22], [sflag:$0x2], $0x80, s20, s21, $0xb8;
	[tilespmem:$0x19100] =	vst v63  }
0x43: {  	_ =	swait.ge [sflag:s19], $0x2800  }
0x44: {  	s29 =	simm.s32 $0x14;
	s28 =	simm.s32 $0xA;
	[sflag:s19] =	ssyncset.done $0x0  }
.LBB2_2:
0x45: {  	s30 =	sadd.s32 s28, s17  }
0x46: {  	[sflag:s19] =	ssyncadd.s32 $0xFFFFD800;
	s31 =	smov.u32 s29;
	s1 =	sadd.s32 $0xA, s29  }
0x47: {  	[tilespmem:s3], [sflag:$0x2] =	stream.linear.gather [hbm4b:s30+s3], $0x50, $0x38;
	[tilespmem:$0x19100] =	vst v63  }
0x48: {  	p0 =	sne.s32 s29, $0x4D8;
	_ =	swait.ge [sflag:s19], $0x50  }
0x49: {  	[sflag:s19] =	ssyncset.done $0x0  }
0x4a: {  	s29 =	sadd.s32 s28, s16;
	s28 =	smov.u32 s31;
	[sflag:s19] =	ssyncadd.s32 $0xFFFFFFB0  }
0x4b: {  	[tilespmem:s20], [sflag:$0x2] =	stream.linear.gather [hbm4b:s29+s3], $0x50, $0x38;
	[tilespmem:$0x19100] =	vst v63  }
0x4c: {  	_ =	swait.ge [sflag:s19], $0x50  }
0x4d: {  	[sflag:s19] =	ssyncset.done $0x0  }
0x4e: {  	[sflag:s19] =	ssyncadd.s32 $0xFFFFFFB0  }
0x4f: {  	[tilespmem:s22], [sflag:$0x1] =	stream.indirect.gather [hbm4b:s4+s21], $0x80, s3, s21, $0xb8;
	[tilespmem:$0x19100] =	vst v63  }
0x50: {  	_ =	swait.ge [sflag:s23], $0x2800  }
.Ltmp0:
0x51: {  	[sflag:s23] =	ssyncset.done $0x0;
	(pc) =	sbr.rel @p0 .LBB2_2-.Ltmp0, $4  }
0x52: {  	[sflag:s23] =	ssyncadd.s32 $0xFFFFD800  }
0x53: {  	[spmem:s2] =	stream.indirect.scatter.add.f32 [tilespmem:s22], [sflag:$0x2], $0x80, s20, s21, $0xb8;
	[tilespmem:$0x19100] =	vst v63  }
0x54: {  	_ =	swait.ge [sflag:s19], $0x2800  }
0x55: {  	s29 =	smov.u32 s1;
	[sflag:s19] =	ssyncset.done $0x0  }
0x56: {  	s1 =	sadd.s32 s28, s17;
	[sflag:s19] =	ssyncadd.s32 $0xFFFFD800  }
0x57: {  	[tilespmem:s3], [sflag:$0x2] =	stream.linear.gather [hbm4b:s1+s3], $0x50, $0x38;
	[tilespmem:$0x19100] =	vst v63  }
0x58: {  	_ =	swait.ge [sflag:s19], $0x50  }
0x59: {  	[sflag:s19] =	ssyncset.done $0x0  }
0x5a: {  	s31 =	sadd.s32 s28, s16;
	[sflag:s19] =	ssyncadd.s32 $0xFFFFFFB0  }
0x5b: {  	[tilespmem:s20], [sflag:$0x2] =	stream.linear.gather [hbm4b:s31+s3], $0x50, $0x38;
	[tilespmem:$0x19100] =	vst v63  }
0x5c: {  	_ =	swait.ge [sflag:s19], $0x50  }
0x5d: {  	[sflag:s19] =	ssyncset.done $0x0  }
0x5e: {  	[sflag:s19] =	ssyncadd.s32 $0xFFFFFFB0  }
0x5f: {  	[tilespmem:s22], [sflag:$0x1] =	stream.indirect.gather [hbm4b:s4+s21], $0x80, s3, s21, $0xb8;
	[tilespmem:$0x19100] =	vst v63  }
0x60: {  	_ =	swait.ge [sflag:s23], $0x2800  }
0x61: {  	[sflag:s23] =	ssyncset.done $0x0  }
0x62: {  	[sflag:s23] =	ssyncadd.s32 $0xFFFFD800  }
0x63: {  	[spmem:s2] =	stream.indirect.scatter.add.f32 [tilespmem:s22], [sflag:$0x2], $0x80, s20, s21, $0xb8;
	[tilespmem:$0x19100] =	vst v63  }
0x64: {  	_ =	swait.ge [sflag:s19], $0x2800  }
0x65: {  	s26 =	sadd.s32 $0x1, s26;
	[sflag:s19] =	ssyncset.done $0x0  }
0x66: {  	p0 =	sne.s32 s26, s15;
	[sflag:s19] =	ssyncadd.s32 $0xFFFFD800  }
.Ltmp1:
0x67: {  	[bflag:$0x0] =	sbarrier.arrive $0xFFFF;
	(pc) =	sbr.rel @p0 .LBB2_1-.Ltmp1, $4  }
0x68: {  	[hbm:s14], [sflag:s24] =	dma.local [spmem:s25], $0x2800  }
0x69: {  	_ =	swait.ge [sflag:s19], $0x2800  }
0x6a: {  	[sflag:s19] =	ssyncset.done $0x0  }
0x6b: {  	[sflag:s19] =	ssyncadd.s32 $0xFFFFD800  }
0x6c: {  	_ =	sfence.sel $0x180000  }
0x6d: {  	[bflag:$0x0] =	sbarrier.arrive $0xFFFF  }
0x6e: {  	_ =	strace $0x9000004D  }
0x6f: {  	[bflag:$0x2] =	sbarrier.arrive $0xFFFF  }
0x70: {  	p0 =	sne.s32 s0, $0x0;
	s0 =	rddreg [dreg:$0x2]  }
0x71: {  	s0 =	sadd.s32 @!p0 $0x100000, s0  }
0x72: {  	[sflag:s0] =	ssyncadd.tile.s32 @!p0 $0x1;
	_ =	shalt  }
.Lfunc_end2:
_tile_overlayer_lowered:
.L_overlay_start_2:
0x73: {  	(tag) =	ssettag $0x2  }
0x74: {  	s0 =	rddreg [dreg:$0x0];
	s2 =	stileid.u32  }
0x75: {  	s1 =	rddreg [dreg:$0x1];
	p0 =	sne.s32 s2, $0x0  }
0x76: {  	s3 =	rddreg [dreg:$0x2];
	[bflag:$0x3] =	sbarrier.arrive $0xFFFF;
	s2 =	simm.s32 @!p0 $0x1C02  }
0x77: {  	[timem:s3], [sflag:s2] =	dma.local @!p0 [hbm:s0], s1  }
0x78: {  	s0 =	simm.s32 @!p0 $0x2  }
0x79: {  	_ =	swait.ge @!p0 [sflag:s0], s1  }
0x7a: {  	s1 =	ssub.s32 @!p0 $0x0, s1;
	[sflag:s0] =	ssyncset.done @!p0 $0x0  }
0x7b: {  	[sflag:s0] =	ssyncadd.s32 @!p0 s1  }
0x7c: {  	[bflag:$0x3] =	sbarrier.arrive $0xFFFF  }
0x7d: {  	_ =	shalt  }

// kernel: kernel.23.cloned.1.call-start
scs
__scs_entry_jumppad:
0x0: {  	(pc) =	sbr.rel $0x88, $3  }
0x1: {  	(tag) =	ssettag $0x0;
	lr =	simm.s32 $0x1  }
0x2: {  	[smem:$0x3F92] =	sst lr;
	_ =	strace $0xD0000000  }
0x3: {  	_ = 	snop  }
0x4: {  	_ = 	snop  }
0x5: {  	_ = 	snop  }
0x6: {  	_ = 	snop  }
0x7: {  	_ = 	snop  }
__scs_overlays_trampoline_lowered:
0x8: {  	[smem:$0x3FA1] =	sst s0  }
0x9: {  	[smem:$0x3FA2] =	sst s1  }
0xa: {  	[smem:$0x3FA3] =	sst s2  }
0xb: {  	[smem:$0x3FA4] =	sst s3  }
0xc: {  	[smem:$0x3FA5] =	sst s4  }
0xd: {  	[smem:$0x3FA6] =	sst s5  }
0xe: {  	[smem:$0x3FA7] =	sst s6  }
0xf: {  	[smem:$0x3FA8] =	sst s7  }
0x10: {  	[smem:$0x3FA9] =	sst s8  }
0x11: {  	[smem:$0x3FAA] =	sst s9;
	s0 =	simm.s32 @!p0 $0x0  }
0x12: {  	s1 =	sld [smem:$0x3F90];
	s0 =	simm.s32 @p0 $0x1  }
0x13: {  	[smem:$0x3FAB] =	sst s0;
	s0 =	simm.s32 @!p1 $0x0  }
0x14: {  	s2 =	sld [smem:$0x3F8F];
	s0 =	simm.s32 @p1 $0x1  }
0x15: {  	[smem:$0x3FAC] =	sst s0;
	s0 =	simm.s32 @!p2 $0x0  }
0x16: {  	s3 =	sld [smem:$0x3FDB];
	s0 =	simm.s32 @p2 $0x1  }
0x17: {  	s4 =	simm.s32 $0x1BF5;
	[smem:$0x3FAE] =	sst s0  }
0x18: {  	s0 =	sld [smem:$0x3F91];
	_ =	swait.ge [sflag:s4], $0x0  }
0x19: {  	s7 =	sld [smem:$0x3F92]  }
0x1a: {  	s8 =	sadd.s32 $0xFFFFE003, lr  }
0x1b: {  	s9 =	sadd.s32 $0xFFFFFEF7, lr;
	s5 =	simm.s32 $0xFFFFFFFF;
	p2 =	slt.u32 s8, $0xFFFFF086  }
0x1c: {  	p1 =	slt.u32 s9, $0xF7A;
	s5 =	simm.s32 @!p2 $0x0  }
0x1d: {  	s5 =	simm.s32 @p1 $0x1;
	p0 =	seq.s32 s7, s2  }
0x1e: {  	s7 =	smul.u32 @!p0 $0xF7A, s2;
	p2 =	seq.s32 @!p0 s5, $0x0  }
0x1f: {  	s9 =	smul.u32 $0xF7A, s1;
	s8 =	simm.s32 @!p0 $0x1BF5;
	p2 =	por !p2, p0  }
0x20: {  	[sflag:s8] =	ssyncset.s32 @!p0 $0xFFFFF086;
	s6 =	sadd.s32 @!p0 s3, s7;
	s7 =	simm.s32 @!p0 $0x108  }
0x21: {  	s3 =	sadd.s32 s3, s9;
	s6 =	sadd.s32 @!p0 $0x88, s6;
	s7 =	simm.s32 @p2 $0x1082  }
0x22: {  	[simem:s7], [sflag:s8] =	dma.local @!p0 [hbm:s6], $0xF7A  }
0x23: {  	s9 =	sor.u32 $0xD0000000, s2;
	s6 =	simm.s32 $0x108;
	_ =	swait.ge @!p0 [sflag:s8], $0x0  }
0x24: {  	s3 =	sadd.s32 $0x88, s3;
	s6 =	simm.s32 @!p1 $0x1082;
	[sflag:s4] =	ssyncset.s32 $0xFFFFF086  }
0x25: {  	[simem:s6], [sflag:s4] =	dma.local [hbm:s3], $0xF7A  }
0x26: {  	[smem:$0x3F92] =	sst s1;
	(tag) =	ssettag s2;
	_ =	strace s9  }
0x27: {  	s1 =	sld [smem:$0x3FA2]  }
0x28: {  	s2 =	sld [smem:$0x3FA3]  }
0x29: {  	s4 =	sld [smem:$0x3FA5]  }
0x2a: {  	p0 =	seq.s32 s5, $0x0;
	s5 =	sld [smem:$0x3FA6]  }
0x2b: {  	s6 =	sld [smem:$0x3FA7]  }
0x2c: {  	s7 =	sld [smem:$0x3FA8]  }
0x2d: {  	s3 =	simm.s32 $0x108;
	s8 =	sld [smem:$0x3FA9]  }
0x2e: {  	s3 =	simm.s32 @!p0 $0x1082;
	s9 =	sld [smem:$0x3FAA]  }
0x2f: {  	lr =	sadd.s32 s0, s3;
	s0 =	sld [smem:$0x3FA1]  }
0x30: {  	s3 =	sld [smem:$0x3FA4]  }
0x31: {  	[smem:$0x3FAD] =	sst s10  }
0x32: {  	s10 =	sld [smem:$0x3FAB];
	_ =	sdelay $0x3  }
0x33: {  	p0 =	seq.s32 s10, $0x1;
	s10 =	sld [smem:$0x3FAD];
	_ =	sdelay $0x3  }
0x34: {  	[smem:$0x3FAD] =	sst s10  }
0x35: {  	s10 =	sld [smem:$0x3FAC];
	_ =	sdelay $0x3  }
0x36: {  	p1 =	seq.s32 s10, $0x1;
	s10 =	sld [smem:$0x3FAD];
	_ =	sdelay $0x3  }
0x37: {  	[smem:$0x3FAD] =	sst s10  }
0x38: {  	s10 =	sld [smem:$0x3FAE]  }
0x39: {  	_ = 	snop;
	(pc) =	sbr.ind lr, $3  }
0x3a: {  	_ = 	snop  }
0x3b: {  	_ = 	snop  }
0x3c: {  	p2 =	seq.s32 s10, $0x1;
	s10 =	sld [smem:$0x3FAD]  }
0x3d: {  	_ =	shalt  }
0x3e: {  	_ =	shalt  }
0x3f: {  	_ =	shalt  }
0x40: {  	_ =	shalt  }
0x41: {  	_ =	shalt  }
0x42: {  	_ =	shalt  }
0x43: {  	_ =	shalt  }
0x44: {  	_ =	shalt  }
0x45: {  	_ =	shalt  }
0x46: {  	_ =	shalt  }
0x47: {  	_ =	shalt  }
0x48: {  	_ =	shalt  }
0x49: {  	_ =	shalt  }
0x4a: {  	_ =	shalt  }
0x4b: {  	_ =	shalt  }
0x4c: {  	_ =	shalt  }
0x4d: {  	_ =	shalt  }
0x4e: {  	_ =	shalt  }
0x4f: {  	_ =	shalt  }
0x50: {  	_ =	shalt  }
0x51: {  	_ =	shalt  }
0x52: {  	_ =	shalt  }
0x53: {  	_ =	shalt  }
0x54: {  	_ =	shalt  }
0x55: {  	_ =	shalt  }
0x56: {  	_ =	shalt  }
0x57: {  	_ =	shalt  }
0x58: {  	_ =	shalt  }
0x59: {  	_ =	shalt  }
0x5a: {  	_ =	shalt  }
0x5b: {  	_ =	shalt  }
0x5c: {  	_ =	shalt  }
0x5d: {  	_ =	shalt  }
0x5e: {  	_ =	shalt  }
0x5f: {  	_ =	shalt  }
0x60: {  	_ =	shalt  }
0x61: {  	_ =	shalt  }
0x62: {  	_ =	shalt  }
0x63: {  	_ =	shalt  }
0x64: {  	_ =	shalt  }
0x65: {  	_ =	shalt  }
0x66: {  	_ =	shalt  }
0x67: {  	_ =	shalt  }
0x68: {  	_ =	shalt  }
0x69: {  	_ =	shalt  }
0x6a: {  	_ =	shalt  }
0x6b: {  	_ =	shalt  }
0x6c: {  	_ =	shalt  }
0x6d: {  	_ =	shalt  }
0x6e: {  	_ =	shalt  }
0x6f: {  	_ =	shalt  }
0x70: {  	_ =	shalt  }
0x71: {  	_ =	shalt  }
0x72: {  	_ =	shalt  }
0x73: {  	_ =	shalt  }
0x74: {  	_ =	shalt  }
0x75: {  	_ =	shalt  }
0x76: {  	_ =	shalt  }
0x77: {  	_ =	shalt  }
0x78: {  	_ =	shalt  }
0x79: {  	_ =	shalt  }
0x7a: {  	_ =	shalt  }
0x7b: {  	_ =	shalt  }
0x7c: {  	_ =	shalt  }
0x7d: {  	_ =	shalt  }
0x7e: {  	_ =	shalt  }
0x7f: {  	_ =	shalt  }
0x80: {  	_ =	shalt  }
0x81: {  	_ =	shalt  }
0x82: {  	_ =	shalt  }
0x83: {  	_ =	shalt  }
0x84: {  	_ =	shalt  }
0x85: {  	_ =	shalt  }
0x86: {  	_ =	shalt  }
0x87: {  	_ =	shalt  }
.Lfunc_end0:
.L_simem_size_0:
called_computation.3_lowered:
.L_overlay_start_0:
0x88: {  	s2 =	sld [smem:$0x3FD9]  }
0x89: {  	s3 =	sld [smem:$0x3FFE];
	_ =	sdelay $0x1  }
0x8a: {  	s1 =	srdreg.scid  }
0x8b: {  	s0 =	sand.u32 $0x1, s1  }
0x8c: {  	s16 =	sshll.u32 s0, $0xA;
	s2 =	sadd.s32 s3, s2  }
0x8d: {  	s2 =	sadd.s32 s2, s16  }
0x8e: {  	[smem:$0x3FB9] =	sst s2  }
0x8f: {  	_ = 	snop  }
0x90: {  	(tm) =	ssettm $0x1  }
0x91: {  	s17 =	sld [smem:$0x3FFB];
	_ =	sdelay $0x3  }
0x92: {  	_ =	strace s17  }
0x93: {  	s2 =	sld [smem:$0x3FFC];
	_ =	sdelay $0x3  }
0x94: {  	_ =	strace s2  }
0x95: {  	s2 =	sld [smem:$0x3FFD];
	_ =	sdelay $0x3  }
0x96: {  	_ =	strace s2  }
0x97: {  	_ =	strace $0x8FFFFFFF  }
0x98: {  	s18 =	sld [smem:$0x3FDB];
	_ =	sdelay $0x1  }
0x99: {  	s19 =	simm.s32 $_scs_section_size  }
0x9a: {  	s4 =	simm.s32 $_size__tile_overlayer_lowered;
	s5 =	simm.s32 $_tile_overlayer_lowered  }
0x9b: {  	s22 =	simm.s32 $0x1BFF;
	s21 =	sshll.u32 s5, $0x1;
	s2 =	sadd.s32 s19, s18  }
0x9c: {  	s6 =	simm.s32 $0x0;
	s20 =	sshll.u32 s4, $0x1;
	s4 =	sadd.s32 s21, s2  }
0x9d: {  	[timem:s6], [sflag:s22] =	dma.local [hbm:s4], s20  }
0x9e: {  	_ =	swait.ge [sflag:s22], s20  }
0x9f: {  	s3 =	ssub.s32 $0x0, s20;
	[sflag:s22] =	ssyncset.done $0x0  }
0xa0: {  	[sflag:s22] =	ssyncadd.s32 s3;
	_ =	sdelay $0x1  }
0xa1: {  	s23 =	simm.s32 $0x1B8B  }
0xa2: {  	_ =	swait.ge [sflag:s23], $0x1  }
0xa3: {  	[sflag:s23] =	ssyncset.done $0x0  }
0xa4: {  	s25 =	simm.s32 $0x1B8E;
	s24 =	sld [smem:$0x3FFE];
	[sflag:s23] =	ssyncadd.s32 $0xFFFFFFFF  }
0xa5: {  	s26 =	simm.s32 $execute0_lowered;
	[smem:$0x3FD2] =	sst s25  }
0xa6: {  	s4 =	sshll.u32 s26, $0x1;
	_ =	strace $0x8000004F;
	[dreg:$0x1] =	wrdreg $0xFFFFFFFF  }
0xa7: {  	s28 =	simm.s32 $_size_execute0_lowered;
	s2 =	sadd.s32 s2, s4;
	[dreg:$0x0] =	wrdreg $0x0  }
0xa8: {  	s4 =	sshll.u32 s28, $0x1;
	[dreg:$0x2] =	wrdreg s2  }
0xa9: {  	[dreg:$0x3] =	wrdreg s4  }
0xaa: {  	[dreg:$0x4] =	wrdreg $0xC0  }
0xab: {  	_ =	task [dreg:s6], $0x5FFFF  }
0xac: {  	[dreg:$0x1] =	wrdreg $0xFFFFFFFF  }
0xad: {  	[dreg:$0x0] =	wrdreg $0x60  }
0xae: {  	[dreg:$0x2] =	wrdreg s24  }
0xaf: {  	[dreg:$0x3] =	wrdreg $0x51000  }
0xb0: {  	[dreg:$0x4] =	wrdreg $0x9  }
0xb1: {  	_ =	task.clear_ibuf [dreg:s6], $0x5FFFF;
	_ =	strace $0x9000004F  }
0xb2: {  	s29 =	simm.s32 $0x9;
	_ =	strace $0x80000051  }
0xb3: {  	_ =	swait.ge [sflag:s29], $0x1  }
0xb4: {  	[sflag:s29] =	ssyncadd.s32 $0xFFFFFFFF  }
0xb5: {  	_ =	strace $0x90000051  }
0xb6: {  	_ =	sfence  }
0xb7: {  	s30 =	sld [smem:$0x0];
	_ =	sdelay $0x2  }
0xb8: {  	s31 =	sshll.u32 s1, $0xD;
	s1 =	sshrl.u32 s1, $0x2  }
0xb9: {  	s3 =	sand.u32 $0x4000, s31;
	s1 =	sadd.s32 s1, s30  }
0xba: {  	s0 =	sor.u32 s3, s0;
	s1 =	sshll.u32 s1, $0x11  }
0xbb: {  	s0 =	sor.u32 s1, s0  }
0xbc: {  	s0 =	sadd.s32 $0x8F2B, s0  }
0xbd: {  	[sflag:s0] =	ssyncadd.remote.s32 $0x1  }
0xbe: {  	_ =	sfence.sel $0xFFFF  }
0xbf: {  	[dreg:$0x0] =	wrdreg $0xFFFFFFFF;
	(pc) =	sbr.abs _section_cstart, $3  }
0xc0: {  	[dreg:$0x1] =	wrdreg $0xFFFFFFFF  }
0xc1: {  	_ =	task.clear_ibuf [dreg:s6], $0x2FFFF;
	_ =	strace $0x9FFFFFFF  }
0xc2: {  	(tm) =	ssettm $0x7FFFFFFF  }
0xc3: {  	_ =	shalt  }
tec
execute0_lowered:
.L_overlay_start_1:
0x0: {  	(tag) =	ssettag $0x1  }
0x1: {  	s6 =	rddreg [dreg:$0x0];
	s1 =	srdreg.scid  }
0x2: {  	s0 =	stileid.u32;
	s2 =	rddreg [dreg:$0x1]  }
0x3: {  	s3 =	simm.s32 $0x0;
	s18 =	simm.s32 $0x2900;
	s19 =	simm.s32 $0x2  }
0x4: {  	s20 =	simm.s32 $0x80;
	s21 =	simm.s32 $0x50;
	s4 =	smul.u32 $0x4E20, s0  }
0x5: {  	s22 =	simm.s32 $0x100;
	s23 =	simm.s32 $0x1;
	s8 =	smul.u32 $0x2800, s0  }
0x6: {  	s26 =	simm.s32 $0x0;
	s7 =	sand.u32 $0x1, s1;
	s10 =	smul.u32 $0x50000, s0  }
0x7: {  	[smem:$0x7FF] =	sst s3;
	s24 =	sshll.u32 s0, $0x6;
	s5 =	smul.u32 $0x2710, s7  }
0x8: {  	_ =	strace $0x80000050;
	s9 =	smul.u32 $0x28000, s7;
	s7 =	ssub.s32 $0x2, s7  }
0x9: {  	s24 =	sor.u32 $0x1C02, s24;
	s31 =	sshrl.u32 s7, $0x1;
	s10 =	sshrl.u32 s10, $0x2  }
0xa: {  	s5 =	sadd.s32 s5, s4;
	s4 =	sadd.s32 $0x4000, s6;
	s8 =	sadd.s32 s8, s9  }
0xb: {  	s15 =	ssub.s32 s7, s31;
	s5 =	sshrl.u32 s5, $0x3;
	s14 =	sadd.s32 s8, s6  }
0xc: {  	s17 =	sadd.s32 s5, s6;
	s5 =	sadd.s32 $0x2C000, s6;
	s6 =	sadd.s32 s10, s2  }
0xd: {  	s15 =	smax.u32 s15, $0x1;
	s14 =	sadd.s32 $0x40200, s14;
	s7 =	sadd.s32 $0x2800, s6  }
0xe: {  	s8 =	sadd.s32 $0x5000, s6;
	s9 =	sadd.s32 $0x7800, s6;
	s10 =	sadd.s32 $0xA000, s6  }
0xf: {  	s11 =	sadd.s32 $0xC800, s6;
	s12 =	sadd.s32 $0xF000, s6;
	s13 =	sadd.s32 $0x11800, s6  }
0x10: {  	s16 =	sadd.s32 $0x2C600, s17;
	s17 =	sadd.s32 $0x36400, s17;
	s25 =	sshrl.u32 s6, $0x3  }
.LBB2_1:
0x11: {  	[tilespmem:s18], [sflag:$0x2] =	stream.linear.gather [hbm4b:s5+s3], $0x2800, $0x38;
	[tilespmem:$0x19100] =	vst v63  }
0x12: {  	_ =	swait.ge [sflag:s19], $0x2800  }
0x13: {  	[sflag:s19] =	ssyncset.done $0x0  }
0x14: {  	[sflag:s19] =	ssyncadd.s32 $0xFFFFD800  }
0x15: {  	[spmem:s6] =	stream.linear.scatter [tilespmem:s18], [sflag:$0x2], $0x2800, $0x38;
	[tilespmem:$0x19100] =	vst v63  }
0x16: {  	_ =	swait.ge [sflag:s19], $0x2800  }
0x17: {  	[sflag:s19] =	ssyncset.done $0x0  }
0x18: {  	[sflag:s19] =	ssyncadd.s32 $0xFFFFD800  }
0x19: {  	[spmem:s7] =	stream.linear.scatter [tilespmem:s18], [sflag:$0x2], $0x2800, $0x38;
	[tilespmem:$0x19100] =	vst v63  }
0x1a: {  	_ =	swait.ge [sflag:s19], $0x2800  }
0x1b: {  	[sflag:s19] =	ssyncset.done $0x0  }
0x1c: {  	[sflag:s19] =	ssyncadd.s32 $0xFFFFD800  }
0x1d: {  	[spmem:s8] =	stream.linear.scatter [tilespmem:s18], [sflag:$0x2], $0x2800, $0x38;
	[tilespmem:$0x19100] =	vst v63  }
0x1e: {  	_ =	swait.ge [sflag:s19], $0x2800  }
0x1f: {  	[sflag:s19] =	ssyncset.done $0x0  }
0x20: {  	[sflag:s19] =	ssyncadd.s32 $0xFFFFD800  }
0x21: {  	[spmem:s9] =	stream.linear.scatter [tilespmem:s18], [sflag:$0x2], $0x2800, $0x38;
	[tilespmem:$0x19100] =	vst v63  }
0x22: {  	_ =	swait.ge [sflag:s19], $0x2800  }
0x23: {  	[sflag:s19] =	ssyncset.done $0x0  }
0x24: {  	[sflag:s19] =	ssyncadd.s32 $0xFFFFD800  }
0x25: {  	[spmem:s10] =	stream.linear.scatter [tilespmem:s18], [sflag:$0x2], $0x2800, $0x38;
	[tilespmem:$0x19100] =	vst v63  }
0x26: {  	_ =	swait.ge [sflag:s19], $0x2800  }
0x27: {  	[sflag:s19] =	ssyncset.done $0x0  }
0x28: {  	[sflag:s19] =	ssyncadd.s32 $0xFFFFD800  }
0x29: {  	[spmem:s11] =	stream.linear.scatter [tilespmem:s18], [sflag:$0x2], $0x2800, $0x38;
	[tilespmem:$0x19100] =	vst v63  }
0x2a: {  	_ =	swait.ge [sflag:s19], $0x2800  }
0x2b: {  	[sflag:s19] =	ssyncset.done $0x0  }
0x2c: {  	[sflag:s19] =	ssyncadd.s32 $0xFFFFD800  }
0x2d: {  	[spmem:s12] =	stream.linear.scatter [tilespmem:s18], [sflag:$0x2], $0x2800, $0x38;
	[tilespmem:$0x19100] =	vst v63  }
0x2e: {  	_ =	swait.ge [sflag:s19], $0x2800  }
0x2f: {  	[sflag:s19] =	ssyncset.done $0x0  }
0x30: {  	[sflag:s19] =	ssyncadd.s32 $0xFFFFD800  }
0x31: {  	[spmem:s13] =	stream.linear.scatter [tilespmem:s18], [sflag:$0x2], $0x2800, $0x38;
	[tilespmem:$0x19100] =	vst v63  }
0x32: {  	_ =	swait.ge [sflag:s19], $0x2800  }
0x33: {  	[sflag:s19] =	ssyncset.done $0x0  }
0x34: {  	[sflag:s19] =	ssyncadd.s32 $0xFFFFD800  }
0x35: {  	s28 =	sadd.s32 $0x0, s17;
	[bflag:$0x0] =	sbarrier.arrive $0xFFFF  }
0x36: {  	[tilespmem:s3], [sflag:$0x2] =	stream.linear.gather [hbm4b:s28+s3], $0x50, $0x38;
	[tilespmem:$0x19100] =	vst v63  }
0x37: {  	_ =	swait.ge [sflag:s19], $0x50  }
0x38: {  	[sflag:s19] =	ssyncset.done $0x0  }
0x39: {  	s28 =	sadd.s32 $0x0, s16;
	[sflag:s19] =	ssyncadd.s32 $0xFFFFFFB0  }
0x3a: {  	[tilespmem:s20], [sflag:$0x2] =	stream.linear.gather [hbm4b:s28+s3], $0x50, $0x38;
	[tilespmem:$0x19100] =	vst v63  }
0x3b: {  	_ =	swait.ge [sflag:s19], $0x50  }
0x3c: {  	[sflag:s19] =	ssyncset.done $0x0  }
0x3d: {  	[sflag:s19] =	ssyncadd.s32 $0xFFFFFFB0  }
0x3e: {  	[tilespmem:s22], [sflag:$0x1] =	stream.indirect.gather [hbm4b:s4+s21], $0x80, s3, s21, $0xb8;
	[tilespmem:$0x19100] =	vst v63  }
0x3f: {  	_ =	swait.ge [sflag:s23], $0x2800  }
0x40: {  	[sflag:s23] =	ssyncset.done $0x0  }
0x41: {  	[sflag:s23] =	ssyncadd.s32 $0xFFFFD800  }
0x42: {  	[spmem:s2] =	stream.indirect.scatter.add.f32 [tilespmem:s22], [sflag:$0x2], $0x80, s20, s21, $0xb8;
	[tilespmem:$0x19100] =	vst v63  }
0x43: {  	_ =	swait.ge [sflag:s19], $0x2800  }
0x44: {  	s29 =	simm.s32 $0x14;
	s28 =	simm.s32 $0xA;
	[sflag:s19] =	ssyncset.done $0x0  }
.LBB2_2:
0x45: {  	s30 =	sadd.s32 s28, s17  }
0x46: {  	[sflag:s19] =	ssyncadd.s32 $0xFFFFD800;
	s31 =	smov.u32 s29;
	s1 =	sadd.s32 $0xA, s29  }
0x47: {  	[tilespmem:s3], [sflag:$0x2] =	stream.linear.gather [hbm4b:s30+s3], $0x50, $0x38;
	[tilespmem:$0x19100] =	vst v63  }
0x48: {  	p0 =	sne.s32 s29, $0x4D8;
	_ =	swait.ge [sflag:s19], $0x50  }
0x49: {  	[sflag:s19] =	ssyncset.done $0x0  }
0x4a: {  	s29 =	sadd.s32 s28, s16;
	s28 =	smov.u32 s31;
	[sflag:s19] =	ssyncadd.s32 $0xFFFFFFB0  }
0x4b: {  	[tilespmem:s20], [sflag:$0x2] =	stream.linear.gather [hbm4b:s29+s3], $0x50, $0x38;
	[tilespmem:$0x19100] =	vst v63  }
0x4c: {  	_ =	swait.ge [sflag:s19], $0x50  }
0x4d: {  	[sflag:s19] =	ssyncset.done $0x0  }
0x4e: {  	[sflag:s19] =	ssyncadd.s32 $0xFFFFFFB0  }
0x4f: {  	[tilespmem:s22], [sflag:$0x1] =	stream.indirect.gather [hbm4b:s4+s21], $0x80, s3, s21, $0xb8;
	[tilespmem:$0x19100] =	vst v63  }
0x50: {  	_ =	swait.ge [sflag:s23], $0x2800  }
.Ltmp0:
0x51: {  	[sflag:s23] =	ssyncset.done $0x0;
	(pc) =	sbr.rel @p0 .LBB2_2-.Ltmp0, $4  }
0x52: {  	[sflag:s23] =	ssyncadd.s32 $0xFFFFD800  }
0x53: {  	[spmem:s2] =	stream.indirect.scatter.add.f32 [tilespmem:s22], [sflag:$0x2], $0x80, s20, s21, $0xb8;
	[tilespmem:$0x19100] =	vst v63  }
0x54: {  	_ =	swait.ge [sflag:s19], $0x2800  }
0x55: {  	s29 =	smov.u32 s1;
	[sflag:s19] =	ssyncset.done $0x0  }
0x56: {  	s1 =	sadd.s32 s28, s17;
	[sflag:s19] =	ssyncadd.s32 $0xFFFFD800  }
0x57: {  	[tilespmem:s3], [sflag:$0x2] =	stream.linear.gather [hbm4b:s1+s3], $0x50, $0x38;
	[tilespmem:$0x19100] =	vst v63  }
0x58: {  	_ =	swait.ge [sflag:s19], $0x50  }
0x59: {  	[sflag:s19] =	ssyncset.done $0x0  }
0x5a: {  	s31 =	sadd.s32 s28, s16;
	[sflag:s19] =	ssyncadd.s32 $0xFFFFFFB0  }
0x5b: {  	[tilespmem:s20], [sflag:$0x2] =	stream.linear.gather [hbm4b:s31+s3], $0x50, $0x38;
	[tilespmem:$0x19100] =	vst v63  }
0x5c: {  	_ =	swait.ge [sflag:s19], $0x50  }
0x5d: {  	[sflag:s19] =	ssyncset.done $0x0  }
0x5e: {  	[sflag:s19] =	ssyncadd.s32 $0xFFFFFFB0  }
0x5f: {  	[tilespmem:s22], [sflag:$0x1] =	stream.indirect.gather [hbm4b:s4+s21], $0x80, s3, s21, $0xb8;
	[tilespmem:$0x19100] =	vst v63  }
0x60: {  	_ =	swait.ge [sflag:s23], $0x2800  }
0x61: {  	[sflag:s23] =	ssyncset.done $0x0  }
0x62: {  	[sflag:s23] =	ssyncadd.s32 $0xFFFFD800  }
0x63: {  	[spmem:s2] =	stream.indirect.scatter.add.f32 [tilespmem:s22], [sflag:$0x2], $0x80, s20, s21, $0xb8;
	[tilespmem:$0x19100] =	vst v63  }
0x64: {  	_ =	swait.ge [sflag:s19], $0x2800  }
0x65: {  	s26 =	sadd.s32 $0x1, s26;
	[sflag:s19] =	ssyncset.done $0x0  }
0x66: {  	p0 =	sne.s32 s26, s15;
	[sflag:s19] =	ssyncadd.s32 $0xFFFFD800  }
.Ltmp1:
0x67: {  	[bflag:$0x0] =	sbarrier.arrive $0xFFFF;
	(pc) =	sbr.rel @p0 .LBB2_1-.Ltmp1, $4  }
0x68: {  	[hbm:s14], [sflag:s24] =	dma.local [spmem:s25], $0x2800  }
0x69: {  	_ =	swait.ge [sflag:s19], $0x2800  }
0x6a: {  	[sflag:s19] =	ssyncset.done $0x0  }
0x6b: {  	[sflag:s19] =	ssyncadd.s32 $0xFFFFD800  }
0x6c: {  	_ =	sfence.sel $0x180000  }
0x6d: {  	[bflag:$0x0] =	sbarrier.arrive $0xFFFF  }
0x6e: {  	_ =	strace $0x90000050  }
0x6f: {  	[bflag:$0x2] =	sbarrier.arrive $0xFFFF  }
0x70: {  	p0 =	sne.s32 s0, $0x0;
	s0 =	rddreg [dreg:$0x2]  }
0x71: {  	s0 =	sadd.s32 @!p0 $0x100000, s0  }
0x72: {  	[sflag:s0] =	ssyncadd.tile.s32 @!p0 $0x1;
	_ =	shalt  }
.Lfunc_end2:
_tile_overlayer_lowered:
.L_overlay_start_2:
0x73: {  	(tag) =	ssettag $0x2  }
0x74: {  	s0 =	rddreg [dreg:$0x0];
	s2 =	stileid.u32  }
0x75: {  	s1 =	rddreg [dreg:$0x1];
	p0 =	sne.s32 s2, $0x0  }
0x76: {  	s3 =	rddreg [dreg:$0x2];
	[bflag:$0x3] =	sbarrier.arrive $0xFFFF;
	s2 =	simm.s32 @!p0 $0x1C02  }
0x77: {  	[timem:s3], [sflag:s2] =	dma.local @!p0 [hbm:s0], s1  }
0x78: {  	s0 =	simm.s32 @!p0 $0x2  }
0x79: {  	_ =	swait.ge @!p0 [sflag:s0], s1  }
0x7a: {  	s1 =	ssub.s32 @!p0 $0x0, s1;
	[sflag:s0] =	ssyncset.done @!p0 $0x0  }
0x7b: {  	[sflag:s0] =	ssyncadd.s32 @!p0 s1  }
0x7c: {  	[bflag:$0x3] =	sbarrier.arrive $0xFFFF  }
0x7d: {  	_ =	shalt  }

// kernel: kernel.26.cloned.1.call-start
scs
__scs_entry_jumppad:
0x0: {  	(pc) =	sbr.rel $0x88, $3  }
0x1: {  	(tag) =	ssettag $0x0;
	lr =	simm.s32 $0x1  }
0x2: {  	[smem:$0x3F92] =	sst lr;
	_ =	strace $0xD0000000  }
0x3: {  	_ = 	snop  }
0x4: {  	_ = 	snop  }
0x5: {  	_ = 	snop  }
0x6: {  	_ = 	snop  }
0x7: {  	_ = 	snop  }
__scs_overlays_trampoline_lowered:
0x8: {  	[smem:$0x3FA1] =	sst s0  }
0x9: {  	[smem:$0x3FA2] =	sst s1  }
0xa: {  	[smem:$0x3FA3] =	sst s2  }
0xb: {  	[smem:$0x3FA4] =	sst s3  }
0xc: {  	[smem:$0x3FA5] =	sst s4  }
0xd: {  	[smem:$0x3FA6] =	sst s5  }
0xe: {  	[smem:$0x3FA7] =	sst s6  }
0xf: {  	[smem:$0x3FA8] =	sst s7  }
0x10: {  	[smem:$0x3FA9] =	sst s8  }
0x11: {  	[smem:$0x3FAA] =	sst s9;
	s0 =	simm.s32 @!p0 $0x0  }
0x12: {  	s1 =	sld [smem:$0x3F90];
	s0 =	simm.s32 @p0 $0x1  }
0x13: {  	[smem:$0x3FAB] =	sst s0;
	s0 =	simm.s32 @!p1 $0x0  }
0x14: {  	s2 =	sld [smem:$0x3F8F];
	s0 =	simm.s32 @p1 $0x1  }
0x15: {  	[smem:$0x3FAC] =	sst s0;
	s0 =	simm.s32 @!p2 $0x0  }
0x16: {  	s3 =	sld [smem:$0x3FDB];
	s0 =	simm.s32 @p2 $0x1  }
0x17: {  	s4 =	simm.s32 $0x1BF5;
	[smem:$0x3FAE] =	sst s0  }
0x18: {  	s0 =	sld [smem:$0x3F91];
	_ =	swait.ge [sflag:s4], $0x0  }
0x19: {  	s7 =	sld [smem:$0x3F92]  }
0x1a: {  	s8 =	sadd.s32 $0xFFFFE003, lr  }
0x1b: {  	s9 =	sadd.s32 $0xFFFFFEF7, lr;
	s5 =	simm.s32 $0xFFFFFFFF;
	p2 =	slt.u32 s8, $0xFFFFF086  }
0x1c: {  	p1 =	slt.u32 s9, $0xF7A;
	s5 =	simm.s32 @!p2 $0x0  }
0x1d: {  	s5 =	simm.s32 @p1 $0x1;
	p0 =	seq.s32 s7, s2  }
0x1e: {  	s7 =	smul.u32 @!p0 $0xF7A, s2;
	p2 =	seq.s32 @!p0 s5, $0x0  }
0x1f: {  	s9 =	smul.u32 $0xF7A, s1;
	s8 =	simm.s32 @!p0 $0x1BF5;
	p2 =	por !p2, p0  }
0x20: {  	[sflag:s8] =	ssyncset.s32 @!p0 $0xFFFFF086;
	s6 =	sadd.s32 @!p0 s3, s7;
	s7 =	simm.s32 @!p0 $0x108  }
0x21: {  	s3 =	sadd.s32 s3, s9;
	s6 =	sadd.s32 @!p0 $0x88, s6;
	s7 =	simm.s32 @p2 $0x1082  }
0x22: {  	[simem:s7], [sflag:s8] =	dma.local @!p0 [hbm:s6], $0xF7A  }
0x23: {  	s9 =	sor.u32 $0xD0000000, s2;
	s6 =	simm.s32 $0x108;
	_ =	swait.ge @!p0 [sflag:s8], $0x0  }
0x24: {  	s3 =	sadd.s32 $0x88, s3;
	s6 =	simm.s32 @!p1 $0x1082;
	[sflag:s4] =	ssyncset.s32 $0xFFFFF086  }
0x25: {  	[simem:s6], [sflag:s4] =	dma.local [hbm:s3], $0xF7A  }
0x26: {  	[smem:$0x3F92] =	sst s1;
	(tag) =	ssettag s2;
	_ =	strace s9  }
0x27: {  	s1 =	sld [smem:$0x3FA2]  }
0x28: {  	s2 =	sld [smem:$0x3FA3]  }
0x29: {  	s4 =	sld [smem:$0x3FA5]  }
0x2a: {  	p0 =	seq.s32 s5, $0x0;
	s5 =	sld [smem:$0x3FA6]  }
0x2b: {  	s6 =	sld [smem:$0x3FA7]  }
0x2c: {  	s7 =	sld [smem:$0x3FA8]  }
0x2d: {  	s3 =	simm.s32 $0x108;
	s8 =	sld [smem:$0x3FA9]  }
0x2e: {  	s3 =	simm.s32 @!p0 $0x1082;
	s9 =	sld [smem:$0x3FAA]  }
0x2f: {  	lr =	sadd.s32 s0, s3;
	s0 =	sld [smem:$0x3FA1]  }
0x30: {  	s3 =	sld [smem:$0x3FA4]  }
0x31: {  	[smem:$0x3FAD] =	sst s10  }
0x32: {  	s10 =	sld [smem:$0x3FAB];
	_ =	sdelay $0x3  }
0x33: {  	p0 =	seq.s32 s10, $0x1;
	s10 =	sld [smem:$0x3FAD];
	_ =	sdelay $0x3  }
0x34: {  	[smem:$0x3FAD] =	sst s10  }
0x35: {  	s10 =	sld [smem:$0x3FAC];
	_ =	sdelay $0x3  }
0x36: {  	p1 =	seq.s32 s10, $0x1;
	s10 =	sld [smem:$0x3FAD];
	_ =	sdelay $0x3  }
0x37: {  	[smem:$0x3FAD] =	sst s10  }
0x38: {  	s10 =	sld [smem:$0x3FAE]  }
0x39: {  	_ = 	snop;
	(pc) =	sbr.ind lr, $3  }
0x3a: {  	_ = 	snop  }
0x3b: {  	_ = 	snop  }
0x3c: {  	p2 =	seq.s32 s10, $0x1;
	s10 =	sld [smem:$0x3FAD]  }
0x3d: {  	_ =	shalt  }
0x3e: {  	_ =	shalt  }
0x3f: {  	_ =	shalt  }
0x40: {  	_ =	shalt  }
0x41: {  	_ =	shalt  }
0x42: {  	_ =	shalt  }
0x43: {  	_ =	shalt  }
0x44: {  	_ =	shalt  }
0x45: {  	_ =	shalt  }
0x46: {  	_ =	shalt  }
0x47: {  	_ =	shalt  }
0x48: {  	_ =	shalt  }
0x49: {  	_ =	shalt  }
0x4a: {  	_ =	shalt  }
0x4b: {  	_ =	shalt  }
0x4c: {  	_ =	shalt  }
0x4d: {  	_ =	shalt  }
0x4e: {  	_ =	shalt  }
0x4f: {  	_ =	shalt  }
0x50: {  	_ =	shalt  }
0x51: {  	_ =	shalt  }
0x52: {  	_ =	shalt  }
0x53: {  	_ =	shalt  }
0x54: {  	_ =	shalt  }
0x55: {  	_ =	shalt  }
0x56: {  	_ =	shalt  }
0x57: {  	_ =	shalt  }
0x58: {  	_ =	shalt  }
0x59: {  	_ =	shalt  }
0x5a: {  	_ =	shalt  }
0x5b: {  	_ =	shalt  }
0x5c: {  	_ =	shalt  }
0x5d: {  	_ =	shalt  }
0x5e: {  	_ =	shalt  }
0x5f: {  	_ =	shalt  }
0x60: {  	_ =	shalt  }
0x61: {  	_ =	shalt  }
0x62: {  	_ =	shalt  }
0x63: {  	_ =	shalt  }
0x64: {  	_ =	shalt  }
0x65: {  	_ =	shalt  }
0x66: {  	_ =	shalt  }
0x67: {  	_ =	shalt  }
0x68: {  	_ =	shalt  }
0x69: {  	_ =	shalt  }
0x6a: {  	_ =	shalt  }
0x6b: {  	_ =	shalt  }
0x6c: {  	_ =	shalt  }
0x6d: {  	_ =	shalt  }
0x6e: {  	_ =	shalt  }
0x6f: {  	_ =	shalt  }
0x70: {  	_ =	shalt  }
0x71: {  	_ =	shalt  }
0x72: {  	_ =	shalt  }
0x73: {  	_ =	shalt  }
0x74: {  	_ =	shalt  }
0x75: {  	_ =	shalt  }
0x76: {  	_ =	shalt  }
0x77: {  	_ =	shalt  }
0x78: {  	_ =	shalt  }
0x79: {  	_ =	shalt  }
0x7a: {  	_ =	shalt  }
0x7b: {  	_ =	shalt  }
0x7c: {  	_ =	shalt  }
0x7d: {  	_ =	shalt  }
0x7e: {  	_ =	shalt  }
0x7f: {  	_ =	shalt  }
0x80: {  	_ =	shalt  }
0x81: {  	_ =	shalt  }
0x82: {  	_ =	shalt  }
0x83: {  	_ =	shalt  }
0x84: {  	_ =	shalt  }
0x85: {  	_ =	shalt  }
0x86: {  	_ =	shalt  }
0x87: {  	_ =	shalt  }
.Lfunc_end0:
.L_simem_size_0:
called_computation.4_lowered:
.L_overlay_start_0:
0x88: {  	s2 =	sld [smem:$0x3FD9]  }
0x89: {  	s3 =	sld [smem:$0x3FFE];
	_ =	sdelay $0x1  }
0x8a: {  	s1 =	srdreg.scid  }
0x8b: {  	s0 =	sand.u32 $0x1, s1  }
0x8c: {  	s16 =	sshll.u32 s0, $0xA;
	s2 =	sadd.s32 s3, s2  }
0x8d: {  	s2 =	sadd.s32 s2, s16  }
0x8e: {  	[smem:$0x3FB9] =	sst s2  }
0x8f: {  	_ = 	snop  }
0x90: {  	(tm) =	ssettm $0x1  }
0x91: {  	s17 =	sld [smem:$0x3FFB];
	_ =	sdelay $0x3  }
0x92: {  	_ =	strace s17  }
0x93: {  	s2 =	sld [smem:$0x3FFC];
	_ =	sdelay $0x3  }
0x94: {  	_ =	strace s2  }
0x95: {  	s2 =	sld [smem:$0x3FFD];
	_ =	sdelay $0x3  }
0x96: {  	_ =	strace s2  }
0x97: {  	_ =	strace $0x8FFFFFFF  }
0x98: {  	s18 =	sld [smem:$0x3FDB];
	_ =	sdelay $0x1  }
0x99: {  	s19 =	simm.s32 $_scs_section_size  }
0x9a: {  	s4 =	simm.s32 $_size__tile_overlayer_lowered;
	s5 =	simm.s32 $_tile_overlayer_lowered  }
0x9b: {  	s22 =	simm.s32 $0x1BFF;
	s21 =	sshll.u32 s5, $0x1;
	s2 =	sadd.s32 s19, s18  }
0x9c: {  	s6 =	simm.s32 $0x0;
	s20 =	sshll.u32 s4, $0x1;
	s4 =	sadd.s32 s21, s2  }
0x9d: {  	[timem:s6], [sflag:s22] =	dma.local [hbm:s4], s20  }
0x9e: {  	_ =	swait.ge [sflag:s22], s20  }
0x9f: {  	s3 =	ssub.s32 $0x0, s20;
	[sflag:s22] =	ssyncset.done $0x0  }
0xa0: {  	[sflag:s22] =	ssyncadd.s32 s3;
	_ =	sdelay $0x1  }
0xa1: {  	s23 =	simm.s32 $0x1B8B  }
0xa2: {  	_ =	swait.ge [sflag:s23], $0x1  }
0xa3: {  	[sflag:s23] =	ssyncset.done $0x0  }
0xa4: {  	s25 =	simm.s32 $0x1B8E;
	s24 =	sld [smem:$0x3FFE];
	[sflag:s23] =	ssyncadd.s32 $0xFFFFFFFF  }
0xa5: {  	s26 =	simm.s32 $execute0_lowered;
	[smem:$0x3FD2] =	sst s25  }
0xa6: {  	s4 =	sshll.u32 s26, $0x1;
	_ =	strace $0x80000052;
	[dreg:$0x1] =	wrdreg $0xFFFFFFFF  }
0xa7: {  	s28 =	simm.s32 $_size_execute0_lowered;
	s2 =	sadd.s32 s2, s4;
	[dreg:$0x0] =	wrdreg $0x0  }
0xa8: {  	s4 =	sshll.u32 s28, $0x1;
	[dreg:$0x2] =	wrdreg s2  }
0xa9: {  	[dreg:$0x3] =	wrdreg s4  }
0xaa: {  	[dreg:$0x4] =	wrdreg $0xC0  }
0xab: {  	_ =	task [dreg:s6], $0x5FFFF  }
0xac: {  	[dreg:$0x1] =	wrdreg $0xFFFFFFFF  }
0xad: {  	[dreg:$0x0] =	wrdreg $0x60  }
0xae: {  	[dreg:$0x2] =	wrdreg s24  }
0xaf: {  	[dreg:$0x3] =	wrdreg $0x51000  }
0xb0: {  	[dreg:$0x4] =	wrdreg $0x9  }
0xb1: {  	_ =	task.clear_ibuf [dreg:s6], $0x5FFFF;
	_ =	strace $0x90000052  }
0xb2: {  	s29 =	simm.s32 $0x9;
	_ =	strace $0x80000054  }
0xb3: {  	_ =	swait.ge [sflag:s29], $0x1  }
0xb4: {  	[sflag:s29] =	ssyncadd.s32 $0xFFFFFFFF  }
0xb5: {  	_ =	strace $0x90000054  }
0xb6: {  	_ =	sfence  }
0xb7: {  	s30 =	sld [smem:$0x0];
	_ =	sdelay $0x2  }
0xb8: {  	s31 =	sshll.u32 s1, $0xD;
	s1 =	sshrl.u32 s1, $0x2  }
0xb9: {  	s3 =	sand.u32 $0x4000, s31;
	s1 =	sadd.s32 s1, s30  }
0xba: {  	s0 =	sor.u32 s3, s0;
	s1 =	sshll.u32 s1, $0x11  }
0xbb: {  	s0 =	sor.u32 s1, s0  }
0xbc: {  	s0 =	sadd.s32 $0x8F2B, s0  }
0xbd: {  	[sflag:s0] =	ssyncadd.remote.s32 $0x1  }
0xbe: {  	_ =	sfence.sel $0xFFFF  }
0xbf: {  	[dreg:$0x0] =	wrdreg $0xFFFFFFFF;
	(pc) =	sbr.abs _section_cstart, $3  }
0xc0: {  	[dreg:$0x1] =	wrdreg $0xFFFFFFFF  }
0xc1: {  	_ =	task.clear_ibuf [dreg:s6], $0x2FFFF;
	_ =	strace $0x9FFFFFFF  }
0xc2: {  	(tm) =	ssettm $0x7FFFFFFF  }
0xc3: {  	_ =	shalt  }
tec
execute0_lowered:
.L_overlay_start_1:
0x0: {  	(tag) =	ssettag $0x1  }
0x1: {  	s6 =	rddreg [dreg:$0x0];
	s1 =	srdreg.scid  }
0x2: {  	s0 =	stileid.u32;
	s2 =	rddreg [dreg:$0x1]  }
0x3: {  	s3 =	simm.s32 $0x0;
	s18 =	simm.s32 $0x2900;
	s19 =	simm.s32 $0x2  }
0x4: {  	s20 =	simm.s32 $0x80;
	s21 =	simm.s32 $0x50;
	s4 =	smul.u32 $0x4E20, s0  }
0x5: {  	s22 =	simm.s32 $0x100;
	s23 =	simm.s32 $0x1;
	s8 =	smul.u32 $0x2800, s0  }
0x6: {  	s26 =	simm.s32 $0x0;
	s7 =	sand.u32 $0x1, s1;
	s10 =	smul.u32 $0x50000, s0  }
0x7: {  	[smem:$0x7FF] =	sst s3;
	s24 =	sshll.u32 s0, $0x6;
	s5 =	smul.u32 $0x2710, s7  }
0x8: {  	_ =	strace $0x80000053;
	s9 =	smul.u32 $0x28000, s7;
	s7 =	ssub.s32 $0x2, s7  }
0x9: {  	s24 =	sor.u32 $0x1C02, s24;
	s31 =	sshrl.u32 s7, $0x1;
	s10 =	sshrl.u32 s10, $0x2  }
0xa: {  	s5 =	sadd.s32 s5, s4;
	s4 =	sadd.s32 $0x4000, s6;
	s8 =	sadd.s32 s8, s9  }
0xb: {  	s15 =	ssub.s32 s7, s31;
	s5 =	sshrl.u32 s5, $0x3;
	s14 =	sadd.s32 s8, s6  }
0xc: {  	s17 =	sadd.s32 s5, s6;
	s5 =	sadd.s32 $0x2C000, s6;
	s6 =	sadd.s32 s10, s2  }
0xd: {  	s15 =	smax.u32 s15, $0x1;
	s14 =	sadd.s32 $0x40200, s14;
	s7 =	sadd.s32 $0x2800, s6  }
0xe: {  	s8 =	sadd.s32 $0x5000, s6;
	s9 =	sadd.s32 $0x7800, s6;
	s10 =	sadd.s32 $0xA000, s6  }
0xf: {  	s11 =	sadd.s32 $0xC800, s6;
	s12 =	sadd.s32 $0xF000, s6;
	s13 =	sadd.s32 $0x11800, s6  }
0x10: {  	s16 =	sadd.s32 $0x2C600, s17;
	s17 =	sadd.s32 $0x36400, s17;
	s25 =	sshrl.u32 s6, $0x3  }
.LBB2_1:
0x11: {  	[tilespmem:s18], [sflag:$0x2] =	stream.linear.gather [hbm4b:s5+s3], $0x2800, $0x38;
	[tilespmem:$0x19100] =	vst v63  }
0x12: {  	_ =	swait.ge [sflag:s19], $0x2800  }
0x13: {  	[sflag:s19] =	ssyncset.done $0x0  }
0x14: {  	[sflag:s19] =	ssyncadd.s32 $0xFFFFD800  }
0x15: {  	[spmem:s6] =	stream.linear.scatter [tilespmem:s18], [sflag:$0x2], $0x2800, $0x38;
	[tilespmem:$0x19100] =	vst v63  }
0x16: {  	_ =	swait.ge [sflag:s19], $0x2800  }
0x17: {  	[sflag:s19] =	ssyncset.done $0x0  }
0x18: {  	[sflag:s19] =	ssyncadd.s32 $0xFFFFD800  }
0x19: {  	[spmem:s7] =	stream.linear.scatter [tilespmem:s18], [sflag:$0x2], $0x2800, $0x38;
	[tilespmem:$0x19100] =	vst v63  }
0x1a: {  	_ =	swait.ge [sflag:s19], $0x2800  }
0x1b: {  	[sflag:s19] =	ssyncset.done $0x0  }
0x1c: {  	[sflag:s19] =	ssyncadd.s32 $0xFFFFD800  }
0x1d: {  	[spmem:s8] =	stream.linear.scatter [tilespmem:s18], [sflag:$0x2], $0x2800, $0x38;
	[tilespmem:$0x19100] =	vst v63  }
0x1e: {  	_ =	swait.ge [sflag:s19], $0x2800  }
0x1f: {  	[sflag:s19] =	ssyncset.done $0x0  }
0x20: {  	[sflag:s19] =	ssyncadd.s32 $0xFFFFD800  }
0x21: {  	[spmem:s9] =	stream.linear.scatter [tilespmem:s18], [sflag:$0x2], $0x2800, $0x38;
	[tilespmem:$0x19100] =	vst v63  }
0x22: {  	_ =	swait.ge [sflag:s19], $0x2800  }
0x23: {  	[sflag:s19] =	ssyncset.done $0x0  }
0x24: {  	[sflag:s19] =	ssyncadd.s32 $0xFFFFD800  }
0x25: {  	[spmem:s10] =	stream.linear.scatter [tilespmem:s18], [sflag:$0x2], $0x2800, $0x38;
	[tilespmem:$0x19100] =	vst v63  }
0x26: {  	_ =	swait.ge [sflag:s19], $0x2800  }
0x27: {  	[sflag:s19] =	ssyncset.done $0x0  }
0x28: {  	[sflag:s19] =	ssyncadd.s32 $0xFFFFD800  }
0x29: {  	[spmem:s11] =	stream.linear.scatter [tilespmem:s18], [sflag:$0x2], $0x2800, $0x38;
	[tilespmem:$0x19100] =	vst v63  }
0x2a: {  	_ =	swait.ge [sflag:s19], $0x2800  }
0x2b: {  	[sflag:s19] =	ssyncset.done $0x0  }
0x2c: {  	[sflag:s19] =	ssyncadd.s32 $0xFFFFD800  }
0x2d: {  	[spmem:s12] =	stream.linear.scatter [tilespmem:s18], [sflag:$0x2], $0x2800, $0x38;
	[tilespmem:$0x19100] =	vst v63  }
0x2e: {  	_ =	swait.ge [sflag:s19], $0x2800  }
0x2f: {  	[sflag:s19] =	ssyncset.done $0x0  }
0x30: {  	[sflag:s19] =	ssyncadd.s32 $0xFFFFD800  }
0x31: {  	[spmem:s13] =	stream.linear.scatter [tilespmem:s18], [sflag:$0x2], $0x2800, $0x38;
	[tilespmem:$0x19100] =	vst v63  }
0x32: {  	_ =	swait.ge [sflag:s19], $0x2800  }
0x33: {  	[sflag:s19] =	ssyncset.done $0x0  }
0x34: {  	[sflag:s19] =	ssyncadd.s32 $0xFFFFD800  }
0x35: {  	s28 =	sadd.s32 $0x0, s17;
	[bflag:$0x0] =	sbarrier.arrive $0xFFFF  }
0x36: {  	[tilespmem:s3], [sflag:$0x2] =	stream.linear.gather [hbm4b:s28+s3], $0x50, $0x38;
	[tilespmem:$0x19100] =	vst v63  }
0x37: {  	_ =	swait.ge [sflag:s19], $0x50  }
0x38: {  	[sflag:s19] =	ssyncset.done $0x0  }
0x39: {  	s28 =	sadd.s32 $0x0, s16;
	[sflag:s19] =	ssyncadd.s32 $0xFFFFFFB0  }
0x3a: {  	[tilespmem:s20], [sflag:$0x2] =	stream.linear.gather [hbm4b:s28+s3], $0x50, $0x38;
	[tilespmem:$0x19100] =	vst v63  }
0x3b: {  	_ =	swait.ge [sflag:s19], $0x50  }
0x3c: {  	[sflag:s19] =	ssyncset.done $0x0  }
0x3d: {  	[sflag:s19] =	ssyncadd.s32 $0xFFFFFFB0  }
0x3e: {  	[tilespmem:s22], [sflag:$0x1] =	stream.indirect.gather [hbm4b:s4+s21], $0x80, s3, s21, $0xb8;
	[tilespmem:$0x19100] =	vst v63  }
0x3f: {  	_ =	swait.ge [sflag:s23], $0x2800  }
0x40: {  	[sflag:s23] =	ssyncset.done $0x0  }
0x41: {  	[sflag:s23] =	ssyncadd.s32 $0xFFFFD800  }
0x42: {  	[spmem:s2] =	stream.indirect.scatter.add.f32 [tilespmem:s22], [sflag:$0x2], $0x80, s20, s21, $0xb8;
	[tilespmem:$0x19100] =	vst v63  }
0x43: {  	_ =	swait.ge [sflag:s19], $0x2800  }
0x44: {  	s29 =	simm.s32 $0x14;
	s28 =	simm.s32 $0xA;
	[sflag:s19] =	ssyncset.done $0x0  }
.LBB2_2:
0x45: {  	s30 =	sadd.s32 s28, s17  }
0x46: {  	[sflag:s19] =	ssyncadd.s32 $0xFFFFD800;
	s31 =	smov.u32 s29;
	s1 =	sadd.s32 $0xA, s29  }
0x47: {  	[tilespmem:s3], [sflag:$0x2] =	stream.linear.gather [hbm4b:s30+s3], $0x50, $0x38;
	[tilespmem:$0x19100] =	vst v63  }
0x48: {  	p0 =	sne.s32 s29, $0x4D8;
	_ =	swait.ge [sflag:s19], $0x50  }
0x49: {  	[sflag:s19] =	ssyncset.done $0x0  }
0x4a: {  	s29 =	sadd.s32 s28, s16;
	s28 =	smov.u32 s31;
	[sflag:s19] =	ssyncadd.s32 $0xFFFFFFB0  }
0x4b: {  	[tilespmem:s20], [sflag:$0x2] =	stream.linear.gather [hbm4b:s29+s3], $0x50, $0x38;
	[tilespmem:$0x19100] =	vst v63  }
0x4c: {  	_ =	swait.ge [sflag:s19], $0x50  }
0x4d: {  	[sflag:s19] =	ssyncset.done $0x0  }
0x4e: {  	[sflag:s19] =	ssyncadd.s32 $0xFFFFFFB0  }
0x4f: {  	[tilespmem:s22], [sflag:$0x1] =	stream.indirect.gather [hbm4b:s4+s21], $0x80, s3, s21, $0xb8;
	[tilespmem:$0x19100] =	vst v63  }
0x50: {  	_ =	swait.ge [sflag:s23], $0x2800  }
.Ltmp0:
0x51: {  	[sflag:s23] =	ssyncset.done $0x0;
	(pc) =	sbr.rel @p0 .LBB2_2-.Ltmp0, $4  }
0x52: {  	[sflag:s23] =	ssyncadd.s32 $0xFFFFD800  }
0x53: {  	[spmem:s2] =	stream.indirect.scatter.add.f32 [tilespmem:s22], [sflag:$0x2], $0x80, s20, s21, $0xb8;
	[tilespmem:$0x19100] =	vst v63  }
0x54: {  	_ =	swait.ge [sflag:s19], $0x2800  }
0x55: {  	s29 =	smov.u32 s1;
	[sflag:s19] =	ssyncset.done $0x0  }
0x56: {  	s1 =	sadd.s32 s28, s17;
	[sflag:s19] =	ssyncadd.s32 $0xFFFFD800  }
0x57: {  	[tilespmem:s3], [sflag:$0x2] =	stream.linear.gather [hbm4b:s1+s3], $0x50, $0x38;
	[tilespmem:$0x19100] =	vst v63  }
0x58: {  	_ =	swait.ge [sflag:s19], $0x50  }
0x59: {  	[sflag:s19] =	ssyncset.done $0x0  }
0x5a: {  	s31 =	sadd.s32 s28, s16;
	[sflag:s19] =	ssyncadd.s32 $0xFFFFFFB0  }
0x5b: {  	[tilespmem:s20], [sflag:$0x2] =	stream.linear.gather [hbm4b:s31+s3], $0x50, $0x38;
	[tilespmem:$0x19100] =	vst v63  }
0x5c: {  	_ =	swait.ge [sflag:s19], $0x50  }
0x5d: {  	[sflag:s19] =	ssyncset.done $0x0  }
0x5e: {  	[sflag:s19] =	ssyncadd.s32 $0xFFFFFFB0  }
0x5f: {  	[tilespmem:s22], [sflag:$0x1] =	stream.indirect.gather [hbm4b:s4+s21], $0x80, s3, s21, $0xb8;
	[tilespmem:$0x19100] =	vst v63  }
0x60: {  	_ =	swait.ge [sflag:s23], $0x2800  }
0x61: {  	[sflag:s23] =	ssyncset.done $0x0  }
0x62: {  	[sflag:s23] =	ssyncadd.s32 $0xFFFFD800  }
0x63: {  	[spmem:s2] =	stream.indirect.scatter.add.f32 [tilespmem:s22], [sflag:$0x2], $0x80, s20, s21, $0xb8;
	[tilespmem:$0x19100] =	vst v63  }
0x64: {  	_ =	swait.ge [sflag:s19], $0x2800  }
0x65: {  	s26 =	sadd.s32 $0x1, s26;
	[sflag:s19] =	ssyncset.done $0x0  }
0x66: {  	p0 =	sne.s32 s26, s15;
	[sflag:s19] =	ssyncadd.s32 $0xFFFFD800  }
.Ltmp1:
0x67: {  	[bflag:$0x0] =	sbarrier.arrive $0xFFFF;
	(pc) =	sbr.rel @p0 .LBB2_1-.Ltmp1, $4  }
0x68: {  	[hbm:s14], [sflag:s24] =	dma.local [spmem:s25], $0x2800  }
0x69: {  	_ =	swait.ge [sflag:s19], $0x2800  }
0x6a: {  	[sflag:s19] =	ssyncset.done $0x0  }
0x6b: {  	[sflag:s19] =	ssyncadd.s32 $0xFFFFD800  }
0x6c: {  	_ =	sfence.sel $0x180000  }
0x6d: {  	[bflag:$0x0] =	sbarrier.arrive $0xFFFF  }
0x6e: {  	_ =	strace $0x90000053  }
0x6f: {  	[bflag:$0x2] =	sbarrier.arrive $0xFFFF  }
0x70: {  	p0 =	sne.s32 s0, $0x0;
	s0 =	rddreg [dreg:$0x2]  }
0x71: {  	s0 =	sadd.s32 @!p0 $0x100000, s0  }
0x72: {  	[sflag:s0] =	ssyncadd.tile.s32 @!p0 $0x1;
	_ =	shalt  }
.Lfunc_end2:
_tile_overlayer_lowered:
.L_overlay_start_2:
0x73: {  	(tag) =	ssettag $0x2  }
0x74: {  	s0 =	rddreg [dreg:$0x0];
	s2 =	stileid.u32  }
0x75: {  	s1 =	rddreg [dreg:$0x1];
	p0 =	sne.s32 s2, $0x0  }
0x76: {  	s3 =	rddreg [dreg:$0x2];
	[bflag:$0x3] =	sbarrier.arrive $0xFFFF;
	s2 =	simm.s32 @!p0 $0x1C02  }
0x77: {  	[timem:s3], [sflag:s2] =	dma.local @!p0 [hbm:s0], s1  }
0x78: {  	s0 =	simm.s32 @!p0 $0x2  }
0x79: {  	_ =	swait.ge @!p0 [sflag:s0], s1  }
0x7a: {  	s1 =	ssub.s32 @!p0 $0x0, s1;
	[sflag:s0] =	ssyncset.done @!p0 $0x0  }
0x7b: {  	[sflag:s0] =	ssyncadd.s32 @!p0 s1  }
0x7c: {  	[bflag:$0x3] =	sbarrier.arrive $0xFFFF  }
0x7d: {  	_ =	shalt  }

</sc_bundles>
